<compile_context>
chip_gen: v7x
topology: tpu7x:2x2x1
jax: 0.10.2.dev20260603
libtpu: 0.0.44.dev20260713+nightly
codegen_flags: <defaults>
</compile_context>

<pallas_src>
import jax
import jax.numpy as jnp
from jax import lax
from jax.experimental import pallas as pl
from jax.experimental.pallas import tpu as pltpu
from jax.experimental.pallas import tpu_sc as plsc

N = 10000
E = 320000
D = 128

NC = 2
NS = 16
CH = 128
NCH = (E + NS * CH - 1) // (NS * CH)
EPT = NCH * CH
EPAD = NS * EPT - E
NP2 = 10240
HALF = 5120
NPH = 6144
RPT = NPH // NS
DRPT = NP2 // NS
EPS = 1e-5



def _degfilter_body(src_hbm, dst_hbm, deg_hbm, wsrc_hbm, wdst_hbm, cnt_hbm,
                    src_v, dst_v, wsrc_v, wdst_v, ones_v, zvec_v, cnt_v,
                    dsem, acc_sh):
    c = lax.axis_index("c")
    s = lax.axis_index("s")
    zero16 = jnp.zeros((16,), jnp.float32)
    one16 = jnp.ones((16,), jnp.float32)
    it = lax.iota(jnp.int32, 16)

    @pl.loop(0, DRPT // 16)
    def _zero(i):
        zvec_v[pl.ds(i * 16, 16)] = zero16

    for i in range(CH // 16):
        ones_v[pl.ds(i * 16, 16)] = one16

    pltpu.sync_copy(zvec_v, acc_sh.at[pl.ds(s * DRPT, DRPT)])
    pltpu.sync_copy(src_hbm.at[s], src_v)
    pltpu.sync_copy(dst_hbm.at[s], dst_v)

    svec = jnp.full((16,), s * 16, jnp.int32)
    trash_src = N + ((it + svec) & 127)
    trash_dst = HALF + ((it + svec) & 255)

    plsc.subcore_barrier()

    bvec = jnp.full((16,), c.astype(jnp.int32) * HALF, jnp.int32)

    @pl.loop(0, NCH, init_carry=jnp.int32(0))
    def _compact(j, off):
        pltpu.async_copy(ones_v, acc_sh.at[dst_v.at[j]], dsem, add=True)
        for jj in range(CH // 16):
            sv = src_v[j, pl.ds(jj * 16, 16)]
            dv = dst_v[j, pl.ds(jj * 16, 16)]
            idx = dv - bvec
            valid = (idx >= 0) & (idx < HALF)
            vi = jnp.where(valid, jnp.full((16,), 1, jnp.int32),
                           jnp.full((16,), 0, jnp.int32))
            pos = plsc.cumsum(vi) + jnp.full((16,), off - 1, jnp.int32)
            plsc.store_scatter(wsrc_v, [pos], sv, mask=valid)
            plsc.store_scatter(wdst_v, [pos], idx, mask=valid)
            off = off + jnp.sum(vi)

        @pl.when(j >= 8)
        def _drain_one():
            pltpu.make_async_copy(ones_v, acc_sh.at[dst_v.at[0]], dsem).wait()

        return off

    cnt = _compact
    for _ in range(8):
        pltpu.make_async_copy(ones_v, acc_sh.at[dst_v.at[0]], dsem).wait()

    limit = jnp.maximum(((cnt + CH - 1) // CH) * CH, CH)
    limitv = jnp.full((16,), limit, jnp.int32)
    for k in range(CH // 16):
        pos = it + jnp.full((16,), cnt + 16 * k, jnp.int32)
        m = pos < limitv
        plsc.store_scatter(wsrc_v, [pos], trash_src, mask=m)
        plsc.store_scatter(wdst_v, [pos], trash_dst, mask=m)

    cnt_v[pl.ds(0, 16)] = jnp.full((16,), cnt, jnp.int32)

    pltpu.sync_copy(wsrc_v, wsrc_hbm.at[c].at[s])
    pltpu.sync_copy(wdst_v, wdst_hbm.at[c].at[s])
    pltpu.sync_copy(cnt_v, cnt_hbm.at[c].at[s])

    plsc.subcore_barrier()
    pltpu.sync_copy(acc_sh.at[pl.ds(s * DRPT, DRPT)],
                    deg_hbm.at[c].at[pl.ds(s * DRPT, DRPT)])


def _conv_body(p_hbm, wsrc_hbm, wdst_hbm, cnt_hbm, out_hbm,
               wsrc_v, wdst_v, cnt_v, rows0, rows1, sem0, sem1, acc_sh):
    c = lax.axis_index("c")
    s = lax.axis_index("s")
    zero16 = jnp.zeros((16,), jnp.float32)

    @pl.loop(0, CH)
    def _zrow(i):
        for jj in range(D // 16):
            rows0[i, pl.ds(jj * 16, 16)] = zero16

    for k in range(RPT // CH):
        pltpu.sync_copy(rows0, acc_sh.at[pl.ds(s * RPT + k * CH, CH)])

    pltpu.sync_copy(wsrc_hbm.at[c].at[s], wsrc_v)
    pltpu.sync_copy(wdst_hbm.at[c].at[s], wdst_v)
    pltpu.sync_copy(cnt_hbm.at[c].at[s], cnt_v)

    cnt = cnt_v[pl.ds(0, 16)][0]
    ncd = jnp.maximum((cnt + CH - 1) // CH, 1)

    plsc.subcore_barrier()

    pltpu.async_copy(p_hbm.at[wsrc_v.at[0]], rows0, sem0)

    @pl.loop(0, ncd)
    def _pipe(j):
        even = lax.rem(j, 2) == 0

        @pl.when(j + 1 < ncd)
        def _nxt():
            @pl.when(even)
            def _():
                pltpu.async_copy(p_hbm.at[wsrc_v.at[j + 1]], rows1, sem1)

            @pl.when(jnp.logical_not(even))
            def _():
                pltpu.async_copy(p_hbm.at[wsrc_v.at[j + 1]], rows0, sem0)

        @pl.when(even)
        def _do_even():
            pltpu.make_async_copy(p_hbm.at[wsrc_v.at[j]], rows0, sem0).wait()
            pltpu.sync_copy(rows0, acc_sh.at[wdst_v.at[j]], add=True)

        @pl.when(jnp.logical_not(even))
        def _do_odd():
            pltpu.make_async_copy(p_hbm.at[wsrc_v.at[j]], rows1, sem1).wait()
            pltpu.sync_copy(rows1, acc_sh.at[wdst_v.at[j]], add=True)

    plsc.subcore_barrier()
    pltpu.sync_copy(acc_sh.at[pl.ds(s * RPT, RPT)],
                    out_hbm.at[c].at[pl.ds(s * RPT, RPT)])


def _make_sc_calls():
    mesh = plsc.VectorSubcoreMesh(core_axis_name="c", subcore_axis_name="s")
    degfilter_call = pl.kernel(
        _degfilter_body,
        compiler_params=pltpu.CompilerParams(needs_layout_passes=False),
        out_type=(
            jax.ShapeDtypeStruct((NC, NP2), jnp.float32),
            jax.ShapeDtypeStruct((NC, NS, EPT), jnp.int32),
            jax.ShapeDtypeStruct((NC, NS, EPT), jnp.int32),
            jax.ShapeDtypeStruct((NC, NS, 16), jnp.int32),
        ),
        mesh=mesh,
        scratch_types=[
            pltpu.VMEM((NCH, CH), jnp.int32),
            pltpu.VMEM((NCH, CH), jnp.int32),
            pltpu.VMEM((EPT,), jnp.int32),
            pltpu.VMEM((EPT,), jnp.int32),
            pltpu.VMEM((CH,), jnp.float32),
            pltpu.VMEM((DRPT,), jnp.float32),
            pltpu.VMEM((16,), jnp.int32),
            pltpu.SemaphoreType.DMA,
            pltpu.VMEM_SHARED((NP2,), jnp.float32),
        ],
    )
    conv_call = pl.kernel(
        _conv_body,
        out_type=jax.ShapeDtypeStruct((NC, NPH, D), jnp.float32),
        mesh=mesh,
        scratch_types=[
            pltpu.VMEM((NCH, CH), jnp.int32),
            pltpu.VMEM((NCH, CH), jnp.int32),
            pltpu.VMEM((16,), jnp.int32),
            pltpu.VMEM((CH, D), jnp.float32),
            pltpu.VMEM((CH, D), jnp.float32),
            pltpu.SemaphoreType.DMA,
            pltpu.SemaphoreType.DMA,
            pltpu.VMEM_SHARED((NPH, D), jnp.float32),
        ],
    )
    return degfilter_call, conv_call



def _dinv_from(degp_ref):
    deg = degp_ref[0, :N] + 1.0
    return lax.rsqrt(deg)[:, None]


def _stitch(s_ref):
    return jnp.concatenate([s_ref[0, :HALF, :], s_ref[1, :N - HALF, :]], axis=0)


def _tc1_body(x_ref, mask_ref, wenc_ref, w1_ref, dec_ref, degp_ref, p1_ref):
    dinv = _dinv_from(degp_ref)
    h = jnp.dot(x_ref[...], wenc_ref[...], preferred_element_type=jnp.float32)
    h = jnp.where(mask_ref[...] == 0, dec_ref[...], h)
    p1_ref[:N, :] = jnp.dot(h, w1_ref[...],
                            preferred_element_type=jnp.float32) * dinv
    p1_ref[N:, :] = jnp.zeros((NP2 - N, D), jnp.float32)


def _ln_prelu(s, g_ref, be_ref, alpha_ref):
    mu = jnp.mean(s, axis=-1, keepdims=True)
    xc = s - mu
    var = jnp.mean(xc * xc, axis=-1, keepdims=True)
    o = xc * lax.rsqrt(var + EPS) * g_ref[...] + be_ref[...]
    return jnp.where(o > 0, o, alpha_ref[0, 0] * o)


def _tc2_body(s_ref, p1_ref, degp_ref, b1_ref, g1_ref, be1_ref, alpha_ref,
              w2_ref, p2_ref):
    dinv = _dinv_from(degp_ref)
    t = (_stitch(s_ref) + p1_ref[:N, :]) * dinv + b1_ref[...]
    o = _ln_prelu(t, g1_ref, be1_ref, alpha_ref)
    p2_ref[:N, :] = jnp.dot(o, w2_ref[...],
                            preferred_element_type=jnp.float32) * dinv
    p2_ref[N:, :] = jnp.zeros((NP2 - N, D), jnp.float32)


def _tc3_body(s_ref, p2_ref, degp_ref, b2_ref, g2_ref, be2_ref, alpha_ref,
              wout_ref, bout_ref, out_ref):
    dinv = _dinv_from(degp_ref)
    t = (_stitch(s_ref) + p2_ref[:N, :]) * dinv + b2_ref[...]
    o = _ln_prelu(t, g2_ref, be2_ref, alpha_ref)
    out_ref[...] = jnp.dot(o, wout_ref[...],
                           preferred_element_type=jnp.float32) + bout_ref[...]



def kernel(x, edge_index, mask_vector, W_enc, dec_token, W1, b1, g1, beta1,
           alpha, W2, b2, g2, beta2, W_out, b_out):
    pad_idx = N + (jnp.arange(EPAD, dtype=jnp.int32) % (NP2 - N))
    src_p = jnp.concatenate([edge_index[0], pad_idx]).reshape(NS, NCH, CH)
    dst_p = jnp.concatenate([edge_index[1], pad_idx]).reshape(NS, NCH, CH)

    degfilter_call, conv_call = _make_sc_calls()

    degp, wsrc, wdst, cnt = degfilter_call(src_p, dst_p)
    wsrc = wsrc.reshape(NC, NS, NCH, CH)
    wdst = wdst.reshape(NC, NS, NCH, CH)

    p1 = pl.pallas_call(
        _tc1_body,
        out_shape=jax.ShapeDtypeStruct((NP2, D), jnp.float32),
    )(x, mask_vector, W_enc, W1, dec_token, degp)

    s1 = conv_call(p1, wsrc, wdst, cnt)

    b1r = b1.reshape(1, D)
    g1r = g1.reshape(1, D)
    be1r = beta1.reshape(1, D)
    alphar = alpha.reshape(1, 1)
    p2 = pl.pallas_call(
        _tc2_body,
        out_shape=jax.ShapeDtypeStruct((NP2, D), jnp.float32),
    )(s1, p1, degp, b1r, g1r, be1r, alphar, W2)

    s2 = conv_call(p2, wsrc, wdst, cnt)

    out = pl.pallas_call(
        _tc3_body,
        out_shape=jax.ShapeDtypeStruct((N, D), jnp.float32),
    )(s2, p2, degp, b2.reshape(1, D), g2.reshape(1, D), beta2.reshape(1, D),
      alphar, W_out, b_out.reshape(1, D))
    return out

# --- scband reference (transcript-rebuilt; emitter-appended) ---
"""Pipeline reference for scband-gnndecoder-46978352284504 (READ-ONLY COPY).

The authoritative reference and input builder live on the scoring server;
editing this copy changes nothing except your own understanding.
"""

import jax, jax.numpy as jnp
import numpy as np

N = 10000
E = 320000
D = 128

def layer_norm(x, g, b, eps=1e-5):
    mu = jnp.mean(x, axis=-1, keepdims=True)
    var = jnp.var(x, axis=-1, keepdims=True)
    return (x - mu) / jnp.sqrt(var + eps) * g + b

def prelu(x, a):
    return jnp.where(x > 0, x, a * x)

def gcn_conv(x, edge_index, W, b):
    # PyG-style GCNConv: add self-loops, symmetric degree normalization, scatter-add
    n = x.shape[0]
    loop = jnp.arange(n, dtype=edge_index.dtype)
    src = jnp.concatenate([edge_index[0], loop])
    dst = jnp.concatenate([edge_index[1], loop])
    deg = jnp.zeros((n,), dtype=x.dtype).at[dst].add(1.0)
    dinv = jnp.where(deg > 0, deg ** -0.5, 0.0)
    norm = dinv[src] * dinv[dst]
    h = x @ W
    msg = h[src] * norm[:, None]
    out = jnp.zeros((n, W.shape[1]), dtype=x.dtype).at[dst].add(msg)
    return out + b

def setup_inputs(seed: int = 0):
    key = jax.random.key(seed)
    ks = jax.random.split(key, 12)
    s = 1.0 / np.sqrt(D)
    inp = {}
    inp["x"] = jax.random.normal(ks[0], (N, D), dtype=jnp.float32)
    inp["edge_index"] = jax.random.randint(ks[1], (2, E), 0, N, dtype=jnp.int32)
    inp["mask_vector"] = jax.random.randint(ks[2], (N, 1), 0, 2, dtype=jnp.int32)
    # parameters
    inp["W_enc"] = jax.random.normal(ks[3], (D, D), dtype=jnp.float32) * s  # enc_to_dec (no bias)
    inp["dec_token"] = jnp.zeros((1, D), dtype=jnp.float32)
    inp["W1"] = jax.random.normal(ks[4], (D, D), dtype=jnp.float32) * s
    inp["b1"] = jnp.zeros((D,), dtype=jnp.float32)
    inp["g1"] = jnp.ones((D,), dtype=jnp.float32)
    inp["beta1"] = jnp.zeros((D,), dtype=jnp.float32)
    inp["alpha"] = jnp.full((1,), 0.25, dtype=jnp.float32)  # PReLU shared weight
    inp["W2"] = jax.random.normal(ks[5], (D, D), dtype=jnp.float32) * s
    inp["b2"] = jnp.zeros((D,), dtype=jnp.float32)
    inp["g2"] = jnp.ones((D,), dtype=jnp.float32)
    inp["beta2"] = jnp.zeros((D,), dtype=jnp.float32)
    inp["W_out"] = jax.random.normal(ks[6], (D, D), dtype=jnp.float32) * s
    inp["b_out"] = jnp.zeros((D,), dtype=jnp.float32)
    return inp

def reference(x, edge_index, mask_vector, W_enc, dec_token, W1, b1, g1, beta1, alpha, W2, b2, g2, beta2, W_out, b_out):
    h = x @ W_enc
    mask = jnp.squeeze(mask_vector)
    h = jnp.where((mask == 0)[:, None], dec_token, h)
    o = gcn_conv(h, edge_index, W1, b1)
    o = layer_norm(o, g1, beta1)
    o = prelu(o, alpha)
    o = gcn_conv(o, edge_index, W2, b2)
    o = layer_norm(o, g2, beta2)
    o = prelu(o, alpha)
    o = o @ W_out + b_out
    return o

if __name__ == "__main__":
    import jax
    _d = setup_inputs()
    print(jax.jit(kernel)(*tuple(_d.values())))

</pallas_src>

<mosaic_0001>
#map = affine_map<(d0, d1) -> (0, 0)>
#map1 = affine_map<(d0, d1) -> (0, 0, 0, 0)>
#map2 = affine_map<(d0, d1) -> (0, 0, 0)>
module attributes {stable_mosaic.version = 14 : i64} {
  func.func @_conv_body(%arg0: i32, %arg1: i32, %arg2: memref<10240x128xf32, #tpu.memory_space<hbm>>, %arg3: memref<2x16x157x128xi32, #tpu.memory_space<hbm>>, %arg4: memref<2x16x157x128xi32, #tpu.memory_space<hbm>>, %arg5: memref<2x16x16xi32, #tpu.memory_space<hbm>>, %arg6: memref<2x6144x128xf32, #tpu.memory_space<hbm>>, %arg7: memref<157x128xi32, #tpu.memory_space<vmem>>, %arg8: memref<157x128xi32, #tpu.memory_space<vmem>>, %arg9: memref<16xi32, #tpu.memory_space<vmem>>, %arg10: memref<128x128xf32, #tpu.memory_space<vmem>>, %arg11: memref<128x128xf32, #tpu.memory_space<vmem>>, %arg12: memref<!tpu.dma_semaphore, #tpu.memory_space<semaphore_mem>>, %arg13: memref<!tpu.dma_semaphore, #tpu.memory_space<semaphore_mem>>, %arg14: memref<6144x128xf32, #tpu.memory_space<vmem_shared>>) attributes {dimension_semantics = [#tpu.dimension_semantics<core_parallel>, #tpu.dimension_semantics<subcore_parallel>], iteration_bounds = array<i64: 2, 16>, scalar_prefetch = 0 : i64, scratch_operands = 8 : i64, tpu.core_type = #tpu.core_type<sc_vector_subcore>, window_params = [{transform_indices = #map}, {transform_indices = #map1}, {transform_indices = #map1}, {transform_indices = #map2}, {transform_indices = #map2}]} {
    %broadcast_in_dim3A = arith.constant 0.000000e+00 : f32
    %broadcast_in_dim3A_0 = vector.broadcast %broadcast_in_dim3A : f32 to vector<16xf32>
    %scan3A = arith.constant 0 : i32
    %scan3A_1 = arith.constant 128 : i32
    %scan3A_2 = arith.addi %scan3A, %scan3A_1 : i32
    %scan3A_3 = arith.constant 1 : i32
    scf.for %scan3A_67 = %scan3A to %scan3A_2 step %scan3A_3  : i32 {
      %mul3A_68 = arith.constant 1 : i32
      %mul3A_69 = arith.muli %scan3A_67, %mul3A_68 : i32
      %add3A_70 = arith.constant 0 : i32
      %add3A_71 = arith.addi %add3A_70, %mul3A_69 : i32
      %swap3A = arith.index_cast %add3A_71 : i32 to index
      %swap3A_72 = arith.constant 0 : index
      %swap3A_73 = tpu.vector_load %arg10[%swap3A, %swap3A_72] {strides = array<i32>} : memref<128x128xf32, #tpu.memory_space<vmem>>, vector<1x16xf32>,
      %swap3A_74 = vector.shape_cast %swap3A_73 : vector<1x16xf32> to vector<16xf32>
      %swap3A_75 = vector.shape_cast %broadcast_in_dim3A_0 : vector<16xf32> to vector<1x16xf32>
      tpu.vector_store %arg10[%swap3A, %swap3A_72], %swap3A_75 {strides = array<i32>} : memref<128x128xf32, #tpu.memory_space<vmem>>, vector<1x16xf32>,
      %swap3A_76 = arith.index_cast %add3A_71 : i32 to index
      %swap3A_77 = arith.constant 16 : index
      %swap3A_78 = tpu.vector_load %arg10[%swap3A_76, %swap3A_77] {strides = array<i32>} : memref<128x128xf32, #tpu.memory_space<vmem>>, vector<1x16xf32>,
      %swap3A_79 = vector.shape_cast %swap3A_78 : vector<1x16xf32> to vector<16xf32>
      %swap3A_80 = vector.shape_cast %broadcast_in_dim3A_0 : vector<16xf32> to vector<1x16xf32>
      tpu.vector_store %arg10[%swap3A_76, %swap3A_77], %swap3A_80 {strides = array<i32>} : memref<128x128xf32, #tpu.memory_space<vmem>>, vector<1x16xf32>,
      %swap3A_81 = arith.index_cast %add3A_71 : i32 to index
      %swap3A_82 = arith.constant 32 : index
      %swap3A_83 = tpu.vector_load %arg10[%swap3A_81, %swap3A_82] {strides = array<i32>} : memref<128x128xf32, #tpu.memory_space<vmem>>, vector<1x16xf32>,
      %swap3A_84 = vector.shape_cast %swap3A_83 : vector<1x16xf32> to vector<16xf32>
      %swap3A_85 = vector.shape_cast %broadcast_in_dim3A_0 : vector<16xf32> to vector<1x16xf32>
      tpu.vector_store %arg10[%swap3A_81, %swap3A_82], %swap3A_85 {strides = array<i32>} : memref<128x128xf32, #tpu.memory_space<vmem>>, vector<1x16xf32>,
      %swap3A_86 = arith.index_cast %add3A_71 : i32 to index
      %swap3A_87 = arith.constant 48 : index
      %swap3A_88 = tpu.vector_load %arg10[%swap3A_86, %swap3A_87] {strides = array<i32>} : memref<128x128xf32, #tpu.memory_space<vmem>>, vector<1x16xf32>,
      %swap3A_89 = vector.shape_cast %swap3A_88 : vector<1x16xf32> to vector<16xf32>
      %swap3A_90 = vector.shape_cast %broadcast_in_dim3A_0 : vector<16xf32> to vector<1x16xf32>
      tpu.vector_store %arg10[%swap3A_86, %swap3A_87], %swap3A_90 {strides = array<i32>} : memref<128x128xf32, #tpu.memory_space<vmem>>, vector<1x16xf32>,
      %swap3A_91 = arith.index_cast %add3A_71 : i32 to index
      %swap3A_92 = arith.constant 64 : index
      %swap3A_93 = tpu.vector_load %arg10[%swap3A_91, %swap3A_92] {strides = array<i32>} : memref<128x128xf32, #tpu.memory_space<vmem>>, vector<1x16xf32>,
      %swap3A_94 = vector.shape_cast %swap3A_93 : vector<1x16xf32> to vector<16xf32>
      %swap3A_95 = vector.shape_cast %broadcast_in_dim3A_0 : vector<16xf32> to vector<1x16xf32>
      tpu.vector_store %arg10[%swap3A_91, %swap3A_92], %swap3A_95 {strides = array<i32>} : memref<128x128xf32, #tpu.memory_space<vmem>>, vector<1x16xf32>,
      %swap3A_96 = arith.index_cast %add3A_71 : i32 to index
      %swap3A_97 = arith.constant 80 : index
      %swap3A_98 = tpu.vector_load %arg10[%swap3A_96, %swap3A_97] {strides = array<i32>} : memref<128x128xf32, #tpu.memory_space<vmem>>, vector<1x16xf32>,
      %swap3A_99 = vector.shape_cast %swap3A_98 : vector<1x16xf32> to vector<16xf32>
      %swap3A_100 = vector.shape_cast %broadcast_in_dim3A_0 : vector<16xf32> to vector<1x16xf32>
      tpu.vector_store %arg10[%swap3A_96, %swap3A_97], %swap3A_100 {strides = array<i32>} : memref<128x128xf32, #tpu.memory_space<vmem>>, vector<1x16xf32>,
      %swap3A_101 = arith.index_cast %add3A_71 : i32 to index
      %swap3A_102 = arith.constant 96 : index
      %swap3A_103 = tpu.vector_load %arg10[%swap3A_101, %swap3A_102] {strides = array<i32>} : memref<128x128xf32, #tpu.memory_space<vmem>>, vector<1x16xf32>,
      %swap3A_104 = vector.shape_cast %swap3A_103 : vector<1x16xf32> to vector<16xf32>
      %swap3A_105 = vector.shape_cast %broadcast_in_dim3A_0 : vector<16xf32> to vector<1x16xf32>
      tpu.vector_store %arg10[%swap3A_101, %swap3A_102], %swap3A_105 {strides = array<i32>} : memref<128x128xf32, #tpu.memory_space<vmem>>, vector<1x16xf32>,
      %swap3A_106 = arith.index_cast %add3A_71 : i32 to index
      %swap3A_107 = arith.constant 112 : index
      %swap3A_108 = tpu.vector_load %arg10[%swap3A_106, %swap3A_107] {strides = array<i32>} : memref<128x128xf32, #tpu.memory_space<vmem>>, vector<1x16xf32>,
      %swap3A_109 = vector.shape_cast %swap3A_108 : vector<1x16xf32> to vector<16xf32>
      %swap3A_110 = vector.shape_cast %broadcast_in_dim3A_0 : vector<16xf32> to vector<1x16xf32>
      tpu.vector_store %arg10[%swap3A_106, %swap3A_107], %swap3A_110 {strides = array<i32>} : memref<128x128xf32, #tpu.memory_space<vmem>>, vector<1x16xf32>,
    }
    %scan3A_4 = arith.constant 128 : i32
    %mul3A = arith.constant 384 : i32
    %mul3A_5 = arith.muli %arg1, %mul3A : i32
    %add3A = arith.constant 0 : i32
    %add3A_6 = arith.addi %mul3A_5, %add3A : i32
    "tpu.region"() ({
      %run_scoped3A = tpu.sem_alloc : memref<!tpu.dma_semaphore, #tpu.memory_space<semaphore_mem>>
      %dma_start3A_67 = arith.constant 0 : i32
      %dma_start3A_68 = tpu.memref_slice %arg14[%add3A_6, %dma_start3A_67] : memref<6144x128xf32, #tpu.memory_space<vmem_shared>> -> memref<128x128xf32, #tpu.memory_space<vmem_shared>>
      %dma_start3A_69 = arith.constant 0 : i32
      %dma_start3A_70 = tpu.memref_slice %arg14[%add3A_6, %dma_start3A_69] : memref<6144x128xf32, #tpu.memory_space<vmem_shared>> -> memref<128x128xf32, #tpu.memory_space<vmem_shared>>
      tpu.enqueue_dma source(%arg10 : memref<128x128xf32, #tpu.memory_space<vmem>>) target(%dma_start3A_70 : memref<128x128xf32, #tpu.memory_space<vmem_shared>>) target_semaphore(%run_scoped3A : memref<!tpu.dma_semaphore, #tpu.memory_space<semaphore_mem>>)
      %dma_wait3A = arith.constant 0 : i32
      %dma_wait3A_71 = tpu.memref_slice %arg14[%add3A_6, %dma_wait3A] : memref<6144x128xf32, #tpu.memory_space<vmem_shared>> -> memref<128x128xf32, #tpu.memory_space<vmem_shared>>
      %dma_wait3A_72 = arith.constant 0 : i32
      %dma_wait3A_73 = tpu.memref_slice %arg14[%add3A_6, %dma_wait3A_72] : memref<6144x128xf32, #tpu.memory_space<vmem_shared>> -> memref<128x128xf32, #tpu.memory_space<vmem_shared>>
      tpu.wait_dma2 semaphore(%run_scoped3A : memref<!tpu.dma_semaphore, #tpu.memory_space<semaphore_mem>>) src(%arg10 : memref<128x128xf32, #tpu.memory_space<vmem>>) dst(%dma_wait3A_73 : memref<128x128xf32, #tpu.memory_space<vmem_shared>>)
      tpu.yield
    }) : () -> ()
    %mul3A_7 = arith.constant 384 : i32
    %mul3A_8 = arith.muli %arg1, %mul3A_7 : i32
    %add3A_9 = arith.constant 128 : i32
    %add3A_10 = arith.addi %mul3A_8, %add3A_9 : i32
    "tpu.region"() ({
      %run_scoped3A = tpu.sem_alloc : memref<!tpu.dma_semaphore, #tpu.memory_space<semaphore_mem>>
      %dma_start3A_67 = arith.constant 0 : i32
      %dma_start3A_68 = tpu.memref_slice %arg14[%add3A_10, %dma_start3A_67] : memref<6144x128xf32, #tpu.memory_space<vmem_shared>> -> memref<128x128xf32, #tpu.memory_space<vmem_shared>>
      %dma_start3A_69 = arith.constant 0 : i32
      %dma_start3A_70 = tpu.memref_slice %arg14[%add3A_10, %dma_start3A_69] : memref<6144x128xf32, #tpu.memory_space<vmem_shared>> -> memref<128x128xf32, #tpu.memory_space<vmem_shared>>
      tpu.enqueue_dma source(%arg10 : memref<128x128xf32, #tpu.memory_space<vmem>>) target(%dma_start3A_70 : memref<128x128xf32, #tpu.memory_space<vmem_shared>>) target_semaphore(%run_scoped3A : memref<!tpu.dma_semaphore, #tpu.memory_space<semaphore_mem>>)
      %dma_wait3A = arith.constant 0 : i32
      %dma_wait3A_71 = tpu.memref_slice %arg14[%add3A_10, %dma_wait3A] : memref<6144x128xf32, #tpu.memory_space<vmem_shared>> -> memref<128x128xf32, #tpu.memory_space<vmem_shared>>
      %dma_wait3A_72 = arith.constant 0 : i32
      %dma_wait3A_73 = tpu.memref_slice %arg14[%add3A_10, %dma_wait3A_72] : memref<6144x128xf32, #tpu.memory_space<vmem_shared>> -> memref<128x128xf32, #tpu.memory_space<vmem_shared>>
      tpu.wait_dma2 semaphore(%run_scoped3A : memref<!tpu.dma_semaphore, #tpu.memory_space<semaphore_mem>>) src(%arg10 : memref<128x128xf32, #tpu.memory_space<vmem>>) dst(%dma_wait3A_73 : memref<128x128xf32, #tpu.memory_space<vmem_shared>>)
      tpu.yield
    }) : () -> ()
    %mul3A_11 = arith.constant 384 : i32
    %mul3A_12 = arith.muli %arg1, %mul3A_11 : i32
    %add3A_13 = arith.constant 256 : i32
    %add3A_14 = arith.addi %mul3A_12, %add3A_13 : i32
    "tpu.region"() ({
      %run_scoped3A = tpu.sem_alloc : memref<!tpu.dma_semaphore, #tpu.memory_space<semaphore_mem>>
      %dma_start3A_67 = arith.constant 0 : i32
      %dma_start3A_68 = tpu.memref_slice %arg14[%add3A_14, %dma_start3A_67] : memref<6144x128xf32, #tpu.memory_space<vmem_shared>> -> memref<128x128xf32, #tpu.memory_space<vmem_shared>>
      %dma_start3A_69 = arith.constant 0 : i32
      %dma_start3A_70 = tpu.memref_slice %arg14[%add3A_14, %dma_start3A_69] : memref<6144x128xf32, #tpu.memory_space<vmem_shared>> -> memref<128x128xf32, #tpu.memory_space<vmem_shared>>
      tpu.enqueue_dma source(%arg10 : memref<128x128xf32, #tpu.memory_space<vmem>>) target(%dma_start3A_70 : memref<128x128xf32, #tpu.memory_space<vmem_shared>>) target_semaphore(%run_scoped3A : memref<!tpu.dma_semaphore, #tpu.memory_space<semaphore_mem>>)
      %dma_wait3A = arith.constant 0 : i32
      %dma_wait3A_71 = tpu.memref_slice %arg14[%add3A_14, %dma_wait3A] : memref<6144x128xf32, #tpu.memory_space<vmem_shared>> -> memref<128x128xf32, #tpu.memory_space<vmem_shared>>
      %dma_wait3A_72 = arith.constant 0 : i32
      %dma_wait3A_73 = tpu.memref_slice %arg14[%add3A_14, %dma_wait3A_72] : memref<6144x128xf32, #tpu.memory_space<vmem_shared>> -> memref<128x128xf32, #tpu.memory_space<vmem_shared>>
      tpu.wait_dma2 semaphore(%run_scoped3A : memref<!tpu.dma_semaphore, #tpu.memory_space<semaphore_mem>>) src(%arg10 : memref<128x128xf32, #tpu.memory_space<vmem>>) dst(%dma_wait3A_73 : memref<128x128xf32, #tpu.memory_space<vmem_shared>>)
      tpu.yield
    }) : () -> ()
    "tpu.region"() ({
      %run_scoped3A = tpu.sem_alloc : memref<!tpu.dma_semaphore, #tpu.memory_space<semaphore_mem>>
      %dma_start3A_67 = arith.constant 0 : i32
      %dma_start3A_68 = arith.constant 0 : i32
      %dma_start3A_69 = arith.constant 0 : i32
      %dma_start3A_70 = tpu.memref_slice %arg3[%arg0, %dma_start3A_67, %dma_start3A_68, %dma_start3A_69] : memref<2x16x157x128xi32, #tpu.memory_space<hbm>> -> memref<1x16x157x128xi32, #tpu.memory_space<hbm>>
      %dma_start3A_71 = tpu.memref_squeeze %dma_start3A_70 : memref<1x16x157x128xi32, #tpu.memory_space<hbm>> -> memref<16x157x128xi32, #tpu.memory_space<hbm>>
      %dma_start3A_72 = arith.constant 0 : i32
      %dma_start3A_73 = arith.constant 0 : i32
      %dma_start3A_74 = tpu.memref_slice %dma_start3A_71[%arg1, %dma_start3A_72, %dma_start3A_73] : memref<16x157x128xi32, #tpu.memory_space<hbm>> -> memref<1x157x128xi32, #tpu.memory_space<hbm>>
      %dma_start3A_75 = tpu.memref_squeeze %dma_start3A_74 : memref<1x157x128xi32, #tpu.memory_space<hbm>> -> memref<157x128xi32, #tpu.memory_space<hbm>>
      %dma_start3A_76 = arith.constant 0 : i32
      %dma_start3A_77 = arith.constant 0 : i32
      %dma_start3A_78 = arith.constant 0 : i32
      %dma_start3A_79 = tpu.memref_slice %arg3[%arg0, %dma_start3A_76, %dma_start3A_77, %dma_start3A_78] : memref<2x16x157x128xi32, #tpu.memory_space<hbm>> -> memref<1x16x157x128xi32, #tpu.memory_space<hbm>>
      %dma_start3A_80 = tpu.memref_squeeze %dma_start3A_79 : memref<1x16x157x128xi32, #tpu.memory_space<hbm>> -> memref<16x157x128xi32, #tpu.memory_space<hbm>>
      %dma_start3A_81 = arith.constant 0 : i32
      %dma_start3A_82 = arith.constant 0 : i32
      %dma_start3A_83 = tpu.memref_slice %dma_start3A_80[%arg1, %dma_start3A_81, %dma_start3A_82] : memref<16x157x128xi32, #tpu.memory_space<hbm>> -> memref<1x157x128xi32, #tpu.memory_space<hbm>>
      %dma_start3A_84 = tpu.memref_squeeze %dma_start3A_83 : memref<1x157x128xi32, #tpu.memory_space<hbm>> -> memref<157x128xi32, #tpu.memory_space<hbm>>
      tpu.enqueue_dma source(%dma_start3A_84 : memref<157x128xi32, #tpu.memory_space<hbm>>) target(%arg7 : memref<157x128xi32, #tpu.memory_space<vmem>>) target_semaphore(%run_scoped3A : memref<!tpu.dma_semaphore, #tpu.memory_space<semaphore_mem>>)
      %dma_wait3A = arith.constant 0 : i32
      %dma_wait3A_85 = arith.constant 0 : i32
      %dma_wait3A_86 = arith.constant 0 : i32
      %dma_wait3A_87 = tpu.memref_slice %arg3[%arg0, %dma_wait3A, %dma_wait3A_85, %dma_wait3A_86] : memref<2x16x157x128xi32, #tpu.memory_space<hbm>> -> memref<1x16x157x128xi32, #tpu.memory_space<hbm>>
      %dma_wait3A_88 = tpu.memref_squeeze %dma_wait3A_87 : memref<1x16x157x128xi32, #tpu.memory_space<hbm>> -> memref<16x157x128xi32, #tpu.memory_space<hbm>>
      %dma_wait3A_89 = arith.constant 0 : i32
      %dma_wait3A_90 = arith.constant 0 : i32
      %dma_wait3A_91 = tpu.memref_slice %dma_wait3A_88[%arg1, %dma_wait3A_89, %dma_wait3A_90] : memref<16x157x128xi32, #tpu.memory_space<hbm>> -> memref<1x157x128xi32, #tpu.memory_space<hbm>>
      %dma_wait3A_92 = tpu.memref_squeeze %dma_wait3A_91 : memref<1x157x128xi32, #tpu.memory_space<hbm>> -> memref<157x128xi32, #tpu.memory_space<hbm>>
      %dma_wait3A_93 = arith.constant 0 : i32
      %dma_wait3A_94 = arith.constant 0 : i32
      %dma_wait3A_95 = arith.constant 0 : i32
      %dma_wait3A_96 = tpu.memref_slice %arg3[%arg0, %dma_wait3A_93, %dma_wait3A_94, %dma_wait3A_95] : memref<2x16x157x128xi32, #tpu.memory_space<hbm>> -> memref<1x16x157x128xi32, #tpu.memory_space<hbm>>
      %dma_wait3A_97 = tpu.memref_squeeze %dma_wait3A_96 : memref<1x16x157x128xi32, #tpu.memory_space<hbm>> -> memref<16x157x128xi32, #tpu.memory_space<hbm>>
      %dma_wait3A_98 = arith.constant 0 : i32
      %dma_wait3A_99 = arith.constant 0 : i32
      %dma_wait3A_100 = tpu.memref_slice %dma_wait3A_97[%arg1, %dma_wait3A_98, %dma_wait3A_99] : memref<16x157x128xi32, #tpu.memory_space<hbm>> -> memref<1x157x128xi32, #tpu.memory_space<hbm>>
      %dma_wait3A_101 = tpu.memref_squeeze %dma_wait3A_100 : memref<1x157x128xi32, #tpu.memory_space<hbm>> -> memref<157x128xi32, #tpu.memory_space<hbm>>
      tpu.wait_dma2 semaphore(%run_scoped3A : memref<!tpu.dma_semaphore, #tpu.memory_space<semaphore_mem>>) src(%dma_wait3A_101 : memref<157x128xi32, #tpu.memory_space<hbm>>) dst(%arg7 : memref<157x128xi32, #tpu.memory_space<vmem>>)
      tpu.yield
    }) : () -> ()
    "tpu.region"() ({
      %run_scoped3A = tpu.sem_alloc : memref<!tpu.dma_semaphore, #tpu.memory_space<semaphore_mem>>
      %dma_start3A_67 = arith.constant 0 : i32
      %dma_start3A_68 = arith.constant 0 : i32
      %dma_start3A_69 = arith.constant 0 : i32
      %dma_start3A_70 = tpu.memref_slice %arg4[%arg0, %dma_start3A_67, %dma_start3A_68, %dma_start3A_69] : memref<2x16x157x128xi32, #tpu.memory_space<hbm>> -> memref<1x16x157x128xi32, #tpu.memory_space<hbm>>
      %dma_start3A_71 = tpu.memref_squeeze %dma_start3A_70 : memref<1x16x157x128xi32, #tpu.memory_space<hbm>> -> memref<16x157x128xi32, #tpu.memory_space<hbm>>
      %dma_start3A_72 = arith.constant 0 : i32
      %dma_start3A_73 = arith.constant 0 : i32
      %dma_start3A_74 = tpu.memref_slice %dma_start3A_71[%arg1, %dma_start3A_72, %dma_start3A_73] : memref<16x157x128xi32, #tpu.memory_space<hbm>> -> memref<1x157x128xi32, #tpu.memory_space<hbm>>
      %dma_start3A_75 = tpu.memref_squeeze %dma_start3A_74 : memref<1x157x128xi32, #tpu.memory_space<hbm>> -> memref<157x128xi32, #tpu.memory_space<hbm>>
      %dma_start3A_76 = arith.constant 0 : i32
      %dma_start3A_77 = arith.constant 0 : i32
      %dma_start3A_78 = arith.constant 0 : i32
      %dma_start3A_79 = tpu.memref_slice %arg4[%arg0, %dma_start3A_76, %dma_start3A_77, %dma_start3A_78] : memref<2x16x157x128xi32, #tpu.memory_space<hbm>> -> memref<1x16x157x128xi32, #tpu.memory_space<hbm>>
      %dma_start3A_80 = tpu.memref_squeeze %dma_start3A_79 : memref<1x16x157x128xi32, #tpu.memory_space<hbm>> -> memref<16x157x128xi32, #tpu.memory_space<hbm>>
      %dma_start3A_81 = arith.constant 0 : i32
      %dma_start3A_82 = arith.constant 0 : i32
      %dma_start3A_83 = tpu.memref_slice %dma_start3A_80[%arg1, %dma_start3A_81, %dma_start3A_82] : memref<16x157x128xi32, #tpu.memory_space<hbm>> -> memref<1x157x128xi32, #tpu.memory_space<hbm>>
      %dma_start3A_84 = tpu.memref_squeeze %dma_start3A_83 : memref<1x157x128xi32, #tpu.memory_space<hbm>> -> memref<157x128xi32, #tpu.memory_space<hbm>>
      tpu.enqueue_dma source(%dma_start3A_84 : memref<157x128xi32, #tpu.memory_space<hbm>>) target(%arg8 : memref<157x128xi32, #tpu.memory_space<vmem>>) target_semaphore(%run_scoped3A : memref<!tpu.dma_semaphore, #tpu.memory_space<semaphore_mem>>)
      %dma_wait3A = arith.constant 0 : i32
      %dma_wait3A_85 = arith.constant 0 : i32
      %dma_wait3A_86 = arith.constant 0 : i32
      %dma_wait3A_87 = tpu.memref_slice %arg4[%arg0, %dma_wait3A, %dma_wait3A_85, %dma_wait3A_86] : memref<2x16x157x128xi32, #tpu.memory_space<hbm>> -> memref<1x16x157x128xi32, #tpu.memory_space<hbm>>
      %dma_wait3A_88 = tpu.memref_squeeze %dma_wait3A_87 : memref<1x16x157x128xi32, #tpu.memory_space<hbm>> -> memref<16x157x128xi32, #tpu.memory_space<hbm>>
      %dma_wait3A_89 = arith.constant 0 : i32
      %dma_wait3A_90 = arith.constant 0 : i32
      %dma_wait3A_91 = tpu.memref_slice %dma_wait3A_88[%arg1, %dma_wait3A_89, %dma_wait3A_90] : memref<16x157x128xi32, #tpu.memory_space<hbm>> -> memref<1x157x128xi32, #tpu.memory_space<hbm>>
      %dma_wait3A_92 = tpu.memref_squeeze %dma_wait3A_91 : memref<1x157x128xi32, #tpu.memory_space<hbm>> -> memref<157x128xi32, #tpu.memory_space<hbm>>
      %dma_wait3A_93 = arith.constant 0 : i32
      %dma_wait3A_94 = arith.constant 0 : i32
      %dma_wait3A_95 = arith.constant 0 : i32
      %dma_wait3A_96 = tpu.memref_slice %arg4[%arg0, %dma_wait3A_93, %dma_wait3A_94, %dma_wait3A_95] : memref<2x16x157x128xi32, #tpu.memory_space<hbm>> -> memref<1x16x157x128xi32, #tpu.memory_space<hbm>>
      %dma_wait3A_97 = tpu.memref_squeeze %dma_wait3A_96 : memref<1x16x157x128xi32, #tpu.memory_space<hbm>> -> memref<16x157x128xi32, #tpu.memory_space<hbm>>
      %dma_wait3A_98 = arith.constant 0 : i32
      %dma_wait3A_99 = arith.constant 0 : i32
      %dma_wait3A_100 = tpu.memref_slice %dma_wait3A_97[%arg1, %dma_wait3A_98, %dma_wait3A_99] : memref<16x157x128xi32, #tpu.memory_space<hbm>> -> memref<1x157x128xi32, #tpu.memory_space<hbm>>
      %dma_wait3A_101 = tpu.memref_squeeze %dma_wait3A_100 : memref<1x157x128xi32, #tpu.memory_space<hbm>> -> memref<157x128xi32, #tpu.memory_space<hbm>>
      tpu.wait_dma2 semaphore(%run_scoped3A : memref<!tpu.dma_semaphore, #tpu.memory_space<semaphore_mem>>) src(%dma_wait3A_101 : memref<157x128xi32, #tpu.memory_space<hbm>>) dst(%arg8 : memref<157x128xi32, #tpu.memory_space<vmem>>)
      tpu.yield
    }) : () -> ()
    "tpu.region"() ({
      %run_scoped3A = tpu.sem_alloc : memref<!tpu.dma_semaphore, #tpu.memory_space<semaphore_mem>>
      %dma_start3A_67 = arith.constant 0 : i32
      %dma_start3A_68 = arith.constant 0 : i32
      %dma_start3A_69 = tpu.memref_slice %arg5[%arg0, %dma_start3A_67, %dma_start3A_68] : memref<2x16x16xi32, #tpu.memory_space<hbm>> -> memref<1x16x16xi32, #tpu.memory_space<hbm>>
      %dma_start3A_70 = tpu.memref_squeeze %dma_start3A_69 : memref<1x16x16xi32, #tpu.memory_space<hbm>> -> memref<16x16xi32, #tpu.memory_space<hbm>>
      %dma_start3A_71 = arith.constant 0 : i32
      %dma_start3A_72 = tpu.memref_slice %dma_start3A_70[%arg1, %dma_start3A_71] : memref<16x16xi32, #tpu.memory_space<hbm>> -> memref<1x16xi32, #tpu.memory_space<hbm>>
      %dma_start3A_73 = tpu.memref_squeeze %dma_start3A_72 : memref<1x16xi32, #tpu.memory_space<hbm>> -> memref<16xi32, #tpu.memory_space<hbm>>
      %dma_start3A_74 = arith.constant 0 : i32
      %dma_start3A_75 = arith.constant 0 : i32
      %dma_start3A_76 = tpu.memref_slice %arg5[%arg0, %dma_start3A_74, %dma_start3A_75] : memref<2x16x16xi32, #tpu.memory_space<hbm>> -> memref<1x16x16xi32, #tpu.memory_space<hbm>>
      %dma_start3A_77 = tpu.memref_squeeze %dma_start3A_76 : memref<1x16x16xi32, #tpu.memory_space<hbm>> -> memref<16x16xi32, #tpu.memory_space<hbm>>
      %dma_start3A_78 = arith.constant 0 : i32
      %dma_start3A_79 = tpu.memref_slice %dma_start3A_77[%arg1, %dma_start3A_78] : memref<16x16xi32, #tpu.memory_space<hbm>> -> memref<1x16xi32, #tpu.memory_space<hbm>>
      %dma_start3A_80 = tpu.memref_squeeze %dma_start3A_79 : memref<1x16xi32, #tpu.memory_space<hbm>> -> memref<16xi32, #tpu.memory_space<hbm>>
      tpu.enqueue_dma source(%dma_start3A_80 : memref<16xi32, #tpu.memory_space<hbm>>) target(%arg9 : memref<16xi32, #tpu.memory_space<vmem>>) target_semaphore(%run_scoped3A : memref<!tpu.dma_semaphore, #tpu.memory_space<semaphore_mem>>)
      %dma_wait3A = arith.constant 0 : i32
      %dma_wait3A_81 = arith.constant 0 : i32
      %dma_wait3A_82 = tpu.memref_slice %arg5[%arg0, %dma_wait3A, %dma_wait3A_81] : memref<2x16x16xi32, #tpu.memory_space<hbm>> -> memref<1x16x16xi32, #tpu.memory_space<hbm>>
      %dma_wait3A_83 = tpu.memref_squeeze %dma_wait3A_82 : memref<1x16x16xi32, #tpu.memory_space<hbm>> -> memref<16x16xi32, #tpu.memory_space<hbm>>
      %dma_wait3A_84 = arith.constant 0 : i32
      %dma_wait3A_85 = tpu.memref_slice %dma_wait3A_83[%arg1, %dma_wait3A_84] : memref<16x16xi32, #tpu.memory_space<hbm>> -> memref<1x16xi32, #tpu.memory_space<hbm>>
      %dma_wait3A_86 = tpu.memref_squeeze %dma_wait3A_85 : memref<1x16xi32, #tpu.memory_space<hbm>> -> memref<16xi32, #tpu.memory_space<hbm>>
      %dma_wait3A_87 = arith.constant 0 : i32
      %dma_wait3A_88 = arith.constant 0 : i32
      %dma_wait3A_89 = tpu.memref_slice %arg5[%arg0, %dma_wait3A_87, %dma_wait3A_88] : memref<2x16x16xi32, #tpu.memory_space<hbm>> -> memref<1x16x16xi32, #tpu.memory_space<hbm>>
      %dma_wait3A_90 = tpu.memref_squeeze %dma_wait3A_89 : memref<1x16x16xi32, #tpu.memory_space<hbm>> -> memref<16x16xi32, #tpu.memory_space<hbm>>
      %dma_wait3A_91 = arith.constant 0 : i32
      %dma_wait3A_92 = tpu.memref_slice %dma_wait3A_90[%arg1, %dma_wait3A_91] : memref<16x16xi32, #tpu.memory_space<hbm>> -> memref<1x16xi32, #tpu.memory_space<hbm>>
      %dma_wait3A_93 = tpu.memref_squeeze %dma_wait3A_92 : memref<1x16xi32, #tpu.memory_space<hbm>> -> memref<16xi32, #tpu.memory_space<hbm>>
      tpu.wait_dma2 semaphore(%run_scoped3A : memref<!tpu.dma_semaphore, #tpu.memory_space<semaphore_mem>>) src(%dma_wait3A_93 : memref<16xi32, #tpu.memory_space<hbm>>) dst(%arg9 : memref<16xi32, #tpu.memory_space<vmem>>)
      tpu.yield
    }) : () -> ()
    %get3A = arith.constant 0 : index
    %get3A_15 = tpu.vector_load %arg9[%get3A] {strides = array<i32>} : memref<16xi32, #tpu.memory_space<vmem>>, vector<16xi32>,
    %get3A_16 = vector.shape_cast %get3A_15 : vector<16xi32> to vector<16xi32>
    %slice3A = vector.extract_strided_slice %get3A_16 {offsets = [0], sizes = [1], strides = [1]} : vector<16xi32> to vector<1xi32>
    %squeeze3A = vector.extract %slice3A[0] : i32 from vector<1xi32>
    %add3A_17 = arith.constant 128 : i32
    %add3A_18 = arith.addi %squeeze3A, %add3A_17 : i32
    %sub3A = arith.constant 1 : i32
    %sub3A_19 = arith.subi %add3A_18, %sub3A : i32
    %jit3A = arith.constant 128 : i32
    %div3A = arith.divsi %sub3A_19, %jit3A : i32
    %sign3A = arith.constant 0 : i32
    %sign3A_20 = arith.cmpi sgt, %sub3A_19, %sign3A : i32
    %sign3A_21 = arith.extui %sign3A_20 : i1 to i32
    %sign3A_22 = arith.constant 0 : i32
    %sign3A_23 = arith.cmpi slt, %sub3A_19, %sign3A_22 : i32
    %sign3A_24 = arith.extui %sign3A_23 : i1 to i32
    %sign3A_25 = arith.subi %sign3A_21, %sign3A_24 : i32
    %sign3A_26 = arith.constant 0 : i32
    %sign3A_27 = arith.cmpi sgt, %jit3A, %sign3A_26 : i32
    %sign3A_28 = arith.extui %sign3A_27 : i1 to i32
    %sign3A_29 = arith.constant 0 : i32
    %sign3A_30 = arith.cmpi slt, %jit3A, %sign3A_29 : i32
    %sign3A_31 = arith.extui %sign3A_30 : i1 to i32
    %sign3A_32 = arith.subi %sign3A_28, %sign3A_31 : i32
    %ne3A = arith.cmpi ne, %sign3A_25, %sign3A_32 : i32
    %rem3A = arith.remsi %sub3A_19, %jit3A : i32
    %ne3A_33 = arith.constant 0 : i32
    %ne3A_34 = arith.cmpi ne, %rem3A, %ne3A_33 : i32
    %and3A = arith.andi %ne3A, %ne3A_34 : i1
    %sub3A_35 = arith.constant 1 : i32
    %sub3A_36 = arith.subi %div3A, %sub3A_35 : i32
    %select_n3A = arith.select %and3A, %sub3A_36, %div3A : i32
    %max3A = arith.constant 1 : i32
    %max3A_37 = arith.maxsi %select_n3A, %max3A : i32
    %barrier3A = arith.constant 0 : index
    tpu.barrier barrier_id(%barrier3A)
    %dma_start3A = arith.constant 0 : i32
    %dma_start3A_38 = arith.constant 0 : i32
    %dma_start3A_39 = tpu.memref_slice %arg7[%dma_start3A, %dma_start3A_38] : memref<157x128xi32, #tpu.memory_space<vmem>> -> memref<1x128xi32, #tpu.memory_space<vmem>>
    %dma_start3A_40 = tpu.memref_squeeze %dma_start3A_39 : memref<1x128xi32, #tpu.memory_space<vmem>> -> memref<128xi32, #tpu.memory_space<vmem>>
    %dma_start3A_41 = arith.constant 0 : i32
    %dma_start3A_42 = arith.constant 0 : i32
    %dma_start3A_43 = tpu.memref_slice %arg2[%dma_start3A_41, %dma_start3A_42] : memref<10240x128xf32, #tpu.memory_space<hbm>> -> memref<10240x128xf32, #tpu.memory_space<hbm>>
    tpu.enqueue_indirect_dma source(%dma_start3A_43 : memref<10240x128xf32, #tpu.memory_space<hbm>>) target(%arg10 : memref<128x128xf32, #tpu.memory_space<vmem>>) offsets(%dma_start3A_40 : memref<128xi32, #tpu.memory_space<vmem>>) semaphore(%arg12 : memref<!tpu.dma_semaphore, #tpu.memory_space<semaphore_mem>>)
    %sub3A_44 = arith.constant 0 : i32
    %sub3A_45 = arith.subi %max3A_37, %sub3A_44 : i32
    %sub3A_46 = arith.constant 1 : i32
    %sub3A_47 = arith.constant 1 : i32
    %sub3A_48 = arith.subi %sub3A_46, %sub3A_47 : i32
    %add3A_49 = arith.addi %sub3A_45, %sub3A_48 : i32
    %div3A_50 = arith.constant 1 : i32
    %div3A_51 = arith.divsi %add3A_49, %div3A_50 : i32
    %while3A = arith.constant 1 : i32
    %while3A_52 = arith.constant 0 : i32
    %while3A_53 = arith.constant 0 : i32
    %while3A_54 = arith.subi %div3A_51, %while3A_53 : i32
    %while3A_55 = arith.addi %while3A_53, %while3A_54 : i32
    %while3A_56 = arith.constant 1 : i32
    %while3A_57 = arith.divsi %while3A_54, %while3A_56 : i32
    %while3A_58 = arith.muli %while3A_57, %while3A_56 : i32
    %while3A_59 = arith.addi %while3A_53, %while3A_58 : i32
    %while3A_60 = arith.constant 1 : i32
    scf.for %while3A_67 = %while3A_53 to %while3A_59 step %while3A_60  : i32 {
      %mul3A_68 = arith.muli %while3A_67, %while3A : i32
      %add3A_69 = arith.addi %while3A_52, %mul3A_68 : i32
      %rem3A_70 = arith.constant 2 : i32
      %rem3A_71 = arith.remsi %add3A_69, %rem3A_70 : i32
      %eq3A = arith.constant 0 : i32
      %eq3A_72 = arith.cmpi eq, %rem3A_71, %eq3A : i32
      %add3A_73 = arith.constant 1 : i32
      %add3A_74 = arith.addi %add3A_69, %add3A_73 : i32
      %lt3A = arith.cmpi slt, %add3A_74, %max3A_37 : i32
      %convert_element_type3A = arith.extui %lt3A : i1 to i32
      %cond3A = arith.constant 0 : i32
      %cond3A_75 = arith.cmpi ne, %convert_element_type3A, %cond3A : i32
      scf.if %cond3A_75 {
        %convert_element_type3A_83 = arith.extui %eq3A_72 : i1 to i32
        %cond3A_84 = arith.constant 0 : i32
        %cond3A_85 = arith.cmpi ne, %convert_element_type3A_83, %cond3A_84 : i32
        scf.if %cond3A_85 {
          %add3A_91 = arith.constant 1 : i32
          %add3A_92 = arith.addi %add3A_69, %add3A_91 : i32
          %dma_start3A_93 = arith.constant 0 : i32
          %dma_start3A_94 = tpu.memref_slice %arg7[%add3A_92, %dma_start3A_93] : memref<157x128xi32, #tpu.memory_space<vmem>> -> memref<1x128xi32, #tpu.memory_space<vmem>>
          %dma_start3A_95 = tpu.memref_squeeze %dma_start3A_94 : memref<1x128xi32, #tpu.memory_space<vmem>> -> memref<128xi32, #tpu.memory_space<vmem>>
          %dma_start3A_96 = arith.constant 0 : i32
          %dma_start3A_97 = arith.constant 0 : i32
          %dma_start3A_98 = tpu.memref_slice %arg2[%dma_start3A_96, %dma_start3A_97] : memref<10240x128xf32, #tpu.memory_space<hbm>> -> memref<10240x128xf32, #tpu.memory_space<hbm>>
          tpu.enqueue_indirect_dma source(%dma_start3A_98 : memref<10240x128xf32, #tpu.memory_space<hbm>>) target(%arg11 : memref<128x128xf32, #tpu.memory_space<vmem>>) offsets(%dma_start3A_95 : memref<128xi32, #tpu.memory_space<vmem>>) semaphore(%arg13 : memref<!tpu.dma_semaphore, #tpu.memory_space<semaphore_mem>>)
        } else {
        }
        %not3A_86 = arith.constant true
        %not3A_87 = arith.xori %eq3A_72, %not3A_86 : i1
        %convert_element_type3A_88 = arith.extui %not3A_87 : i1 to i32
        %cond3A_89 = arith.constant 0 : i32
        %cond3A_90 = arith.cmpi ne, %convert_element_type3A_88, %cond3A_89 : i32
        scf.if %cond3A_90 {
          %add3A_91 = arith.constant 1 : i32
          %add3A_92 = arith.addi %add3A_69, %add3A_91 : i32
          %dma_start3A_93 = arith.constant 0 : i32
          %dma_start3A_94 = tpu.memref_slice %arg7[%add3A_92, %dma_start3A_93] : memref<157x128xi32, #tpu.memory_space<vmem>> -> memref<1x128xi32, #tpu.memory_space<vmem>>
          %dma_start3A_95 = tpu.memref_squeeze %dma_start3A_94 : memref<1x128xi32, #tpu.memory_space<vmem>> -> memref<128xi32, #tpu.memory_space<vmem>>
          %dma_start3A_96 = arith.constant 0 : i32
          %dma_start3A_97 = arith.constant 0 : i32
          %dma_start3A_98 = tpu.memref_slice %arg2[%dma_start3A_96, %dma_start3A_97] : memref<10240x128xf32, #tpu.memory_space<hbm>> -> memref<10240x128xf32, #tpu.memory_space<hbm>>
          tpu.enqueue_indirect_dma source(%dma_start3A_98 : memref<10240x128xf32, #tpu.memory_space<hbm>>) target(%arg10 : memref<128x128xf32, #tpu.memory_space<vmem>>) offsets(%dma_start3A_95 : memref<128xi32, #tpu.memory_space<vmem>>) semaphore(%arg12 : memref<!tpu.dma_semaphore, #tpu.memory_space<semaphore_mem>>)
        } else {
        }
      } else {
      }
      %convert_element_type3A_76 = arith.extui %eq3A_72 : i1 to i32
      %cond3A_77 = arith.constant 0 : i32
      %cond3A_78 = arith.cmpi ne, %convert_element_type3A_76, %cond3A_77 : i32
      scf.if %cond3A_78 {
        %dma_wait3A = arith.constant 0 : i32
        %dma_wait3A_83 = tpu.memref_slice %arg7[%add3A_69, %dma_wait3A] : memref<157x128xi32, #tpu.memory_space<vmem>> -> memref<1x128xi32, #tpu.memory_space<vmem>>
        %dma_wait3A_84 = tpu.memref_squeeze %dma_wait3A_83 : memref<1x128xi32, #tpu.memory_space<vmem>> -> memref<128xi32, #tpu.memory_space<vmem>>
        %dma_wait3A_85 = arith.constant 0 : i32
        %dma_wait3A_86 = arith.constant 0 : i32
        %dma_wait3A_87 = tpu.memref_slice %arg2[%dma_wait3A_85, %dma_wait3A_86] : memref<10240x128xf32, #tpu.memory_space<hbm>> -> memref<10240x128xf32, #tpu.memory_space<hbm>>
        tpu.wait_indirect_dma semaphore(%arg12 : memref<!tpu.dma_semaphore, #tpu.memory_space<semaphore_mem>>) src(%dma_wait3A_87 : memref<10240x128xf32, #tpu.memory_space<hbm>>) dst(%arg10 : memref<128x128xf32, #tpu.memory_space<vmem>>)
        "tpu.region"() ({
          %run_scoped3A = tpu.sem_alloc : memref<!tpu.dma_semaphore, #tpu.memory_space<semaphore_mem>>
          %dma_start3A_88 = arith.constant 0 : i32
          %dma_start3A_89 = tpu.memref_slice %arg8[%add3A_69, %dma_start3A_88] : memref<157x128xi32, #tpu.memory_space<vmem>> -> memref<1x128xi32, #tpu.memory_space<vmem>>
          %dma_start3A_90 = tpu.memref_squeeze %dma_start3A_89 : memref<1x128xi32, #tpu.memory_space<vmem>> -> memref<128xi32, #tpu.memory_space<vmem>>
          %dma_start3A_91 = arith.constant 0 : i32
          %dma_start3A_92 = arith.constant 0 : i32
          %dma_start3A_93 = tpu.memref_slice %arg14[%dma_start3A_91, %dma_start3A_92] : memref<6144x128xf32, #tpu.memory_space<vmem_shared>> -> memref<6144x128xf32, #tpu.memory_space<vmem_shared>>
          tpu.enqueue_indirect_dma source(%arg10 : memref<128x128xf32, #tpu.memory_space<vmem>>) target(%dma_start3A_93 : memref<6144x128xf32, #tpu.memory_space<vmem_shared>>) offsets(%dma_start3A_90 : memref<128xi32, #tpu.memory_space<vmem>>) semaphore(%run_scoped3A : memref<!tpu.dma_semaphore, #tpu.memory_space<semaphore_mem>>) {add = true}
          %dma_wait3A_94 = arith.constant 0 : i32
          %dma_wait3A_95 = tpu.memref_slice %arg8[%add3A_69, %dma_wait3A_94] : memref<157x128xi32, #tpu.memory_space<vmem>> -> memref<1x128xi32, #tpu.memory_space<vmem>>
          %dma_wait3A_96 = tpu.memref_squeeze %dma_wait3A_95 : memref<1x128xi32, #tpu.memory_space<vmem>> -> memref<128xi32, #tpu.memory_space<vmem>>
          %dma_wait3A_97 = arith.constant 0 : i32
          %dma_wait3A_98 = arith.constant 0 : i32
          %dma_wait3A_99 = tpu.memref_slice %arg14[%dma_wait3A_97, %dma_wait3A_98] : memref<6144x128xf32, #tpu.memory_space<vmem_shared>> -> memref<6144x128xf32, #tpu.memory_space<vmem_shared>>
          tpu.wait_indirect_dma semaphore(%run_scoped3A : memref<!tpu.dma_semaphore, #tpu.memory_space<semaphore_mem>>) src(%arg10 : memref<128x128xf32, #tpu.memory_space<vmem>>) dst(%dma_wait3A_99 : memref<6144x128xf32, #tpu.memory_space<vmem_shared>>)
          tpu.yield
        }) : () -> ()
      } else {
      }
      %not3A = arith.constant true
      %not3A_79 = arith.xori %eq3A_72, %not3A : i1
      %convert_element_type3A_80 = arith.extui %not3A_79 : i1 to i32
      %cond3A_81 = arith.constant 0 : i32
      %cond3A_82 = arith.cmpi ne, %convert_element_type3A_80, %cond3A_81 : i32
      scf.if %cond3A_82 {
        %dma_wait3A = arith.constant 0 : i32
        %dma_wait3A_83 = tpu.memref_slice %arg7[%add3A_69, %dma_wait3A] : memref<157x128xi32, #tpu.memory_space<vmem>> -> memref<1x128xi32, #tpu.memory_space<vmem>>
        %dma_wait3A_84 = tpu.memref_squeeze %dma_wait3A_83 : memref<1x128xi32, #tpu.memory_space<vmem>> -> memref<128xi32, #tpu.memory_space<vmem>>
        %dma_wait3A_85 = arith.constant 0 : i32
        %dma_wait3A_86 = arith.constant 0 : i32
        %dma_wait3A_87 = tpu.memref_slice %arg2[%dma_wait3A_85, %dma_wait3A_86] : memref<10240x128xf32, #tpu.memory_space<hbm>> -> memref<10240x128xf32, #tpu.memory_space<hbm>>
        tpu.wait_indirect_dma semaphore(%arg13 : memref<!tpu.dma_semaphore, #tpu.memory_space<semaphore_mem>>) src(%dma_wait3A_87 : memref<10240x128xf32, #tpu.memory_space<hbm>>) dst(%arg11 : memref<128x128xf32, #tpu.memory_space<vmem>>)
        "tpu.region"() ({
          %run_scoped3A = tpu.sem_alloc : memref<!tpu.dma_semaphore, #tpu.memory_space<semaphore_mem>>
          %dma_start3A_88 = arith.constant 0 : i32
          %dma_start3A_89 = tpu.memref_slice %arg8[%add3A_69, %dma_start3A_88] : memref<157x128xi32, #tpu.memory_space<vmem>> -> memref<1x128xi32, #tpu.memory_space<vmem>>
          %dma_start3A_90 = tpu.memref_squeeze %dma_start3A_89 : memref<1x128xi32, #tpu.memory_space<vmem>> -> memref<128xi32, #tpu.memory_space<vmem>>
          %dma_start3A_91 = arith.constant 0 : i32
          %dma_start3A_92 = arith.constant 0 : i32
          %dma_start3A_93 = tpu.memref_slice %arg14[%dma_start3A_91, %dma_start3A_92] : memref<6144x128xf32, #tpu.memory_space<vmem_shared>> -> memref<6144x128xf32, #tpu.memory_space<vmem_shared>>
          tpu.enqueue_indirect_dma source(%arg11 : memref<128x128xf32, #tpu.memory_space<vmem>>) target(%dma_start3A_93 : memref<6144x128xf32, #tpu.memory_space<vmem_shared>>) offsets(%dma_start3A_90 : memref<128xi32, #tpu.memory_space<vmem>>) semaphore(%run_scoped3A : memref<!tpu.dma_semaphore, #tpu.memory_space<semaphore_mem>>) {add = true}
          %dma_wait3A_94 = arith.constant 0 : i32
          %dma_wait3A_95 = tpu.memref_slice %arg8[%add3A_69, %dma_wait3A_94] : memref<157x128xi32, #tpu.memory_space<vmem>> -> memref<1x128xi32, #tpu.memory_space<vmem>>
          %dma_wait3A_96 = tpu.memref_squeeze %dma_wait3A_95 : memref<1x128xi32, #tpu.memory_space<vmem>> -> memref<128xi32, #tpu.memory_space<vmem>>
          %dma_wait3A_97 = arith.constant 0 : i32
          %dma_wait3A_98 = arith.constant 0 : i32
          %dma_wait3A_99 = tpu.memref_slice %arg14[%dma_wait3A_97, %dma_wait3A_98] : memref<6144x128xf32, #tpu.memory_space<vmem_shared>> -> memref<6144x128xf32, #tpu.memory_space<vmem_shared>>
          tpu.wait_indirect_dma semaphore(%run_scoped3A : memref<!tpu.dma_semaphore, #tpu.memory_space<semaphore_mem>>) src(%arg11 : memref<128x128xf32, #tpu.memory_space<vmem>>) dst(%dma_wait3A_99 : memref<6144x128xf32, #tpu.memory_space<vmem_shared>>)
          tpu.yield
        }) : () -> ()
      } else {
      }
    }
    %while3A_61 = arith.constant 1 : i32
    scf.for %while3A_67 = %while3A_59 to %while3A_55 step %while3A_61  : i32 {
      %mul3A_68 = arith.muli %while3A_67, %while3A : i32
      %add3A_69 = arith.addi %while3A_52, %mul3A_68 : i32
      %rem3A_70 = arith.constant 2 : i32
      %rem3A_71 = arith.remsi %add3A_69, %rem3A_70 : i32
      %eq3A = arith.constant 0 : i32
      %eq3A_72 = arith.cmpi eq, %rem3A_71, %eq3A : i32
      %add3A_73 = arith.constant 1 : i32
      %add3A_74 = arith.addi %add3A_69, %add3A_73 : i32
      %lt3A = arith.cmpi slt, %add3A_74, %max3A_37 : i32
      %convert_element_type3A = arith.extui %lt3A : i1 to i32
      %cond3A = arith.constant 0 : i32
      %cond3A_75 = arith.cmpi ne, %convert_element_type3A, %cond3A : i32
      scf.if %cond3A_75 {
        %convert_element_type3A_83 = arith.extui %eq3A_72 : i1 to i32
        %cond3A_84 = arith.constant 0 : i32
        %cond3A_85 = arith.cmpi ne, %convert_element_type3A_83, %cond3A_84 : i32
        scf.if %cond3A_85 {
          %add3A_91 = arith.constant 1 : i32
          %add3A_92 = arith.addi %add3A_69, %add3A_91 : i32
          %dma_start3A_93 = arith.constant 0 : i32
          %dma_start3A_94 = tpu.memref_slice %arg7[%add3A_92, %dma_start3A_93] : memref<157x128xi32, #tpu.memory_space<vmem>> -> memref<1x128xi32, #tpu.memory_space<vmem>>
          %dma_start3A_95 = tpu.memref_squeeze %dma_start3A_94 : memref<1x128xi32, #tpu.memory_space<vmem>> -> memref<128xi32, #tpu.memory_space<vmem>>
          %dma_start3A_96 = arith.constant 0 : i32
          %dma_start3A_97 = arith.constant 0 : i32
          %dma_start3A_98 = tpu.memref_slice %arg2[%dma_start3A_96, %dma_start3A_97] : memref<10240x128xf32, #tpu.memory_space<hbm>> -> memref<10240x128xf32, #tpu.memory_space<hbm>>
          tpu.enqueue_indirect_dma source(%dma_start3A_98 : memref<10240x128xf32, #tpu.memory_space<hbm>>) target(%arg11 : memref<128x128xf32, #tpu.memory_space<vmem>>) offsets(%dma_start3A_95 : memref<128xi32, #tpu.memory_space<vmem>>) semaphore(%arg13 : memref<!tpu.dma_semaphore, #tpu.memory_space<semaphore_mem>>)
        } else {
        }
        %not3A_86 = arith.constant true
        %not3A_87 = arith.xori %eq3A_72, %not3A_86 : i1
        %convert_element_type3A_88 = arith.extui %not3A_87 : i1 to i32
        %cond3A_89 = arith.constant 0 : i32
        %cond3A_90 = arith.cmpi ne, %convert_element_type3A_88, %cond3A_89 : i32
        scf.if %cond3A_90 {
          %add3A_91 = arith.constant 1 : i32
          %add3A_92 = arith.addi %add3A_69, %add3A_91 : i32
          %dma_start3A_93 = arith.constant 0 : i32
          %dma_start3A_94 = tpu.memref_slice %arg7[%add3A_92, %dma_start3A_93] : memref<157x128xi32, #tpu.memory_space<vmem>> -> memref<1x128xi32, #tpu.memory_space<vmem>>
          %dma_start3A_95 = tpu.memref_squeeze %dma_start3A_94 : memref<1x128xi32, #tpu.memory_space<vmem>> -> memref<128xi32, #tpu.memory_space<vmem>>
          %dma_start3A_96 = arith.constant 0 : i32
          %dma_start3A_97 = arith.constant 0 : i32
          %dma_start3A_98 = tpu.memref_slice %arg2[%dma_start3A_96, %dma_start3A_97] : memref<10240x128xf32, #tpu.memory_space<hbm>> -> memref<10240x128xf32, #tpu.memory_space<hbm>>
          tpu.enqueue_indirect_dma source(%dma_start3A_98 : memref<10240x128xf32, #tpu.memory_space<hbm>>) target(%arg10 : memref<128x128xf32, #tpu.memory_space<vmem>>) offsets(%dma_start3A_95 : memref<128xi32, #tpu.memory_space<vmem>>) semaphore(%arg12 : memref<!tpu.dma_semaphore, #tpu.memory_space<semaphore_mem>>)
        } else {
        }
      } else {
      }
      %convert_element_type3A_76 = arith.extui %eq3A_72 : i1 to i32
      %cond3A_77 = arith.constant 0 : i32
      %cond3A_78 = arith.cmpi ne, %convert_element_type3A_76, %cond3A_77 : i32
      scf.if %cond3A_78 {
        %dma_wait3A = arith.constant 0 : i32
        %dma_wait3A_83 = tpu.memref_slice %arg7[%add3A_69, %dma_wait3A] : memref<157x128xi32, #tpu.memory_space<vmem>> -> memref<1x128xi32, #tpu.memory_space<vmem>>
        %dma_wait3A_84 = tpu.memref_squeeze %dma_wait3A_83 : memref<1x128xi32, #tpu.memory_space<vmem>> -> memref<128xi32, #tpu.memory_space<vmem>>
        %dma_wait3A_85 = arith.constant 0 : i32
        %dma_wait3A_86 = arith.constant 0 : i32
        %dma_wait3A_87 = tpu.memref_slice %arg2[%dma_wait3A_85, %dma_wait3A_86] : memref<10240x128xf32, #tpu.memory_space<hbm>> -> memref<10240x128xf32, #tpu.memory_space<hbm>>
        tpu.wait_indirect_dma semaphore(%arg12 : memref<!tpu.dma_semaphore, #tpu.memory_space<semaphore_mem>>) src(%dma_wait3A_87 : memref<10240x128xf32, #tpu.memory_space<hbm>>) dst(%arg10 : memref<128x128xf32, #tpu.memory_space<vmem>>)
        "tpu.region"() ({
          %run_scoped3A = tpu.sem_alloc : memref<!tpu.dma_semaphore, #tpu.memory_space<semaphore_mem>>
          %dma_start3A_88 = arith.constant 0 : i32
          %dma_start3A_89 = tpu.memref_slice %arg8[%add3A_69, %dma_start3A_88] : memref<157x128xi32, #tpu.memory_space<vmem>> -> memref<1x128xi32, #tpu.memory_space<vmem>>
          %dma_start3A_90 = tpu.memref_squeeze %dma_start3A_89 : memref<1x128xi32, #tpu.memory_space<vmem>> -> memref<128xi32, #tpu.memory_space<vmem>>
          %dma_start3A_91 = arith.constant 0 : i32
          %dma_start3A_92 = arith.constant 0 : i32
          %dma_start3A_93 = tpu.memref_slice %arg14[%dma_start3A_91, %dma_start3A_92] : memref<6144x128xf32, #tpu.memory_space<vmem_shared>> -> memref<6144x128xf32, #tpu.memory_space<vmem_shared>>
          tpu.enqueue_indirect_dma source(%arg10 : memref<128x128xf32, #tpu.memory_space<vmem>>) target(%dma_start3A_93 : memref<6144x128xf32, #tpu.memory_space<vmem_shared>>) offsets(%dma_start3A_90 : memref<128xi32, #tpu.memory_space<vmem>>) semaphore(%run_scoped3A : memref<!tpu.dma_semaphore, #tpu.memory_space<semaphore_mem>>) {add = true}
          %dma_wait3A_94 = arith.constant 0 : i32
          %dma_wait3A_95 = tpu.memref_slice %arg8[%add3A_69, %dma_wait3A_94] : memref<157x128xi32, #tpu.memory_space<vmem>> -> memref<1x128xi32, #tpu.memory_space<vmem>>
          %dma_wait3A_96 = tpu.memref_squeeze %dma_wait3A_95 : memref<1x128xi32, #tpu.memory_space<vmem>> -> memref<128xi32, #tpu.memory_space<vmem>>
          %dma_wait3A_97 = arith.constant 0 : i32
          %dma_wait3A_98 = arith.constant 0 : i32
          %dma_wait3A_99 = tpu.memref_slice %arg14[%dma_wait3A_97, %dma_wait3A_98] : memref<6144x128xf32, #tpu.memory_space<vmem_shared>> -> memref<6144x128xf32, #tpu.memory_space<vmem_shared>>
          tpu.wait_indirect_dma semaphore(%run_scoped3A : memref<!tpu.dma_semaphore, #tpu.memory_space<semaphore_mem>>) src(%arg10 : memref<128x128xf32, #tpu.memory_space<vmem>>) dst(%dma_wait3A_99 : memref<6144x128xf32, #tpu.memory_space<vmem_shared>>)
          tpu.yield
        }) : () -> ()
      } else {
      }
      %not3A = arith.constant true
      %not3A_79 = arith.xori %eq3A_72, %not3A : i1
      %convert_element_type3A_80 = arith.extui %not3A_79 : i1 to i32
      %cond3A_81 = arith.constant 0 : i32
      %cond3A_82 = arith.cmpi ne, %convert_element_type3A_80, %cond3A_81 : i32
      scf.if %cond3A_82 {
        %dma_wait3A = arith.constant 0 : i32
        %dma_wait3A_83 = tpu.memref_slice %arg7[%add3A_69, %dma_wait3A] : memref<157x128xi32, #tpu.memory_space<vmem>> -> memref<1x128xi32, #tpu.memory_space<vmem>>
        %dma_wait3A_84 = tpu.memref_squeeze %dma_wait3A_83 : memref<1x128xi32, #tpu.memory_space<vmem>> -> memref<128xi32, #tpu.memory_space<vmem>>
        %dma_wait3A_85 = arith.constant 0 : i32
        %dma_wait3A_86 = arith.constant 0 : i32
        %dma_wait3A_87 = tpu.memref_slice %arg2[%dma_wait3A_85, %dma_wait3A_86] : memref<10240x128xf32, #tpu.memory_space<hbm>> -> memref<10240x128xf32, #tpu.memory_space<hbm>>
        tpu.wait_indirect_dma semaphore(%arg13 : memref<!tpu.dma_semaphore, #tpu.memory_space<semaphore_mem>>) src(%dma_wait3A_87 : memref<10240x128xf32, #tpu.memory_space<hbm>>) dst(%arg11 : memref<128x128xf32, #tpu.memory_space<vmem>>)
        "tpu.region"() ({
          %run_scoped3A = tpu.sem_alloc : memref<!tpu.dma_semaphore, #tpu.memory_space<semaphore_mem>>
          %dma_start3A_88 = arith.constant 0 : i32
          %dma_start3A_89 = tpu.memref_slice %arg8[%add3A_69, %dma_start3A_88] : memref<157x128xi32, #tpu.memory_space<vmem>> -> memref<1x128xi32, #tpu.memory_space<vmem>>
          %dma_start3A_90 = tpu.memref_squeeze %dma_start3A_89 : memref<1x128xi32, #tpu.memory_space<vmem>> -> memref<128xi32, #tpu.memory_space<vmem>>
          %dma_start3A_91 = arith.constant 0 : i32
          %dma_start3A_92 = arith.constant 0 : i32
          %dma_start3A_93 = tpu.memref_slice %arg14[%dma_start3A_91, %dma_start3A_92] : memref<6144x128xf32, #tpu.memory_space<vmem_shared>> -> memref<6144x128xf32, #tpu.memory_space<vmem_shared>>
          tpu.enqueue_indirect_dma source(%arg11 : memref<128x128xf32, #tpu.memory_space<vmem>>) target(%dma_start3A_93 : memref<6144x128xf32, #tpu.memory_space<vmem_shared>>) offsets(%dma_start3A_90 : memref<128xi32, #tpu.memory_space<vmem>>) semaphore(%run_scoped3A : memref<!tpu.dma_semaphore, #tpu.memory_space<semaphore_mem>>) {add = true}
          %dma_wait3A_94 = arith.constant 0 : i32
          %dma_wait3A_95 = tpu.memref_slice %arg8[%add3A_69, %dma_wait3A_94] : memref<157x128xi32, #tpu.memory_space<vmem>> -> memref<1x128xi32, #tpu.memory_space<vmem>>
          %dma_wait3A_96 = tpu.memref_squeeze %dma_wait3A_95 : memref<1x128xi32, #tpu.memory_space<vmem>> -> memref<128xi32, #tpu.memory_space<vmem>>
          %dma_wait3A_97 = arith.constant 0 : i32
          %dma_wait3A_98 = arith.constant 0 : i32
          %dma_wait3A_99 = tpu.memref_slice %arg14[%dma_wait3A_97, %dma_wait3A_98] : memref<6144x128xf32, #tpu.memory_space<vmem_shared>> -> memref<6144x128xf32, #tpu.memory_space<vmem_shared>>
          tpu.wait_indirect_dma semaphore(%run_scoped3A : memref<!tpu.dma_semaphore, #tpu.memory_space<semaphore_mem>>) src(%arg11 : memref<128x128xf32, #tpu.memory_space<vmem>>) dst(%dma_wait3A_99 : memref<6144x128xf32, #tpu.memory_space<vmem_shared>>)
          tpu.yield
        }) : () -> ()
      } else {
      }
    }
    %barrier3A_62 = arith.constant 0 : index
    tpu.barrier barrier_id(%barrier3A_62)
    %mul3A_63 = arith.constant 384 : i32
    %mul3A_64 = arith.muli %arg1, %mul3A_63 : i32
    %mul3A_65 = arith.constant 384 : i32
    %mul3A_66 = arith.muli %arg1, %mul3A_65 : i32
    "tpu.region"() ({
      %run_scoped3A = tpu.sem_alloc : memref<!tpu.dma_semaphore, #tpu.memory_space<semaphore_mem>>
      %dma_start3A_67 = arith.constant 0 : i32
      %dma_start3A_68 = arith.constant 0 : i32
      %dma_start3A_69 = tpu.memref_slice %arg6[%arg0, %dma_start3A_67, %dma_start3A_68] : memref<2x6144x128xf32, #tpu.memory_space<hbm>> -> memref<1x6144x128xf32, #tpu.memory_space<hbm>>
      %dma_start3A_70 = tpu.memref_squeeze %dma_start3A_69 : memref<1x6144x128xf32, #tpu.memory_space<hbm>> -> memref<6144x128xf32, #tpu.memory_space<hbm>>
      %dma_start3A_71 = arith.constant 0 : i32
      %dma_start3A_72 = tpu.memref_slice %dma_start3A_70[%mul3A_66, %dma_start3A_71] : memref<6144x128xf32, #tpu.memory_space<hbm>> -> memref<384x128xf32, #tpu.memory_space<hbm>>
      %dma_start3A_73 = arith.constant 0 : i32
      %dma_start3A_74 = tpu.memref_slice %arg14[%mul3A_64, %dma_start3A_73] : memref<6144x128xf32, #tpu.memory_space<vmem_shared>> -> memref<384x128xf32, #tpu.memory_space<vmem_shared>>
      tpu.enqueue_dma source(%dma_start3A_74 : memref<384x128xf32, #tpu.memory_space<vmem_shared>>) target(%dma_start3A_72 : memref<384x128xf32, #tpu.memory_space<hbm>>) target_semaphore(%run_scoped3A : memref<!tpu.dma_semaphore, #tpu.memory_space<semaphore_mem>>)
      %dma_wait3A = arith.constant 0 : i32
      %dma_wait3A_75 = arith.constant 0 : i32
      %dma_wait3A_76 = tpu.memref_slice %arg6[%arg0, %dma_wait3A, %dma_wait3A_75] : memref<2x6144x128xf32, #tpu.memory_space<hbm>> -> memref<1x6144x128xf32, #tpu.memory_space<hbm>>
      %dma_wait3A_77 = tpu.memref_squeeze %dma_wait3A_76 : memref<1x6144x128xf32, #tpu.memory_space<hbm>> -> memref<6144x128xf32, #tpu.memory_space<hbm>>
      %dma_wait3A_78 = arith.constant 0 : i32
      %dma_wait3A_79 = tpu.memref_slice %dma_wait3A_77[%mul3A_66, %dma_wait3A_78] : memref<6144x128xf32, #tpu.memory_space<hbm>> -> memref<384x128xf32, #tpu.memory_space<hbm>>
      %dma_wait3A_80 = arith.constant 0 : i32
      %dma_wait3A_81 = tpu.memref_slice %arg14[%mul3A_64, %dma_wait3A_80] : memref<6144x128xf32, #tpu.memory_space<vmem_shared>> -> memref<384x128xf32, #tpu.memory_space<vmem_shared>>
      tpu.wait_dma2 semaphore(%run_scoped3A : memref<!tpu.dma_semaphore, #tpu.memory_space<semaphore_mem>>) src(%dma_wait3A_81 : memref<384x128xf32, #tpu.memory_space<vmem_shared>>) dst(%dma_wait3A_79 : memref<384x128xf32, #tpu.memory_space<hbm>>)
      tpu.yield
    }) : () -> ()
    return
  }
}

#map = affine_map<(d0, d1) -> (0, 0, 0)>
#map1 = affine_map<(d0, d1) -> (0, 0)>
module attributes {stable_mosaic.version = 14 : i64} {
  func.func @_degfilter_body(%arg0: i32, %arg1: i32, %arg2: memref<16x157x128xi32, #tpu.memory_space<hbm>>, %arg3: memref<16x157x128xi32, #tpu.memory_space<hbm>>, %arg4: memref<2x10240xf32, #tpu.memory_space<hbm>>, %arg5: memref<2x16x20096xi32, #tpu.memory_space<hbm>>, %arg6: memref<2x16x20096xi32, #tpu.memory_space<hbm>>, %arg7: memref<2x16x16xi32, #tpu.memory_space<hbm>>, %arg8: memref<157x128xi32, #tpu.memory_space<vmem>>, %arg9: memref<157x128xi32, #tpu.memory_space<vmem>>, %arg10: memref<20096xi32, #tpu.memory_space<vmem>>, %arg11: memref<20096xi32, #tpu.memory_space<vmem>>, %arg12: memref<128xf32, #tpu.memory_space<vmem>>, %arg13: memref<640xf32, #tpu.memory_space<vmem>>, %arg14: memref<16xi32, #tpu.memory_space<vmem>>, %arg15: memref<!tpu.dma_semaphore, #tpu.memory_space<semaphore_mem>>, %arg16: memref<10240xf32, #tpu.memory_space<vmem_shared>>) attributes {dimension_semantics = [#tpu.dimension_semantics<core_parallel>, #tpu.dimension_semantics<subcore_parallel>], iteration_bounds = array<i64: 2, 16>, scalar_prefetch = 0 : i64, scratch_operands = 9 : i64, tpu.core_type = #tpu.core_type<sc_vector_subcore>, window_params = [{transform_indices = #map}, {transform_indices = #map}, {transform_indices = #map1}, {transform_indices = #map}, {transform_indices = #map}, {transform_indices = #map}]} {
    %broadcast_in_dim3A = arith.constant 0.000000e+00 : f32
    %broadcast_in_dim3A_0 = vector.broadcast %broadcast_in_dim3A : f32 to vector<16xf32>
    %broadcast_in_dim3A_1 = arith.constant 1.000000e+00 : f32
    %broadcast_in_dim3A_2 = vector.broadcast %broadcast_in_dim3A_1 : f32 to vector<16xf32>
    %iota3A = tpu.iota {dimensions = array<i32: 0>} : vector<16xi32>
    %scan3A = arith.constant 0 : i32
    %scan3A_3 = arith.constant 40 : i32
    %scan3A_4 = arith.addi %scan3A, %scan3A_3 : i32
    %scan3A_5 = arith.constant 1 : i32
    scf.for %scan3A_167 = %scan3A to %scan3A_4 step %scan3A_5  : i32 {
      %mul3A_168 = arith.constant 1 : i32
      %mul3A_169 = arith.muli %scan3A_167, %mul3A_168 : i32
      %add3A_170 = arith.constant 0 : i32
      %add3A_171 = arith.addi %add3A_170, %mul3A_169 : i32
      %mul3A_172 = arith.constant 16 : i32
      %mul3A_173 = arith.muli %add3A_171, %mul3A_172 : i32
      %swap3A_174 = arith.index_cast %mul3A_173 : i32 to index
      %swap3A_175 = tpu.vector_load %arg13[%swap3A_174] {strides = array<i32>} : memref<640xf32, #tpu.memory_space<vmem>>, vector<16xf32>,
      tpu.vector_store %arg13[%swap3A_174], %broadcast_in_dim3A_0 {strides = array<i32>} : memref<640xf32, #tpu.memory_space<vmem>>, vector<16xf32>,
    }
    %scan3A_6 = arith.constant 40 : i32
    %swap3A = arith.constant 0 : index
    %swap3A_7 = tpu.vector_load %arg12[%swap3A] {strides = array<i32>} : memref<128xf32, #tpu.memory_space<vmem>>, vector<16xf32>,
    tpu.vector_store %arg12[%swap3A], %broadcast_in_dim3A_2 {strides = array<i32>} : memref<128xf32, #tpu.memory_space<vmem>>, vector<16xf32>,
    %swap3A_8 = arith.constant 16 : index
    %swap3A_9 = tpu.vector_load %arg12[%swap3A_8] {strides = array<i32>} : memref<128xf32, #tpu.memory_space<vmem>>, vector<16xf32>,
    tpu.vector_store %arg12[%swap3A_8], %broadcast_in_dim3A_2 {strides = array<i32>} : memref<128xf32, #tpu.memory_space<vmem>>, vector<16xf32>,
    %swap3A_10 = arith.constant 32 : index
    %swap3A_11 = tpu.vector_load %arg12[%swap3A_10] {strides = array<i32>} : memref<128xf32, #tpu.memory_space<vmem>>, vector<16xf32>,
    tpu.vector_store %arg12[%swap3A_10], %broadcast_in_dim3A_2 {strides = array<i32>} : memref<128xf32, #tpu.memory_space<vmem>>, vector<16xf32>,
    %swap3A_12 = arith.constant 48 : index
    %swap3A_13 = tpu.vector_load %arg12[%swap3A_12] {strides = array<i32>} : memref<128xf32, #tpu.memory_space<vmem>>, vector<16xf32>,
    tpu.vector_store %arg12[%swap3A_12], %broadcast_in_dim3A_2 {strides = array<i32>} : memref<128xf32, #tpu.memory_space<vmem>>, vector<16xf32>,
    %swap3A_14 = arith.constant 64 : index
    %swap3A_15 = tpu.vector_load %arg12[%swap3A_14] {strides = array<i32>} : memref<128xf32, #tpu.memory_space<vmem>>, vector<16xf32>,
    tpu.vector_store %arg12[%swap3A_14], %broadcast_in_dim3A_2 {strides = array<i32>} : memref<128xf32, #tpu.memory_space<vmem>>, vector<16xf32>,
    %swap3A_16 = arith.constant 80 : index
    %swap3A_17 = tpu.vector_load %arg12[%swap3A_16] {strides = array<i32>} : memref<128xf32, #tpu.memory_space<vmem>>, vector<16xf32>,
    tpu.vector_store %arg12[%swap3A_16], %broadcast_in_dim3A_2 {strides = array<i32>} : memref<128xf32, #tpu.memory_space<vmem>>, vector<16xf32>,
    %swap3A_18 = arith.constant 96 : index
    %swap3A_19 = tpu.vector_load %arg12[%swap3A_18] {strides = array<i32>} : memref<128xf32, #tpu.memory_space<vmem>>, vector<16xf32>,
    tpu.vector_store %arg12[%swap3A_18], %broadcast_in_dim3A_2 {strides = array<i32>} : memref<128xf32, #tpu.memory_space<vmem>>, vector<16xf32>,
    %swap3A_20 = arith.constant 112 : index
    %swap3A_21 = tpu.vector_load %arg12[%swap3A_20] {strides = array<i32>} : memref<128xf32, #tpu.memory_space<vmem>>, vector<16xf32>,
    tpu.vector_store %arg12[%swap3A_20], %broadcast_in_dim3A_2 {strides = array<i32>} : memref<128xf32, #tpu.memory_space<vmem>>, vector<16xf32>,
    %mul3A = arith.constant 640 : i32
    %mul3A_22 = arith.muli %arg1, %mul3A : i32
    "tpu.region"() ({
      %run_scoped3A = tpu.sem_alloc : memref<!tpu.dma_semaphore, #tpu.memory_space<semaphore_mem>>
      %dma_start3A = tpu.memref_slice %arg16[%mul3A_22] : memref<10240xf32, #tpu.memory_space<vmem_shared>> -> memref<640xf32, #tpu.memory_space<vmem_shared>>
      %dma_start3A_167 = tpu.memref_slice %arg16[%mul3A_22] : memref<10240xf32, #tpu.memory_space<vmem_shared>> -> memref<640xf32, #tpu.memory_space<vmem_shared>>
      tpu.enqueue_dma source(%arg13 : memref<640xf32, #tpu.memory_space<vmem>>) target(%dma_start3A_167 : memref<640xf32, #tpu.memory_space<vmem_shared>>) target_semaphore(%run_scoped3A : memref<!tpu.dma_semaphore, #tpu.memory_space<semaphore_mem>>)
      %dma_wait3A_168 = tpu.memref_slice %arg16[%mul3A_22] : memref<10240xf32, #tpu.memory_space<vmem_shared>> -> memref<640xf32, #tpu.memory_space<vmem_shared>>
      %dma_wait3A_169 = tpu.memref_slice %arg16[%mul3A_22] : memref<10240xf32, #tpu.memory_space<vmem_shared>> -> memref<640xf32, #tpu.memory_space<vmem_shared>>
      tpu.wait_dma2 semaphore(%run_scoped3A : memref<!tpu.dma_semaphore, #tpu.memory_space<semaphore_mem>>) src(%arg13 : memref<640xf32, #tpu.memory_space<vmem>>) dst(%dma_wait3A_169 : memref<640xf32, #tpu.memory_space<vmem_shared>>)
      tpu.yield
    }) : () -> ()
    "tpu.region"() ({
      %run_scoped3A = tpu.sem_alloc : memref<!tpu.dma_semaphore, #tpu.memory_space<semaphore_mem>>
      %dma_start3A = arith.constant 0 : i32
      %dma_start3A_167 = arith.constant 0 : i32
      %dma_start3A_168 = tpu.memref_slice %arg2[%arg1, %dma_start3A, %dma_start3A_167] : memref<16x157x128xi32, #tpu.memory_space<hbm>> -> memref<1x157x128xi32, #tpu.memory_space<hbm>>
      %dma_start3A_169 = tpu.memref_squeeze %dma_start3A_168 : memref<1x157x128xi32, #tpu.memory_space<hbm>> -> memref<157x128xi32, #tpu.memory_space<hbm>>
      %dma_start3A_170 = arith.constant 0 : i32
      %dma_start3A_171 = arith.constant 0 : i32
      %dma_start3A_172 = tpu.memref_slice %arg2[%arg1, %dma_start3A_170, %dma_start3A_171] : memref<16x157x128xi32, #tpu.memory_space<hbm>> -> memref<1x157x128xi32, #tpu.memory_space<hbm>>
      %dma_start3A_173 = tpu.memref_squeeze %dma_start3A_172 : memref<1x157x128xi32, #tpu.memory_space<hbm>> -> memref<157x128xi32, #tpu.memory_space<hbm>>
      tpu.enqueue_dma source(%dma_start3A_173 : memref<157x128xi32, #tpu.memory_space<hbm>>) target(%arg8 : memref<157x128xi32, #tpu.memory_space<vmem>>) target_semaphore(%run_scoped3A : memref<!tpu.dma_semaphore, #tpu.memory_space<semaphore_mem>>)
      %dma_wait3A_174 = arith.constant 0 : i32
      %dma_wait3A_175 = arith.constant 0 : i32
      %dma_wait3A_176 = tpu.memref_slice %arg2[%arg1, %dma_wait3A_174, %dma_wait3A_175] : memref<16x157x128xi32, #tpu.memory_space<hbm>> -> memref<1x157x128xi32, #tpu.memory_space<hbm>>
      %dma_wait3A_177 = tpu.memref_squeeze %dma_wait3A_176 : memref<1x157x128xi32, #tpu.memory_space<hbm>> -> memref<157x128xi32, #tpu.memory_space<hbm>>
      %dma_wait3A_178 = arith.constant 0 : i32
      %dma_wait3A_179 = arith.constant 0 : i32
      %dma_wait3A_180 = tpu.memref_slice %arg2[%arg1, %dma_wait3A_178, %dma_wait3A_179] : memref<16x157x128xi32, #tpu.memory_space<hbm>> -> memref<1x157x128xi32, #tpu.memory_space<hbm>>
      %dma_wait3A_181 = tpu.memref_squeeze %dma_wait3A_180 : memref<1x157x128xi32, #tpu.memory_space<hbm>> -> memref<157x128xi32, #tpu.memory_space<hbm>>
      tpu.wait_dma2 semaphore(%run_scoped3A : memref<!tpu.dma_semaphore, #tpu.memory_space<semaphore_mem>>) src(%dma_wait3A_181 : memref<157x128xi32, #tpu.memory_space<hbm>>) dst(%arg8 : memref<157x128xi32, #tpu.memory_space<vmem>>)
      tpu.yield
    }) : () -> ()
    "tpu.region"() ({
      %run_scoped3A = tpu.sem_alloc : memref<!tpu.dma_semaphore, #tpu.memory_space<semaphore_mem>>
      %dma_start3A = arith.constant 0 : i32
      %dma_start3A_167 = arith.constant 0 : i32
      %dma_start3A_168 = tpu.memref_slice %arg3[%arg1, %dma_start3A, %dma_start3A_167] : memref<16x157x128xi32, #tpu.memory_space<hbm>> -> memref<1x157x128xi32, #tpu.memory_space<hbm>>
      %dma_start3A_169 = tpu.memref_squeeze %dma_start3A_168 : memref<1x157x128xi32, #tpu.memory_space<hbm>> -> memref<157x128xi32, #tpu.memory_space<hbm>>
      %dma_start3A_170 = arith.constant 0 : i32
      %dma_start3A_171 = arith.constant 0 : i32
      %dma_start3A_172 = tpu.memref_slice %arg3[%arg1, %dma_start3A_170, %dma_start3A_171] : memref<16x157x128xi32, #tpu.memory_space<hbm>> -> memref<1x157x128xi32, #tpu.memory_space<hbm>>
      %dma_start3A_173 = tpu.memref_squeeze %dma_start3A_172 : memref<1x157x128xi32, #tpu.memory_space<hbm>> -> memref<157x128xi32, #tpu.memory_space<hbm>>
      tpu.enqueue_dma source(%dma_start3A_173 : memref<157x128xi32, #tpu.memory_space<hbm>>) target(%arg9 : memref<157x128xi32, #tpu.memory_space<vmem>>) target_semaphore(%run_scoped3A : memref<!tpu.dma_semaphore, #tpu.memory_space<semaphore_mem>>)
      %dma_wait3A_174 = arith.constant 0 : i32
      %dma_wait3A_175 = arith.constant 0 : i32
      %dma_wait3A_176 = tpu.memref_slice %arg3[%arg1, %dma_wait3A_174, %dma_wait3A_175] : memref<16x157x128xi32, #tpu.memory_space<hbm>> -> memref<1x157x128xi32, #tpu.memory_space<hbm>>
      %dma_wait3A_177 = tpu.memref_squeeze %dma_wait3A_176 : memref<1x157x128xi32, #tpu.memory_space<hbm>> -> memref<157x128xi32, #tpu.memory_space<hbm>>
      %dma_wait3A_178 = arith.constant 0 : i32
      %dma_wait3A_179 = arith.constant 0 : i32
      %dma_wait3A_180 = tpu.memref_slice %arg3[%arg1, %dma_wait3A_178, %dma_wait3A_179] : memref<16x157x128xi32, #tpu.memory_space<hbm>> -> memref<1x157x128xi32, #tpu.memory_space<hbm>>
      %dma_wait3A_181 = tpu.memref_squeeze %dma_wait3A_180 : memref<1x157x128xi32, #tpu.memory_space<hbm>> -> memref<157x128xi32, #tpu.memory_space<hbm>>
      tpu.wait_dma2 semaphore(%run_scoped3A : memref<!tpu.dma_semaphore, #tpu.memory_space<semaphore_mem>>) src(%dma_wait3A_181 : memref<157x128xi32, #tpu.memory_space<hbm>>) dst(%arg9 : memref<157x128xi32, #tpu.memory_space<vmem>>)
      tpu.yield
    }) : () -> ()
    %mul3A_23 = arith.constant 16 : i32
    %mul3A_24 = arith.muli %arg1, %mul3A_23 : i32
    %broadcast_in_dim3A_25 = vector.broadcast %mul3A_24 : i32 to vector<16xi32>
    %add3A = arith.addi %iota3A, %broadcast_in_dim3A_25 : vector<16xi32>
    %and3A = arith.constant 127 : i32
    %and3A_26 = vector.broadcast %and3A : i32 to vector<16xi32>
    %and3A_27 = arith.andi %add3A, %and3A_26 : vector<16xi32>
    %add3A_28 = arith.constant 10000 : i32
    %add3A_29 = vector.broadcast %add3A_28 : i32 to vector<16xi32>
    %add3A_30 = arith.addi %add3A_29, %and3A_27 : vector<16xi32>
    %add3A_31 = arith.addi %iota3A, %broadcast_in_dim3A_25 : vector<16xi32>
    %and3A_32 = arith.constant 255 : i32
    %and3A_33 = vector.broadcast %and3A_32 : i32 to vector<16xi32>
    %and3A_34 = arith.andi %add3A_31, %and3A_33 : vector<16xi32>
    %add3A_35 = arith.constant 5120 : i32
    %add3A_36 = vector.broadcast %add3A_35 : i32 to vector<16xi32>
    %add3A_37 = arith.addi %add3A_36, %and3A_34 : vector<16xi32>
    %barrier3A = arith.constant 0 : index
    tpu.barrier barrier_id(%barrier3A)
    %mul3A_38 = arith.constant 5120 : i32
    %mul3A_39 = arith.muli %arg0, %mul3A_38 : i32
    %broadcast_in_dim3A_40 = vector.broadcast %mul3A_39 : i32 to vector<16xi32>
    %scan3A_41 = arith.constant 0 : i32
    %scan3A_42 = arith.constant 0 : i32
    %scan3A_43 = arith.constant 157 : i32
    %scan3A_44 = arith.addi %scan3A_42, %scan3A_43 : i32
    %scan3A_45 = arith.constant 1 : i32
    %scan3A_46 = scf.for %scan3A_167 = %scan3A_42 to %scan3A_44 step %scan3A_45 iter_args(%scan3A_168 = %scan3A_41) -> (i32)  : i32 {
      %mul3A_169 = arith.constant 1 : i32
      %mul3A_170 = arith.muli %scan3A_167, %mul3A_169 : i32
      %add3A_171 = arith.constant 0 : i32
      %add3A_172 = arith.addi %add3A_171, %mul3A_170 : i32
      %dma_start3A = arith.constant 0 : i32
      %dma_start3A_173 = tpu.memref_slice %arg9[%add3A_172, %dma_start3A] : memref<157x128xi32, #tpu.memory_space<vmem>> -> memref<1x128xi32, #tpu.memory_space<vmem>>
      %dma_start3A_174 = tpu.memref_squeeze %dma_start3A_173 : memref<1x128xi32, #tpu.memory_space<vmem>> -> memref<128xi32, #tpu.memory_space<vmem>>
      %dma_start3A_175 = arith.constant 0 : i32
      %dma_start3A_176 = tpu.memref_slice %arg16[%dma_start3A_175] : memref<10240xf32, #tpu.memory_space<vmem_shared>> -> memref<10240xf32, #tpu.memory_space<vmem_shared>>
      tpu.enqueue_indirect_dma source(%arg12 : memref<128xf32, #tpu.memory_space<vmem>>) target(%dma_start3A_176 : memref<10240xf32, #tpu.memory_space<vmem_shared>>) offsets(%dma_start3A_174 : memref<128xi32, #tpu.memory_space<vmem>>) semaphore(%arg15 : memref<!tpu.dma_semaphore, #tpu.memory_space<semaphore_mem>>) {add = true}
      %get3A = arith.index_cast %add3A_172 : i32 to index
      %get3A_177 = arith.constant 0 : index
      %get3A_178 = tpu.vector_load %arg8[%get3A, %get3A_177] {strides = array<i32>} : memref<157x128xi32, #tpu.memory_space<vmem>>, vector<16xi32>,
      %get3A_179 = arith.index_cast %add3A_172 : i32 to index
      %get3A_180 = arith.constant 0 : index
      %get3A_181 = tpu.vector_load %arg9[%get3A_179, %get3A_180] {strides = array<i32>} : memref<157x128xi32, #tpu.memory_space<vmem>>, vector<16xi32>,
      %sub3A_182 = arith.subi %get3A_181, %broadcast_in_dim3A_40 : vector<16xi32>
      %ge3A = arith.constant 0 : i32
      %ge3A_183 = vector.broadcast %ge3A : i32 to vector<16xi32>
      %ge3A_184 = arith.cmpi sge, %sub3A_182, %ge3A_183 : vector<16xi32>
      %lt3A_185 = arith.constant 5120 : i32
      %lt3A_186 = vector.broadcast %lt3A_185 : i32 to vector<16xi32>
      %lt3A_187 = arith.cmpi slt, %sub3A_182, %lt3A_186 : vector<16xi32>
      %and3A_188 = arith.andi %ge3A_184, %lt3A_187 : vector<16xi1>
      %broadcast_in_dim3A_189 = arith.constant 1 : i32
      %broadcast_in_dim3A_190 = vector.broadcast %broadcast_in_dim3A_189 : i32 to vector<16xi32>
      %broadcast_in_dim3A_191 = arith.constant 0 : i32
      %broadcast_in_dim3A_192 = vector.broadcast %broadcast_in_dim3A_191 : i32 to vector<16xi32>
      %select_n3A_193 = arith.select %and3A_188, %broadcast_in_dim3A_190, %broadcast_in_dim3A_192 : vector<16xi1>, vector<16xi32>
      %broadcast_in_dim3A_194 = arith.constant true
      %broadcast_in_dim3A_195 = vector.broadcast %broadcast_in_dim3A_194 : i1 to vector<16xi1>
      %masked_cumsum3A = tpu.scan <sum>, %select_n3A_193 masked %broadcast_in_dim3A_195 : vector<16xi32>, vector<16xi1> -> vector<16xi32>
      %sub3A_196 = arith.constant 1 : i32
      %sub3A_197 = arith.subi %scan3A_168, %sub3A_196 : i32
      %broadcast_in_dim3A_198 = vector.broadcast %sub3A_197 : i32 to vector<16xi32>
      %add3A_199 = arith.addi %masked_cumsum3A, %broadcast_in_dim3A_198 : vector<16xi32>
      tpu.vector_store_idx %arg10[%add3A_199], %get3A_178 masked %and3A_188 : memref<20096xi32, #tpu.memory_space<vmem>>[vector<16xi32>], vector<16xi32>, vector<16xi1>
      tpu.vector_store_idx %arg11[%add3A_199], %sub3A_182 masked %and3A_188 : memref<20096xi32, #tpu.memory_space<vmem>>[vector<16xi32>], vector<16xi32>, vector<16xi1>
      %reduce_sum3A = arith.constant true
      %reduce_sum3A_200 = vector.broadcast %reduce_sum3A : i1 to vector<16xi1>
      %reduce_sum3A_201 = tpu.scan <sum>, %select_n3A_193 masked %reduce_sum3A_200 : vector<16xi32>, vector<16xi1> -> vector<16xi32>
      %reduce_sum3A_202 = vector.extract %reduce_sum3A_201[15] : i32 from vector<16xi32>
      %add3A_203 = arith.addi %scan3A_168, %reduce_sum3A_202 : i32
      %get3A_204 = arith.index_cast %add3A_172 : i32 to index
      %get3A_205 = arith.constant 16 : index
      %get3A_206 = tpu.vector_load %arg8[%get3A_204, %get3A_205] {strides = array<i32>} : memref<157x128xi32, #tpu.memory_space<vmem>>, vector<16xi32>,
      %get3A_207 = arith.index_cast %add3A_172 : i32 to index
      %get3A_208 = arith.constant 16 : index
      %get3A_209 = tpu.vector_load %arg9[%get3A_207, %get3A_208] {strides = array<i32>} : memref<157x128xi32, #tpu.memory_space<vmem>>, vector<16xi32>,
      %sub3A_210 = arith.subi %get3A_209, %broadcast_in_dim3A_40 : vector<16xi32>
      %ge3A_211 = arith.constant 0 : i32
      %ge3A_212 = vector.broadcast %ge3A_211 : i32 to vector<16xi32>
      %ge3A_213 = arith.cmpi sge, %sub3A_210, %ge3A_212 : vector<16xi32>
      %lt3A_214 = arith.constant 5120 : i32
      %lt3A_215 = vector.broadcast %lt3A_214 : i32 to vector<16xi32>
      %lt3A_216 = arith.cmpi slt, %sub3A_210, %lt3A_215 : vector<16xi32>
      %and3A_217 = arith.andi %ge3A_213, %lt3A_216 : vector<16xi1>
      %broadcast_in_dim3A_218 = arith.constant 1 : i32
      %broadcast_in_dim3A_219 = vector.broadcast %broadcast_in_dim3A_218 : i32 to vector<16xi32>
      %broadcast_in_dim3A_220 = arith.constant 0 : i32
      %broadcast_in_dim3A_221 = vector.broadcast %broadcast_in_dim3A_220 : i32 to vector<16xi32>
      %select_n3A_222 = arith.select %and3A_217, %broadcast_in_dim3A_219, %broadcast_in_dim3A_221 : vector<16xi1>, vector<16xi32>
      %broadcast_in_dim3A_223 = arith.constant true
      %broadcast_in_dim3A_224 = vector.broadcast %broadcast_in_dim3A_223 : i1 to vector<16xi1>
      %masked_cumsum3A_225 = tpu.scan <sum>, %select_n3A_222 masked %broadcast_in_dim3A_224 : vector<16xi32>, vector<16xi1> -> vector<16xi32>
      %sub3A_226 = arith.constant 1 : i32
      %sub3A_227 = arith.subi %add3A_203, %sub3A_226 : i32
      %broadcast_in_dim3A_228 = vector.broadcast %sub3A_227 : i32 to vector<16xi32>
      %add3A_229 = arith.addi %masked_cumsum3A_225, %broadcast_in_dim3A_228 : vector<16xi32>
      tpu.vector_store_idx %arg10[%add3A_229], %get3A_206 masked %and3A_217 : memref<20096xi32, #tpu.memory_space<vmem>>[vector<16xi32>], vector<16xi32>, vector<16xi1>
      tpu.vector_store_idx %arg11[%add3A_229], %sub3A_210 masked %and3A_217 : memref<20096xi32, #tpu.memory_space<vmem>>[vector<16xi32>], vector<16xi32>, vector<16xi1>
      %reduce_sum3A_230 = arith.constant true
      %reduce_sum3A_231 = vector.broadcast %reduce_sum3A_230 : i1 to vector<16xi1>
      %reduce_sum3A_232 = tpu.scan <sum>, %select_n3A_222 masked %reduce_sum3A_231 : vector<16xi32>, vector<16xi1> -> vector<16xi32>
      %reduce_sum3A_233 = vector.extract %reduce_sum3A_232[15] : i32 from vector<16xi32>
      %add3A_234 = arith.addi %add3A_203, %reduce_sum3A_233 : i32
      %get3A_235 = arith.index_cast %add3A_172 : i32 to index
      %get3A_236 = arith.constant 32 : index
      %get3A_237 = tpu.vector_load %arg8[%get3A_235, %get3A_236] {strides = array<i32>} : memref<157x128xi32, #tpu.memory_space<vmem>>, vector<16xi32>,
      %get3A_238 = arith.index_cast %add3A_172 : i32 to index
      %get3A_239 = arith.constant 32 : index
      %get3A_240 = tpu.vector_load %arg9[%get3A_238, %get3A_239] {strides = array<i32>} : memref<157x128xi32, #tpu.memory_space<vmem>>, vector<16xi32>,
      %sub3A_241 = arith.subi %get3A_240, %broadcast_in_dim3A_40 : vector<16xi32>
      %ge3A_242 = arith.constant 0 : i32
      %ge3A_243 = vector.broadcast %ge3A_242 : i32 to vector<16xi32>
      %ge3A_244 = arith.cmpi sge, %sub3A_241, %ge3A_243 : vector<16xi32>
      %lt3A_245 = arith.constant 5120 : i32
      %lt3A_246 = vector.broadcast %lt3A_245 : i32 to vector<16xi32>
      %lt3A_247 = arith.cmpi slt, %sub3A_241, %lt3A_246 : vector<16xi32>
      %and3A_248 = arith.andi %ge3A_244, %lt3A_247 : vector<16xi1>
      %broadcast_in_dim3A_249 = arith.constant 1 : i32
      %broadcast_in_dim3A_250 = vector.broadcast %broadcast_in_dim3A_249 : i32 to vector<16xi32>
      %broadcast_in_dim3A_251 = arith.constant 0 : i32
      %broadcast_in_dim3A_252 = vector.broadcast %broadcast_in_dim3A_251 : i32 to vector<16xi32>
      %select_n3A_253 = arith.select %and3A_248, %broadcast_in_dim3A_250, %broadcast_in_dim3A_252 : vector<16xi1>, vector<16xi32>
      %broadcast_in_dim3A_254 = arith.constant true
      %broadcast_in_dim3A_255 = vector.broadcast %broadcast_in_dim3A_254 : i1 to vector<16xi1>
      %masked_cumsum3A_256 = tpu.scan <sum>, %select_n3A_253 masked %broadcast_in_dim3A_255 : vector<16xi32>, vector<16xi1> -> vector<16xi32>
      %sub3A_257 = arith.constant 1 : i32
      %sub3A_258 = arith.subi %add3A_234, %sub3A_257 : i32
      %broadcast_in_dim3A_259 = vector.broadcast %sub3A_258 : i32 to vector<16xi32>
      %add3A_260 = arith.addi %masked_cumsum3A_256, %broadcast_in_dim3A_259 : vector<16xi32>
      tpu.vector_store_idx %arg10[%add3A_260], %get3A_237 masked %and3A_248 : memref<20096xi32, #tpu.memory_space<vmem>>[vector<16xi32>], vector<16xi32>, vector<16xi1>
      tpu.vector_store_idx %arg11[%add3A_260], %sub3A_241 masked %and3A_248 : memref<20096xi32, #tpu.memory_space<vmem>>[vector<16xi32>], vector<16xi32>, vector<16xi1>
      %reduce_sum3A_261 = arith.constant true
      %reduce_sum3A_262 = vector.broadcast %reduce_sum3A_261 : i1 to vector<16xi1>
      %reduce_sum3A_263 = tpu.scan <sum>, %select_n3A_253 masked %reduce_sum3A_262 : vector<16xi32>, vector<16xi1> -> vector<16xi32>
      %reduce_sum3A_264 = vector.extract %reduce_sum3A_263[15] : i32 from vector<16xi32>
      %add3A_265 = arith.addi %add3A_234, %reduce_sum3A_264 : i32
      %get3A_266 = arith.index_cast %add3A_172 : i32 to index
      %get3A_267 = arith.constant 48 : index
      %get3A_268 = tpu.vector_load %arg8[%get3A_266, %get3A_267] {strides = array<i32>} : memref<157x128xi32, #tpu.memory_space<vmem>>, vector<16xi32>,
      %get3A_269 = arith.index_cast %add3A_172 : i32 to index
      %get3A_270 = arith.constant 48 : index
      %get3A_271 = tpu.vector_load %arg9[%get3A_269, %get3A_270] {strides = array<i32>} : memref<157x128xi32, #tpu.memory_space<vmem>>, vector<16xi32>,
      %sub3A_272 = arith.subi %get3A_271, %broadcast_in_dim3A_40 : vector<16xi32>
      %ge3A_273 = arith.constant 0 : i32
      %ge3A_274 = vector.broadcast %ge3A_273 : i32 to vector<16xi32>
      %ge3A_275 = arith.cmpi sge, %sub3A_272, %ge3A_274 : vector<16xi32>
      %lt3A_276 = arith.constant 5120 : i32
      %lt3A_277 = vector.broadcast %lt3A_276 : i32 to vector<16xi32>
      %lt3A_278 = arith.cmpi slt, %sub3A_272, %lt3A_277 : vector<16xi32>
      %and3A_279 = arith.andi %ge3A_275, %lt3A_278 : vector<16xi1>
      %broadcast_in_dim3A_280 = arith.constant 1 : i32
      %broadcast_in_dim3A_281 = vector.broadcast %broadcast_in_dim3A_280 : i32 to vector<16xi32>
      %broadcast_in_dim3A_282 = arith.constant 0 : i32
      %broadcast_in_dim3A_283 = vector.broadcast %broadcast_in_dim3A_282 : i32 to vector<16xi32>
      %select_n3A_284 = arith.select %and3A_279, %broadcast_in_dim3A_281, %broadcast_in_dim3A_283 : vector<16xi1>, vector<16xi32>
      %broadcast_in_dim3A_285 = arith.constant true
      %broadcast_in_dim3A_286 = vector.broadcast %broadcast_in_dim3A_285 : i1 to vector<16xi1>
      %masked_cumsum3A_287 = tpu.scan <sum>, %select_n3A_284 masked %broadcast_in_dim3A_286 : vector<16xi32>, vector<16xi1> -> vector<16xi32>
      %sub3A_288 = arith.constant 1 : i32
      %sub3A_289 = arith.subi %add3A_265, %sub3A_288 : i32
      %broadcast_in_dim3A_290 = vector.broadcast %sub3A_289 : i32 to vector<16xi32>
      %add3A_291 = arith.addi %masked_cumsum3A_287, %broadcast_in_dim3A_290 : vector<16xi32>
      tpu.vector_store_idx %arg10[%add3A_291], %get3A_268 masked %and3A_279 : memref<20096xi32, #tpu.memory_space<vmem>>[vector<16xi32>], vector<16xi32>, vector<16xi1>
      tpu.vector_store_idx %arg11[%add3A_291], %sub3A_272 masked %and3A_279 : memref<20096xi32, #tpu.memory_space<vmem>>[vector<16xi32>], vector<16xi32>, vector<16xi1>
      %reduce_sum3A_292 = arith.constant true
      %reduce_sum3A_293 = vector.broadcast %reduce_sum3A_292 : i1 to vector<16xi1>
      %reduce_sum3A_294 = tpu.scan <sum>, %select_n3A_284 masked %reduce_sum3A_293 : vector<16xi32>, vector<16xi1> -> vector<16xi32>
      %reduce_sum3A_295 = vector.extract %reduce_sum3A_294[15] : i32 from vector<16xi32>
      %add3A_296 = arith.addi %add3A_265, %reduce_sum3A_295 : i32
      %get3A_297 = arith.index_cast %add3A_172 : i32 to index
      %get3A_298 = arith.constant 64 : index
      %get3A_299 = tpu.vector_load %arg8[%get3A_297, %get3A_298] {strides = array<i32>} : memref<157x128xi32, #tpu.memory_space<vmem>>, vector<16xi32>,
      %get3A_300 = arith.index_cast %add3A_172 : i32 to index
      %get3A_301 = arith.constant 64 : index
      %get3A_302 = tpu.vector_load %arg9[%get3A_300, %get3A_301] {strides = array<i32>} : memref<157x128xi32, #tpu.memory_space<vmem>>, vector<16xi32>,
      %sub3A_303 = arith.subi %get3A_302, %broadcast_in_dim3A_40 : vector<16xi32>
      %ge3A_304 = arith.constant 0 : i32
      %ge3A_305 = vector.broadcast %ge3A_304 : i32 to vector<16xi32>
      %ge3A_306 = arith.cmpi sge, %sub3A_303, %ge3A_305 : vector<16xi32>
      %lt3A_307 = arith.constant 5120 : i32
      %lt3A_308 = vector.broadcast %lt3A_307 : i32 to vector<16xi32>
      %lt3A_309 = arith.cmpi slt, %sub3A_303, %lt3A_308 : vector<16xi32>
      %and3A_310 = arith.andi %ge3A_306, %lt3A_309 : vector<16xi1>
      %broadcast_in_dim3A_311 = arith.constant 1 : i32
      %broadcast_in_dim3A_312 = vector.broadcast %broadcast_in_dim3A_311 : i32 to vector<16xi32>
      %broadcast_in_dim3A_313 = arith.constant 0 : i32
      %broadcast_in_dim3A_314 = vector.broadcast %broadcast_in_dim3A_313 : i32 to vector<16xi32>
      %select_n3A_315 = arith.select %and3A_310, %broadcast_in_dim3A_312, %broadcast_in_dim3A_314 : vector<16xi1>, vector<16xi32>
      %broadcast_in_dim3A_316 = arith.constant true
      %broadcast_in_dim3A_317 = vector.broadcast %broadcast_in_dim3A_316 : i1 to vector<16xi1>
      %masked_cumsum3A_318 = tpu.scan <sum>, %select_n3A_315 masked %broadcast_in_dim3A_317 : vector<16xi32>, vector<16xi1> -> vector<16xi32>
      %sub3A_319 = arith.constant 1 : i32
      %sub3A_320 = arith.subi %add3A_296, %sub3A_319 : i32
      %broadcast_in_dim3A_321 = vector.broadcast %sub3A_320 : i32 to vector<16xi32>
      %add3A_322 = arith.addi %masked_cumsum3A_318, %broadcast_in_dim3A_321 : vector<16xi32>
      tpu.vector_store_idx %arg10[%add3A_322], %get3A_299 masked %and3A_310 : memref<20096xi32, #tpu.memory_space<vmem>>[vector<16xi32>], vector<16xi32>, vector<16xi1>
      tpu.vector_store_idx %arg11[%add3A_322], %sub3A_303 masked %and3A_310 : memref<20096xi32, #tpu.memory_space<vmem>>[vector<16xi32>], vector<16xi32>, vector<16xi1>
      %reduce_sum3A_323 = arith.constant true
      %reduce_sum3A_324 = vector.broadcast %reduce_sum3A_323 : i1 to vector<16xi1>
      %reduce_sum3A_325 = tpu.scan <sum>, %select_n3A_315 masked %reduce_sum3A_324 : vector<16xi32>, vector<16xi1> -> vector<16xi32>
      %reduce_sum3A_326 = vector.extract %reduce_sum3A_325[15] : i32 from vector<16xi32>
      %add3A_327 = arith.addi %add3A_296, %reduce_sum3A_326 : i32
      %get3A_328 = arith.index_cast %add3A_172 : i32 to index
      %get3A_329 = arith.constant 80 : index
      %get3A_330 = tpu.vector_load %arg8[%get3A_328, %get3A_329] {strides = array<i32>} : memref<157x128xi32, #tpu.memory_space<vmem>>, vector<16xi32>,
      %get3A_331 = arith.index_cast %add3A_172 : i32 to index
      %get3A_332 = arith.constant 80 : index
      %get3A_333 = tpu.vector_load %arg9[%get3A_331, %get3A_332] {strides = array<i32>} : memref<157x128xi32, #tpu.memory_space<vmem>>, vector<16xi32>,
      %sub3A_334 = arith.subi %get3A_333, %broadcast_in_dim3A_40 : vector<16xi32>
      %ge3A_335 = arith.constant 0 : i32
      %ge3A_336 = vector.broadcast %ge3A_335 : i32 to vector<16xi32>
      %ge3A_337 = arith.cmpi sge, %sub3A_334, %ge3A_336 : vector<16xi32>
      %lt3A_338 = arith.constant 5120 : i32
      %lt3A_339 = vector.broadcast %lt3A_338 : i32 to vector<16xi32>
      %lt3A_340 = arith.cmpi slt, %sub3A_334, %lt3A_339 : vector<16xi32>
      %and3A_341 = arith.andi %ge3A_337, %lt3A_340 : vector<16xi1>
      %broadcast_in_dim3A_342 = arith.constant 1 : i32
      %broadcast_in_dim3A_343 = vector.broadcast %broadcast_in_dim3A_342 : i32 to vector<16xi32>
      %broadcast_in_dim3A_344 = arith.constant 0 : i32
      %broadcast_in_dim3A_345 = vector.broadcast %broadcast_in_dim3A_344 : i32 to vector<16xi32>
      %select_n3A_346 = arith.select %and3A_341, %broadcast_in_dim3A_343, %broadcast_in_dim3A_345 : vector<16xi1>, vector<16xi32>
      %broadcast_in_dim3A_347 = arith.constant true
      %broadcast_in_dim3A_348 = vector.broadcast %broadcast_in_dim3A_347 : i1 to vector<16xi1>
      %masked_cumsum3A_349 = tpu.scan <sum>, %select_n3A_346 masked %broadcast_in_dim3A_348 : vector<16xi32>, vector<16xi1> -> vector<16xi32>
      %sub3A_350 = arith.constant 1 : i32
      %sub3A_351 = arith.subi %add3A_327, %sub3A_350 : i32
      %broadcast_in_dim3A_352 = vector.broadcast %sub3A_351 : i32 to vector<16xi32>
      %add3A_353 = arith.addi %masked_cumsum3A_349, %broadcast_in_dim3A_352 : vector<16xi32>
      tpu.vector_store_idx %arg10[%add3A_353], %get3A_330 masked %and3A_341 : memref<20096xi32, #tpu.memory_space<vmem>>[vector<16xi32>], vector<16xi32>, vector<16xi1>
      tpu.vector_store_idx %arg11[%add3A_353], %sub3A_334 masked %and3A_341 : memref<20096xi32, #tpu.memory_space<vmem>>[vector<16xi32>], vector<16xi32>, vector<16xi1>
      %reduce_sum3A_354 = arith.constant true
      %reduce_sum3A_355 = vector.broadcast %reduce_sum3A_354 : i1 to vector<16xi1>
      %reduce_sum3A_356 = tpu.scan <sum>, %select_n3A_346 masked %reduce_sum3A_355 : vector<16xi32>, vector<16xi1> -> vector<16xi32>
      %reduce_sum3A_357 = vector.extract %reduce_sum3A_356[15] : i32 from vector<16xi32>
      %add3A_358 = arith.addi %add3A_327, %reduce_sum3A_357 : i32
      %get3A_359 = arith.index_cast %add3A_172 : i32 to index
      %get3A_360 = arith.constant 96 : index
      %get3A_361 = tpu.vector_load %arg8[%get3A_359, %get3A_360] {strides = array<i32>} : memref<157x128xi32, #tpu.memory_space<vmem>>, vector<16xi32>,
      %get3A_362 = arith.index_cast %add3A_172 : i32 to index
      %get3A_363 = arith.constant 96 : index
      %get3A_364 = tpu.vector_load %arg9[%get3A_362, %get3A_363] {strides = array<i32>} : memref<157x128xi32, #tpu.memory_space<vmem>>, vector<16xi32>,
      %sub3A_365 = arith.subi %get3A_364, %broadcast_in_dim3A_40 : vector<16xi32>
      %ge3A_366 = arith.constant 0 : i32
      %ge3A_367 = vector.broadcast %ge3A_366 : i32 to vector<16xi32>
      %ge3A_368 = arith.cmpi sge, %sub3A_365, %ge3A_367 : vector<16xi32>
      %lt3A_369 = arith.constant 5120 : i32
      %lt3A_370 = vector.broadcast %lt3A_369 : i32 to vector<16xi32>
      %lt3A_371 = arith.cmpi slt, %sub3A_365, %lt3A_370 : vector<16xi32>
      %and3A_372 = arith.andi %ge3A_368, %lt3A_371 : vector<16xi1>
      %broadcast_in_dim3A_373 = arith.constant 1 : i32
      %broadcast_in_dim3A_374 = vector.broadcast %broadcast_in_dim3A_373 : i32 to vector<16xi32>
      %broadcast_in_dim3A_375 = arith.constant 0 : i32
      %broadcast_in_dim3A_376 = vector.broadcast %broadcast_in_dim3A_375 : i32 to vector<16xi32>
      %select_n3A_377 = arith.select %and3A_372, %broadcast_in_dim3A_374, %broadcast_in_dim3A_376 : vector<16xi1>, vector<16xi32>
      %broadcast_in_dim3A_378 = arith.constant true
      %broadcast_in_dim3A_379 = vector.broadcast %broadcast_in_dim3A_378 : i1 to vector<16xi1>
      %masked_cumsum3A_380 = tpu.scan <sum>, %select_n3A_377 masked %broadcast_in_dim3A_379 : vector<16xi32>, vector<16xi1> -> vector<16xi32>
      %sub3A_381 = arith.constant 1 : i32
      %sub3A_382 = arith.subi %add3A_358, %sub3A_381 : i32
      %broadcast_in_dim3A_383 = vector.broadcast %sub3A_382 : i32 to vector<16xi32>
      %add3A_384 = arith.addi %masked_cumsum3A_380, %broadcast_in_dim3A_383 : vector<16xi32>
      tpu.vector_store_idx %arg10[%add3A_384], %get3A_361 masked %and3A_372 : memref<20096xi32, #tpu.memory_space<vmem>>[vector<16xi32>], vector<16xi32>, vector<16xi1>
      tpu.vector_store_idx %arg11[%add3A_384], %sub3A_365 masked %and3A_372 : memref<20096xi32, #tpu.memory_space<vmem>>[vector<16xi32>], vector<16xi32>, vector<16xi1>
      %reduce_sum3A_385 = arith.constant true
      %reduce_sum3A_386 = vector.broadcast %reduce_sum3A_385 : i1 to vector<16xi1>
      %reduce_sum3A_387 = tpu.scan <sum>, %select_n3A_377 masked %reduce_sum3A_386 : vector<16xi32>, vector<16xi1> -> vector<16xi32>
      %reduce_sum3A_388 = vector.extract %reduce_sum3A_387[15] : i32 from vector<16xi32>
      %add3A_389 = arith.addi %add3A_358, %reduce_sum3A_388 : i32
      %get3A_390 = arith.index_cast %add3A_172 : i32 to index
      %get3A_391 = arith.constant 112 : index
      %get3A_392 = tpu.vector_load %arg8[%get3A_390, %get3A_391] {strides = array<i32>} : memref<157x128xi32, #tpu.memory_space<vmem>>, vector<16xi32>,
      %get3A_393 = arith.index_cast %add3A_172 : i32 to index
      %get3A_394 = arith.constant 112 : index
      %get3A_395 = tpu.vector_load %arg9[%get3A_393, %get3A_394] {strides = array<i32>} : memref<157x128xi32, #tpu.memory_space<vmem>>, vector<16xi32>,
      %sub3A_396 = arith.subi %get3A_395, %broadcast_in_dim3A_40 : vector<16xi32>
      %ge3A_397 = arith.constant 0 : i32
      %ge3A_398 = vector.broadcast %ge3A_397 : i32 to vector<16xi32>
      %ge3A_399 = arith.cmpi sge, %sub3A_396, %ge3A_398 : vector<16xi32>
      %lt3A_400 = arith.constant 5120 : i32
      %lt3A_401 = vector.broadcast %lt3A_400 : i32 to vector<16xi32>
      %lt3A_402 = arith.cmpi slt, %sub3A_396, %lt3A_401 : vector<16xi32>
      %and3A_403 = arith.andi %ge3A_399, %lt3A_402 : vector<16xi1>
      %broadcast_in_dim3A_404 = arith.constant 1 : i32
      %broadcast_in_dim3A_405 = vector.broadcast %broadcast_in_dim3A_404 : i32 to vector<16xi32>
      %broadcast_in_dim3A_406 = arith.constant 0 : i32
      %broadcast_in_dim3A_407 = vector.broadcast %broadcast_in_dim3A_406 : i32 to vector<16xi32>
      %select_n3A_408 = arith.select %and3A_403, %broadcast_in_dim3A_405, %broadcast_in_dim3A_407 : vector<16xi1>, vector<16xi32>
      %broadcast_in_dim3A_409 = arith.constant true
      %broadcast_in_dim3A_410 = vector.broadcast %broadcast_in_dim3A_409 : i1 to vector<16xi1>
      %masked_cumsum3A_411 = tpu.scan <sum>, %select_n3A_408 masked %broadcast_in_dim3A_410 : vector<16xi32>, vector<16xi1> -> vector<16xi32>
      %sub3A_412 = arith.constant 1 : i32
      %sub3A_413 = arith.subi %add3A_389, %sub3A_412 : i32
      %broadcast_in_dim3A_414 = vector.broadcast %sub3A_413 : i32 to vector<16xi32>
      %add3A_415 = arith.addi %masked_cumsum3A_411, %broadcast_in_dim3A_414 : vector<16xi32>
      tpu.vector_store_idx %arg10[%add3A_415], %get3A_392 masked %and3A_403 : memref<20096xi32, #tpu.memory_space<vmem>>[vector<16xi32>], vector<16xi32>, vector<16xi1>
      tpu.vector_store_idx %arg11[%add3A_415], %sub3A_396 masked %and3A_403 : memref<20096xi32, #tpu.memory_space<vmem>>[vector<16xi32>], vector<16xi32>, vector<16xi1>
      %reduce_sum3A_416 = arith.constant true
      %reduce_sum3A_417 = vector.broadcast %reduce_sum3A_416 : i1 to vector<16xi1>
      %reduce_sum3A_418 = tpu.scan <sum>, %select_n3A_408 masked %reduce_sum3A_417 : vector<16xi32>, vector<16xi1> -> vector<16xi32>
      %reduce_sum3A_419 = vector.extract %reduce_sum3A_418[15] : i32 from vector<16xi32>
      %add3A_420 = arith.addi %add3A_389, %reduce_sum3A_419 : i32
      %ge3A_421 = arith.constant 8 : i32
      %ge3A_422 = arith.cmpi sge, %add3A_172, %ge3A_421 : i32
      %convert_element_type3A = arith.extui %ge3A_422 : i1 to i32
      %cond3A = arith.constant 0 : i32
      %cond3A_423 = arith.cmpi ne, %convert_element_type3A, %cond3A : i32
      scf.if %cond3A_423 {
        %dma_wait3A_424 = arith.constant 0 : i32
        %dma_wait3A_425 = arith.constant 0 : i32
        %dma_wait3A_426 = tpu.memref_slice %arg9[%dma_wait3A_424, %dma_wait3A_425] : memref<157x128xi32, #tpu.memory_space<vmem>> -> memref<1x128xi32, #tpu.memory_space<vmem>>
        %dma_wait3A_427 = tpu.memref_squeeze %dma_wait3A_426 : memref<1x128xi32, #tpu.memory_space<vmem>> -> memref<128xi32, #tpu.memory_space<vmem>>
        %dma_wait3A_428 = arith.constant 0 : i32
        %dma_wait3A_429 = tpu.memref_slice %arg16[%dma_wait3A_428] : memref<10240xf32, #tpu.memory_space<vmem_shared>> -> memref<10240xf32, #tpu.memory_space<vmem_shared>>
        tpu.wait_indirect_dma semaphore(%arg15 : memref<!tpu.dma_semaphore, #tpu.memory_space<semaphore_mem>>) src(%arg12 : memref<128xf32, #tpu.memory_space<vmem>>) dst(%dma_wait3A_429 : memref<10240xf32, #tpu.memory_space<vmem_shared>>)
      } else {
      }
      scf.yield %add3A_420 : i32
    }
    %scan3A_47 = arith.constant 157 : i32
    %dma_wait3A = arith.constant 0 : i32
    %dma_wait3A_48 = arith.constant 0 : i32
    %dma_wait3A_49 = tpu.memref_slice %arg9[%dma_wait3A, %dma_wait3A_48] : memref<157x128xi32, #tpu.memory_space<vmem>> -> memref<1x128xi32, #tpu.memory_space<vmem>>
    %dma_wait3A_50 = tpu.memref_squeeze %dma_wait3A_49 : memref<1x128xi32, #tpu.memory_space<vmem>> -> memref<128xi32, #tpu.memory_space<vmem>>
    %dma_wait3A_51 = arith.constant 0 : i32
    %dma_wait3A_52 = tpu.memref_slice %arg16[%dma_wait3A_51] : memref<10240xf32, #tpu.memory_space<vmem_shared>> -> memref<10240xf32, #tpu.memory_space<vmem_shared>>
    tpu.wait_indirect_dma semaphore(%arg15 : memref<!tpu.dma_semaphore, #tpu.memory_space<semaphore_mem>>) src(%arg12 : memref<128xf32, #tpu.memory_space<vmem>>) dst(%dma_wait3A_52 : memref<10240xf32, #tpu.memory_space<vmem_shared>>)
    %dma_wait3A_53 = arith.constant 0 : i32
    %dma_wait3A_54 = arith.constant 0 : i32
    %dma_wait3A_55 = tpu.memref_slice %arg9[%dma_wait3A_53, %dma_wait3A_54] : memref<157x128xi32, #tpu.memory_space<vmem>> -> memref<1x128xi32, #tpu.memory_space<vmem>>
    %dma_wait3A_56 = tpu.memref_squeeze %dma_wait3A_55 : memref<1x128xi32, #tpu.memory_space<vmem>> -> memref<128xi32, #tpu.memory_space<vmem>>
    %dma_wait3A_57 = arith.constant 0 : i32
    %dma_wait3A_58 = tpu.memref_slice %arg16[%dma_wait3A_57] : memref<10240xf32, #tpu.memory_space<vmem_shared>> -> memref<10240xf32, #tpu.memory_space<vmem_shared>>
    tpu.wait_indirect_dma semaphore(%arg15 : memref<!tpu.dma_semaphore, #tpu.memory_space<semaphore_mem>>) src(%arg12 : memref<128xf32, #tpu.memory_space<vmem>>) dst(%dma_wait3A_58 : memref<10240xf32, #tpu.memory_space<vmem_shared>>)
    %dma_wait3A_59 = arith.constant 0 : i32
    %dma_wait3A_60 = arith.constant 0 : i32
    %dma_wait3A_61 = tpu.memref_slice %arg9[%dma_wait3A_59, %dma_wait3A_60] : memref<157x128xi32, #tpu.memory_space<vmem>> -> memref<1x128xi32, #tpu.memory_space<vmem>>
    %dma_wait3A_62 = tpu.memref_squeeze %dma_wait3A_61 : memref<1x128xi32, #tpu.memory_space<vmem>> -> memref<128xi32, #tpu.memory_space<vmem>>
    %dma_wait3A_63 = arith.constant 0 : i32
    %dma_wait3A_64 = tpu.memref_slice %arg16[%dma_wait3A_63] : memref<10240xf32, #tpu.memory_space<vmem_shared>> -> memref<10240xf32, #tpu.memory_space<vmem_shared>>
    tpu.wait_indirect_dma semaphore(%arg15 : memref<!tpu.dma_semaphore, #tpu.memory_space<semaphore_mem>>) src(%arg12 : memref<128xf32, #tpu.memory_space<vmem>>) dst(%dma_wait3A_64 : memref<10240xf32, #tpu.memory_space<vmem_shared>>)
    %dma_wait3A_65 = arith.constant 0 : i32
    %dma_wait3A_66 = arith.constant 0 : i32
    %dma_wait3A_67 = tpu.memref_slice %arg9[%dma_wait3A_65, %dma_wait3A_66] : memref<157x128xi32, #tpu.memory_space<vmem>> -> memref<1x128xi32, #tpu.memory_space<vmem>>
    %dma_wait3A_68 = tpu.memref_squeeze %dma_wait3A_67 : memref<1x128xi32, #tpu.memory_space<vmem>> -> memref<128xi32, #tpu.memory_space<vmem>>
    %dma_wait3A_69 = arith.constant 0 : i32
    %dma_wait3A_70 = tpu.memref_slice %arg16[%dma_wait3A_69] : memref<10240xf32, #tpu.memory_space<vmem_shared>> -> memref<10240xf32, #tpu.memory_space<vmem_shared>>
    tpu.wait_indirect_dma semaphore(%arg15 : memref<!tpu.dma_semaphore, #tpu.memory_space<semaphore_mem>>) src(%arg12 : memref<128xf32, #tpu.memory_space<vmem>>) dst(%dma_wait3A_70 : memref<10240xf32, #tpu.memory_space<vmem_shared>>)
    %dma_wait3A_71 = arith.constant 0 : i32
    %dma_wait3A_72 = arith.constant 0 : i32
    %dma_wait3A_73 = tpu.memref_slice %arg9[%dma_wait3A_71, %dma_wait3A_72] : memref<157x128xi32, #tpu.memory_space<vmem>> -> memref<1x128xi32, #tpu.memory_space<vmem>>
    %dma_wait3A_74 = tpu.memref_squeeze %dma_wait3A_73 : memref<1x128xi32, #tpu.memory_space<vmem>> -> memref<128xi32, #tpu.memory_space<vmem>>
    %dma_wait3A_75 = arith.constant 0 : i32
    %dma_wait3A_76 = tpu.memref_slice %arg16[%dma_wait3A_75] : memref<10240xf32, #tpu.memory_space<vmem_shared>> -> memref<10240xf32, #tpu.memory_space<vmem_shared>>
    tpu.wait_indirect_dma semaphore(%arg15 : memref<!tpu.dma_semaphore, #tpu.memory_space<semaphore_mem>>) src(%arg12 : memref<128xf32, #tpu.memory_space<vmem>>) dst(%dma_wait3A_76 : memref<10240xf32, #tpu.memory_space<vmem_shared>>)
    %dma_wait3A_77 = arith.constant 0 : i32
    %dma_wait3A_78 = arith.constant 0 : i32
    %dma_wait3A_79 = tpu.memref_slice %arg9[%dma_wait3A_77, %dma_wait3A_78] : memref<157x128xi32, #tpu.memory_space<vmem>> -> memref<1x128xi32, #tpu.memory_space<vmem>>
    %dma_wait3A_80 = tpu.memref_squeeze %dma_wait3A_79 : memref<1x128xi32, #tpu.memory_space<vmem>> -> memref<128xi32, #tpu.memory_space<vmem>>
    %dma_wait3A_81 = arith.constant 0 : i32
    %dma_wait3A_82 = tpu.memref_slice %arg16[%dma_wait3A_81] : memref<10240xf32, #tpu.memory_space<vmem_shared>> -> memref<10240xf32, #tpu.memory_space<vmem_shared>>
    tpu.wait_indirect_dma semaphore(%arg15 : memref<!tpu.dma_semaphore, #tpu.memory_space<semaphore_mem>>) src(%arg12 : memref<128xf32, #tpu.memory_space<vmem>>) dst(%dma_wait3A_82 : memref<10240xf32, #tpu.memory_space<vmem_shared>>)
    %dma_wait3A_83 = arith.constant 0 : i32
    %dma_wait3A_84 = arith.constant 0 : i32
    %dma_wait3A_85 = tpu.memref_slice %arg9[%dma_wait3A_83, %dma_wait3A_84] : memref<157x128xi32, #tpu.memory_space<vmem>> -> memref<1x128xi32, #tpu.memory_space<vmem>>
    %dma_wait3A_86 = tpu.memref_squeeze %dma_wait3A_85 : memref<1x128xi32, #tpu.memory_space<vmem>> -> memref<128xi32, #tpu.memory_space<vmem>>
    %dma_wait3A_87 = arith.constant 0 : i32
    %dma_wait3A_88 = tpu.memref_slice %arg16[%dma_wait3A_87] : memref<10240xf32, #tpu.memory_space<vmem_shared>> -> memref<10240xf32, #tpu.memory_space<vmem_shared>>
    tpu.wait_indirect_dma semaphore(%arg15 : memref<!tpu.dma_semaphore, #tpu.memory_space<semaphore_mem>>) src(%arg12 : memref<128xf32, #tpu.memory_space<vmem>>) dst(%dma_wait3A_88 : memref<10240xf32, #tpu.memory_space<vmem_shared>>)
    %dma_wait3A_89 = arith.constant 0 : i32
    %dma_wait3A_90 = arith.constant 0 : i32
    %dma_wait3A_91 = tpu.memref_slice %arg9[%dma_wait3A_89, %dma_wait3A_90] : memref<157x128xi32, #tpu.memory_space<vmem>> -> memref<1x128xi32, #tpu.memory_space<vmem>>
    %dma_wait3A_92 = tpu.memref_squeeze %dma_wait3A_91 : memref<1x128xi32, #tpu.memory_space<vmem>> -> memref<128xi32, #tpu.memory_space<vmem>>
    %dma_wait3A_93 = arith.constant 0 : i32
    %dma_wait3A_94 = tpu.memref_slice %arg16[%dma_wait3A_93] : memref<10240xf32, #tpu.memory_space<vmem_shared>> -> memref<10240xf32, #tpu.memory_space<vmem_shared>>
    tpu.wait_indirect_dma semaphore(%arg15 : memref<!tpu.dma_semaphore, #tpu.memory_space<semaphore_mem>>) src(%arg12 : memref<128xf32, #tpu.memory_space<vmem>>) dst(%dma_wait3A_94 : memref<10240xf32, #tpu.memory_space<vmem_shared>>)
    %add3A_95 = arith.constant 128 : i32
    %add3A_96 = arith.addi %scan3A_46, %add3A_95 : i32
    %sub3A = arith.constant 1 : i32
    %sub3A_97 = arith.subi %add3A_96, %sub3A : i32
    %jit3A = arith.constant 128 : i32
    %div3A = arith.divsi %sub3A_97, %jit3A : i32
    %sign3A = arith.constant 0 : i32
    %sign3A_98 = arith.cmpi sgt, %sub3A_97, %sign3A : i32
    %sign3A_99 = arith.extui %sign3A_98 : i1 to i32
    %sign3A_100 = arith.constant 0 : i32
    %sign3A_101 = arith.cmpi slt, %sub3A_97, %sign3A_100 : i32
    %sign3A_102 = arith.extui %sign3A_101 : i1 to i32
    %sign3A_103 = arith.subi %sign3A_99, %sign3A_102 : i32
    %sign3A_104 = arith.constant 0 : i32
    %sign3A_105 = arith.cmpi sgt, %jit3A, %sign3A_104 : i32
    %sign3A_106 = arith.extui %sign3A_105 : i1 to i32
    %sign3A_107 = arith.constant 0 : i32
    %sign3A_108 = arith.cmpi slt, %jit3A, %sign3A_107 : i32
    %sign3A_109 = arith.extui %sign3A_108 : i1 to i32
    %sign3A_110 = arith.subi %sign3A_106, %sign3A_109 : i32
    %ne3A = arith.cmpi ne, %sign3A_103, %sign3A_110 : i32
    %rem3A = arith.remsi %sub3A_97, %jit3A : i32
    %ne3A_111 = arith.constant 0 : i32
    %ne3A_112 = arith.cmpi ne, %rem3A, %ne3A_111 : i32
    %and3A_113 = arith.andi %ne3A, %ne3A_112 : i1
    %sub3A_114 = arith.constant 1 : i32
    %sub3A_115 = arith.subi %div3A, %sub3A_114 : i32
    %select_n3A = arith.select %and3A_113, %sub3A_115, %div3A : i32
    %mul3A_116 = arith.constant 128 : i32
    %mul3A_117 = arith.muli %select_n3A, %mul3A_116 : i32
    %max3A = arith.constant 128 : i32
    %max3A_118 = arith.maxsi %mul3A_117, %max3A : i32
    %broadcast_in_dim3A_119 = vector.broadcast %max3A_118 : i32 to vector<16xi32>
    %add3A_120 = arith.constant 0 : i32
    %add3A_121 = arith.addi %scan3A_46, %add3A_120 : i32
    %broadcast_in_dim3A_122 = vector.broadcast %add3A_121 : i32 to vector<16xi32>
    %add3A_123 = arith.addi %iota3A, %broadcast_in_dim3A_122 : vector<16xi32>
    %lt3A = arith.cmpi slt, %add3A_123, %broadcast_in_dim3A_119 : vector<16xi32>
    tpu.vector_store_idx %arg10[%add3A_123], %add3A_30 masked %lt3A : memref<20096xi32, #tpu.memory_space<vmem>>[vector<16xi32>], vector<16xi32>, vector<16xi1>
    tpu.vector_store_idx %arg11[%add3A_123], %add3A_37 masked %lt3A : memref<20096xi32, #tpu.memory_space<vmem>>[vector<16xi32>], vector<16xi32>, vector<16xi1>
    %add3A_124 = arith.constant 16 : i32
    %add3A_125 = arith.addi %scan3A_46, %add3A_124 : i32
    %broadcast_in_dim3A_126 = vector.broadcast %add3A_125 : i32 to vector<16xi32>
    %add3A_127 = arith.addi %iota3A, %broadcast_in_dim3A_126 : vector<16xi32>
    %lt3A_128 = arith.cmpi slt, %add3A_127, %broadcast_in_dim3A_119 : vector<16xi32>
    tpu.vector_store_idx %arg10[%add3A_127], %add3A_30 masked %lt3A_128 : memref<20096xi32, #tpu.memory_space<vmem>>[vector<16xi32>], vector<16xi32>, vector<16xi1>
    tpu.vector_store_idx %arg11[%add3A_127], %add3A_37 masked %lt3A_128 : memref<20096xi32, #tpu.memory_space<vmem>>[vector<16xi32>], vector<16xi32>, vector<16xi1>
    %add3A_129 = arith.constant 32 : i32
    %add3A_130 = arith.addi %scan3A_46, %add3A_129 : i32
    %broadcast_in_dim3A_131 = vector.broadcast %add3A_130 : i32 to vector<16xi32>
    %add3A_132 = arith.addi %iota3A, %broadcast_in_dim3A_131 : vector<16xi32>
    %lt3A_133 = arith.cmpi slt, %add3A_132, %broadcast_in_dim3A_119 : vector<16xi32>
    tpu.vector_store_idx %arg10[%add3A_132], %add3A_30 masked %lt3A_133 : memref<20096xi32, #tpu.memory_space<vmem>>[vector<16xi32>], vector<16xi32>, vector<16xi1>
    tpu.vector_store_idx %arg11[%add3A_132], %add3A_37 masked %lt3A_133 : memref<20096xi32, #tpu.memory_space<vmem>>[vector<16xi32>], vector<16xi32>, vector<16xi1>
    %add3A_134 = arith.constant 48 : i32
    %add3A_135 = arith.addi %scan3A_46, %add3A_134 : i32
    %broadcast_in_dim3A_136 = vector.broadcast %add3A_135 : i32 to vector<16xi32>
    %add3A_137 = arith.addi %iota3A, %broadcast_in_dim3A_136 : vector<16xi32>
    %lt3A_138 = arith.cmpi slt, %add3A_137, %broadcast_in_dim3A_119 : vector<16xi32>
    tpu.vector_store_idx %arg10[%add3A_137], %add3A_30 masked %lt3A_138 : memref<20096xi32, #tpu.memory_space<vmem>>[vector<16xi32>], vector<16xi32>, vector<16xi1>
    tpu.vector_store_idx %arg11[%add3A_137], %add3A_37 masked %lt3A_138 : memref<20096xi32, #tpu.memory_space<vmem>>[vector<16xi32>], vector<16xi32>, vector<16xi1>
    %add3A_139 = arith.constant 64 : i32
    %add3A_140 = arith.addi %scan3A_46, %add3A_139 : i32
    %broadcast_in_dim3A_141 = vector.broadcast %add3A_140 : i32 to vector<16xi32>
    %add3A_142 = arith.addi %iota3A, %broadcast_in_dim3A_141 : vector<16xi32>
    %lt3A_143 = arith.cmpi slt, %add3A_142, %broadcast_in_dim3A_119 : vector<16xi32>
    tpu.vector_store_idx %arg10[%add3A_142], %add3A_30 masked %lt3A_143 : memref<20096xi32, #tpu.memory_space<vmem>>[vector<16xi32>], vector<16xi32>, vector<16xi1>
    tpu.vector_store_idx %arg11[%add3A_142], %add3A_37 masked %lt3A_143 : memref<20096xi32, #tpu.memory_space<vmem>>[vector<16xi32>], vector<16xi32>, vector<16xi1>
    %add3A_144 = arith.constant 80 : i32
    %add3A_145 = arith.addi %scan3A_46, %add3A_144 : i32
    %broadcast_in_dim3A_146 = vector.broadcast %add3A_145 : i32 to vector<16xi32>
    %add3A_147 = arith.addi %iota3A, %broadcast_in_dim3A_146 : vector<16xi32>
    %lt3A_148 = arith.cmpi slt, %add3A_147, %broadcast_in_dim3A_119 : vector<16xi32>
    tpu.vector_store_idx %arg10[%add3A_147], %add3A_30 masked %lt3A_148 : memref<20096xi32, #tpu.memory_space<vmem>>[vector<16xi32>], vector<16xi32>, vector<16xi1>
    tpu.vector_store_idx %arg11[%add3A_147], %add3A_37 masked %lt3A_148 : memref<20096xi32, #tpu.memory_space<vmem>>[vector<16xi32>], vector<16xi32>, vector<16xi1>
    %add3A_149 = arith.constant 96 : i32
    %add3A_150 = arith.addi %scan3A_46, %add3A_149 : i32
    %broadcast_in_dim3A_151 = vector.broadcast %add3A_150 : i32 to vector<16xi32>
    %add3A_152 = arith.addi %iota3A, %broadcast_in_dim3A_151 : vector<16xi32>
    %lt3A_153 = arith.cmpi slt, %add3A_152, %broadcast_in_dim3A_119 : vector<16xi32>
    tpu.vector_store_idx %arg10[%add3A_152], %add3A_30 masked %lt3A_153 : memref<20096xi32, #tpu.memory_space<vmem>>[vector<16xi32>], vector<16xi32>, vector<16xi1>
    tpu.vector_store_idx %arg11[%add3A_152], %add3A_37 masked %lt3A_153 : memref<20096xi32, #tpu.memory_space<vmem>>[vector<16xi32>], vector<16xi32>, vector<16xi1>
    %add3A_154 = arith.constant 112 : i32
    %add3A_155 = arith.addi %scan3A_46, %add3A_154 : i32
    %broadcast_in_dim3A_156 = vector.broadcast %add3A_155 : i32 to vector<16xi32>
    %add3A_157 = arith.addi %iota3A, %broadcast_in_dim3A_156 : vector<16xi32>
    %lt3A_158 = arith.cmpi slt, %add3A_157, %broadcast_in_dim3A_119 : vector<16xi32>
    tpu.vector_store_idx %arg10[%add3A_157], %add3A_30 masked %lt3A_158 : memref<20096xi32, #tpu.memory_space<vmem>>[vector<16xi32>], vector<16xi32>, vector<16xi1>
    tpu.vector_store_idx %arg11[%add3A_157], %add3A_37 masked %lt3A_158 : memref<20096xi32, #tpu.memory_space<vmem>>[vector<16xi32>], vector<16xi32>, vector<16xi1>
    %broadcast_in_dim3A_159 = vector.broadcast %scan3A_46 : i32 to vector<16xi32>
    %swap3A_160 = arith.constant 0 : index
    %swap3A_161 = tpu.vector_load %arg14[%swap3A_160] {strides = array<i32>} : memref<16xi32, #tpu.memory_space<vmem>>, vector<16xi32>,
    tpu.vector_store %arg14[%swap3A_160], %broadcast_in_dim3A_159 {strides = array<i32>} : memref<16xi32, #tpu.memory_space<vmem>>, vector<16xi32>,
    "tpu.region"() ({
      %run_scoped3A = tpu.sem_alloc : memref<!tpu.dma_semaphore, #tpu.memory_space<semaphore_mem>>
      %dma_start3A = arith.constant 0 : i32
      %dma_start3A_167 = arith.constant 0 : i32
      %dma_start3A_168 = tpu.memref_slice %arg5[%arg0, %dma_start3A, %dma_start3A_167] : memref<2x16x20096xi32, #tpu.memory_space<hbm>> -> memref<1x16x20096xi32, #tpu.memory_space<hbm>>
      %dma_start3A_169 = tpu.memref_squeeze %dma_start3A_168 : memref<1x16x20096xi32, #tpu.memory_space<hbm>> -> memref<16x20096xi32, #tpu.memory_space<hbm>>
      %dma_start3A_170 = arith.constant 0 : i32
      %dma_start3A_171 = tpu.memref_slice %dma_start3A_169[%arg1, %dma_start3A_170] : memref<16x20096xi32, #tpu.memory_space<hbm>> -> memref<1x20096xi32, #tpu.memory_space<hbm>>
      %dma_start3A_172 = tpu.memref_squeeze %dma_start3A_171 : memref<1x20096xi32, #tpu.memory_space<hbm>> -> memref<20096xi32, #tpu.memory_space<hbm>>
      %dma_start3A_173 = arith.constant 0 : i32
      %dma_start3A_174 = arith.constant 0 : i32
      %dma_start3A_175 = tpu.memref_slice %arg5[%arg0, %dma_start3A_173, %dma_start3A_174] : memref<2x16x20096xi32, #tpu.memory_space<hbm>> -> memref<1x16x20096xi32, #tpu.memory_space<hbm>>
      %dma_start3A_176 = tpu.memref_squeeze %dma_start3A_175 : memref<1x16x20096xi32, #tpu.memory_space<hbm>> -> memref<16x20096xi32, #tpu.memory_space<hbm>>
      %dma_start3A_177 = arith.constant 0 : i32
      %dma_start3A_178 = tpu.memref_slice %dma_start3A_176[%arg1, %dma_start3A_177] : memref<16x20096xi32, #tpu.memory_space<hbm>> -> memref<1x20096xi32, #tpu.memory_space<hbm>>
      %dma_start3A_179 = tpu.memref_squeeze %dma_start3A_178 : memref<1x20096xi32, #tpu.memory_space<hbm>> -> memref<20096xi32, #tpu.memory_space<hbm>>
      tpu.enqueue_dma source(%arg10 : memref<20096xi32, #tpu.memory_space<vmem>>) target(%dma_start3A_179 : memref<20096xi32, #tpu.memory_space<hbm>>) target_semaphore(%run_scoped3A : memref<!tpu.dma_semaphore, #tpu.memory_space<semaphore_mem>>)
      %dma_wait3A_180 = arith.constant 0 : i32
      %dma_wait3A_181 = arith.constant 0 : i32
      %dma_wait3A_182 = tpu.memref_slice %arg5[%arg0, %dma_wait3A_180, %dma_wait3A_181] : memref<2x16x20096xi32, #tpu.memory_space<hbm>> -> memref<1x16x20096xi32, #tpu.memory_space<hbm>>
      %dma_wait3A_183 = tpu.memref_squeeze %dma_wait3A_182 : memref<1x16x20096xi32, #tpu.memory_space<hbm>> -> memref<16x20096xi32, #tpu.memory_space<hbm>>
      %dma_wait3A_184 = arith.constant 0 : i32
      %dma_wait3A_185 = tpu.memref_slice %dma_wait3A_183[%arg1, %dma_wait3A_184] : memref<16x20096xi32, #tpu.memory_space<hbm>> -> memref<1x20096xi32, #tpu.memory_space<hbm>>
      %dma_wait3A_186 = tpu.memref_squeeze %dma_wait3A_185 : memref<1x20096xi32, #tpu.memory_space<hbm>> -> memref<20096xi32, #tpu.memory_space<hbm>>
      %dma_wait3A_187 = arith.constant 0 : i32
      %dma_wait3A_188 = arith.constant 0 : i32
      %dma_wait3A_189 = tpu.memref_slice %arg5[%arg0, %dma_wait3A_187, %dma_wait3A_188] : memref<2x16x20096xi32, #tpu.memory_space<hbm>> -> memref<1x16x20096xi32, #tpu.memory_space<hbm>>
      %dma_wait3A_190 = tpu.memref_squeeze %dma_wait3A_189 : memref<1x16x20096xi32, #tpu.memory_space<hbm>> -> memref<16x20096xi32, #tpu.memory_space<hbm>>
      %dma_wait3A_191 = arith.constant 0 : i32
      %dma_wait3A_192 = tpu.memref_slice %dma_wait3A_190[%arg1, %dma_wait3A_191] : memref<16x20096xi32, #tpu.memory_space<hbm>> -> memref<1x20096xi32, #tpu.memory_space<hbm>>
      %dma_wait3A_193 = tpu.memref_squeeze %dma_wait3A_192 : memref<1x20096xi32, #tpu.memory_space<hbm>> -> memref<20096xi32, #tpu.memory_space<hbm>>
      tpu.wait_dma2 semaphore(%run_scoped3A : memref<!tpu.dma_semaphore, #tpu.memory_space<semaphore_mem>>) src(%arg10 : memref<20096xi32, #tpu.memory_space<vmem>>) dst(%dma_wait3A_193 : memref<20096xi32, #tpu.memory_space<hbm>>)
      tpu.yield
    }) : () -> ()
    "tpu.region"() ({
      %run_scoped3A = tpu.sem_alloc : memref<!tpu.dma_semaphore, #tpu.memory_space<semaphore_mem>>
      %dma_start3A = arith.constant 0 : i32
      %dma_start3A_167 = arith.constant 0 : i32
      %dma_start3A_168 = tpu.memref_slice %arg6[%arg0, %dma_start3A, %dma_start3A_167] : memref<2x16x20096xi32, #tpu.memory_space<hbm>> -> memref<1x16x20096xi32, #tpu.memory_space<hbm>>
      %dma_start3A_169 = tpu.memref_squeeze %dma_start3A_168 : memref<1x16x20096xi32, #tpu.memory_space<hbm>> -> memref<16x20096xi32, #tpu.memory_space<hbm>>
      %dma_start3A_170 = arith.constant 0 : i32
      %dma_start3A_171 = tpu.memref_slice %dma_start3A_169[%arg1, %dma_start3A_170] : memref<16x20096xi32, #tpu.memory_space<hbm>> -> memref<1x20096xi32, #tpu.memory_space<hbm>>
      %dma_start3A_172 = tpu.memref_squeeze %dma_start3A_171 : memref<1x20096xi32, #tpu.memory_space<hbm>> -> memref<20096xi32, #tpu.memory_space<hbm>>
      %dma_start3A_173 = arith.constant 0 : i32
      %dma_start3A_174 = arith.constant 0 : i32
      %dma_start3A_175 = tpu.memref_slice %arg6[%arg0, %dma_start3A_173, %dma_start3A_174] : memref<2x16x20096xi32, #tpu.memory_space<hbm>> -> memref<1x16x20096xi32, #tpu.memory_space<hbm>>
      %dma_start3A_176 = tpu.memref_squeeze %dma_start3A_175 : memref<1x16x20096xi32, #tpu.memory_space<hbm>> -> memref<16x20096xi32, #tpu.memory_space<hbm>>
      %dma_start3A_177 = arith.constant 0 : i32
      %dma_start3A_178 = tpu.memref_slice %dma_start3A_176[%arg1, %dma_start3A_177] : memref<16x20096xi32, #tpu.memory_space<hbm>> -> memref<1x20096xi32, #tpu.memory_space<hbm>>
      %dma_start3A_179 = tpu.memref_squeeze %dma_start3A_178 : memref<1x20096xi32, #tpu.memory_space<hbm>> -> memref<20096xi32, #tpu.memory_space<hbm>>
      tpu.enqueue_dma source(%arg11 : memref<20096xi32, #tpu.memory_space<vmem>>) target(%dma_start3A_179 : memref<20096xi32, #tpu.memory_space<hbm>>) target_semaphore(%run_scoped3A : memref<!tpu.dma_semaphore, #tpu.memory_space<semaphore_mem>>)
      %dma_wait3A_180 = arith.constant 0 : i32
      %dma_wait3A_181 = arith.constant 0 : i32
      %dma_wait3A_182 = tpu.memref_slice %arg6[%arg0, %dma_wait3A_180, %dma_wait3A_181] : memref<2x16x20096xi32, #tpu.memory_space<hbm>> -> memref<1x16x20096xi32, #tpu.memory_space<hbm>>
      %dma_wait3A_183 = tpu.memref_squeeze %dma_wait3A_182 : memref<1x16x20096xi32, #tpu.memory_space<hbm>> -> memref<16x20096xi32, #tpu.memory_space<hbm>>
      %dma_wait3A_184 = arith.constant 0 : i32
      %dma_wait3A_185 = tpu.memref_slice %dma_wait3A_183[%arg1, %dma_wait3A_184] : memref<16x20096xi32, #tpu.memory_space<hbm>> -> memref<1x20096xi32, #tpu.memory_space<hbm>>
      %dma_wait3A_186 = tpu.memref_squeeze %dma_wait3A_185 : memref<1x20096xi32, #tpu.memory_space<hbm>> -> memref<20096xi32, #tpu.memory_space<hbm>>
      %dma_wait3A_187 = arith.constant 0 : i32
      %dma_wait3A_188 = arith.constant 0 : i32
      %dma_wait3A_189 = tpu.memref_slice %arg6[%arg0, %dma_wait3A_187, %dma_wait3A_188] : memref<2x16x20096xi32, #tpu.memory_space<hbm>> -> memref<1x16x20096xi32, #tpu.memory_space<hbm>>
      %dma_wait3A_190 = tpu.memref_squeeze %dma_wait3A_189 : memref<1x16x20096xi32, #tpu.memory_space<hbm>> -> memref<16x20096xi32, #tpu.memory_space<hbm>>
      %dma_wait3A_191 = arith.constant 0 : i32
      %dma_wait3A_192 = tpu.memref_slice %dma_wait3A_190[%arg1, %dma_wait3A_191] : memref<16x20096xi32, #tpu.memory_space<hbm>> -> memref<1x20096xi32, #tpu.memory_space<hbm>>
      %dma_wait3A_193 = tpu.memref_squeeze %dma_wait3A_192 : memref<1x20096xi32, #tpu.memory_space<hbm>> -> memref<20096xi32, #tpu.memory_space<hbm>>
      tpu.wait_dma2 semaphore(%run_scoped3A : memref<!tpu.dma_semaphore, #tpu.memory_space<semaphore_mem>>) src(%arg11 : memref<20096xi32, #tpu.memory_space<vmem>>) dst(%dma_wait3A_193 : memref<20096xi32, #tpu.memory_space<hbm>>)
      tpu.yield
    }) : () -> ()
    "tpu.region"() ({
      %run_scoped3A = tpu.sem_alloc : memref<!tpu.dma_semaphore, #tpu.memory_space<semaphore_mem>>
      %dma_start3A = arith.constant 0 : i32
      %dma_start3A_167 = arith.constant 0 : i32
      %dma_start3A_168 = tpu.memref_slice %arg7[%arg0, %dma_start3A, %dma_start3A_167] : memref<2x16x16xi32, #tpu.memory_space<hbm>> -> memref<1x16x16xi32, #tpu.memory_space<hbm>>
      %dma_start3A_169 = tpu.memref_squeeze %dma_start3A_168 : memref<1x16x16xi32, #tpu.memory_space<hbm>> -> memref<16x16xi32, #tpu.memory_space<hbm>>
      %dma_start3A_170 = arith.constant 0 : i32
      %dma_start3A_171 = tpu.memref_slice %dma_start3A_169[%arg1, %dma_start3A_170] : memref<16x16xi32, #tpu.memory_space<hbm>> -> memref<1x16xi32, #tpu.memory_space<hbm>>
      %dma_start3A_172 = tpu.memref_squeeze %dma_start3A_171 : memref<1x16xi32, #tpu.memory_space<hbm>> -> memref<16xi32, #tpu.memory_space<hbm>>
      %dma_start3A_173 = arith.constant 0 : i32
      %dma_start3A_174 = arith.constant 0 : i32
      %dma_start3A_175 = tpu.memref_slice %arg7[%arg0, %dma_start3A_173, %dma_start3A_174] : memref<2x16x16xi32, #tpu.memory_space<hbm>> -> memref<1x16x16xi32, #tpu.memory_space<hbm>>
      %dma_start3A_176 = tpu.memref_squeeze %dma_start3A_175 : memref<1x16x16xi32, #tpu.memory_space<hbm>> -> memref<16x16xi32, #tpu.memory_space<hbm>>
      %dma_start3A_177 = arith.constant 0 : i32
      %dma_start3A_178 = tpu.memref_slice %dma_start3A_176[%arg1, %dma_start3A_177] : memref<16x16xi32, #tpu.memory_space<hbm>> -> memref<1x16xi32, #tpu.memory_space<hbm>>
      %dma_start3A_179 = tpu.memref_squeeze %dma_start3A_178 : memref<1x16xi32, #tpu.memory_space<hbm>> -> memref<16xi32, #tpu.memory_space<hbm>>
      tpu.enqueue_dma source(%arg14 : memref<16xi32, #tpu.memory_space<vmem>>) target(%dma_start3A_179 : memref<16xi32, #tpu.memory_space<hbm>>) target_semaphore(%run_scoped3A : memref<!tpu.dma_semaphore, #tpu.memory_space<semaphore_mem>>)
      %dma_wait3A_180 = arith.constant 0 : i32
      %dma_wait3A_181 = arith.constant 0 : i32
      %dma_wait3A_182 = tpu.memref_slice %arg7[%arg0, %dma_wait3A_180, %dma_wait3A_181] : memref<2x16x16xi32, #tpu.memory_space<hbm>> -> memref<1x16x16xi32, #tpu.memory_space<hbm>>
      %dma_wait3A_183 = tpu.memref_squeeze %dma_wait3A_182 : memref<1x16x16xi32, #tpu.memory_space<hbm>> -> memref<16x16xi32, #tpu.memory_space<hbm>>
      %dma_wait3A_184 = arith.constant 0 : i32
      %dma_wait3A_185 = tpu.memref_slice %dma_wait3A_183[%arg1, %dma_wait3A_184] : memref<16x16xi32, #tpu.memory_space<hbm>> -> memref<1x16xi32, #tpu.memory_space<hbm>>
      %dma_wait3A_186 = tpu.memref_squeeze %dma_wait3A_185 : memref<1x16xi32, #tpu.memory_space<hbm>> -> memref<16xi32, #tpu.memory_space<hbm>>
      %dma_wait3A_187 = arith.constant 0 : i32
      %dma_wait3A_188 = arith.constant 0 : i32
      %dma_wait3A_189 = tpu.memref_slice %arg7[%arg0, %dma_wait3A_187, %dma_wait3A_188] : memref<2x16x16xi32, #tpu.memory_space<hbm>> -> memref<1x16x16xi32, #tpu.memory_space<hbm>>
      %dma_wait3A_190 = tpu.memref_squeeze %dma_wait3A_189 : memref<1x16x16xi32, #tpu.memory_space<hbm>> -> memref<16x16xi32, #tpu.memory_space<hbm>>
      %dma_wait3A_191 = arith.constant 0 : i32
      %dma_wait3A_192 = tpu.memref_slice %dma_wait3A_190[%arg1, %dma_wait3A_191] : memref<16x16xi32, #tpu.memory_space<hbm>> -> memref<1x16xi32, #tpu.memory_space<hbm>>
      %dma_wait3A_193 = tpu.memref_squeeze %dma_wait3A_192 : memref<1x16xi32, #tpu.memory_space<hbm>> -> memref<16xi32, #tpu.memory_space<hbm>>
      tpu.wait_dma2 semaphore(%run_scoped3A : memref<!tpu.dma_semaphore, #tpu.memory_space<semaphore_mem>>) src(%arg14 : memref<16xi32, #tpu.memory_space<vmem>>) dst(%dma_wait3A_193 : memref<16xi32, #tpu.memory_space<hbm>>)
      tpu.yield
    }) : () -> ()
    %barrier3A_162 = arith.constant 0 : index
    tpu.barrier barrier_id(%barrier3A_162)
    %mul3A_163 = arith.constant 640 : i32
    %mul3A_164 = arith.muli %arg1, %mul3A_163 : i32
    %mul3A_165 = arith.constant 640 : i32
    %mul3A_166 = arith.muli %arg1, %mul3A_165 : i32
    "tpu.region"() ({
      %run_scoped3A = tpu.sem_alloc : memref<!tpu.dma_semaphore, #tpu.memory_space<semaphore_mem>>
      %dma_start3A = arith.constant 0 : i32
      %dma_start3A_167 = tpu.memref_slice %arg4[%arg0, %dma_start3A] : memref<2x10240xf32, #tpu.memory_space<hbm>> -> memref<1x10240xf32, #tpu.memory_space<hbm>>
      %dma_start3A_168 = tpu.memref_squeeze %dma_start3A_167 : memref<1x10240xf32, #tpu.memory_space<hbm>> -> memref<10240xf32, #tpu.memory_space<hbm>>
      %dma_start3A_169 = tpu.memref_slice %dma_start3A_168[%mul3A_166] : memref<10240xf32, #tpu.memory_space<hbm>> -> memref<640xf32, #tpu.memory_space<hbm>>
      %dma_start3A_170 = tpu.memref_slice %arg16[%mul3A_164] : memref<10240xf32, #tpu.memory_space<vmem_shared>> -> memref<640xf32, #tpu.memory_space<vmem_shared>>
      tpu.enqueue_dma source(%dma_start3A_170 : memref<640xf32, #tpu.memory_space<vmem_shared>>) target(%dma_start3A_169 : memref<640xf32, #tpu.memory_space<hbm>>) target_semaphore(%run_scoped3A : memref<!tpu.dma_semaphore, #tpu.memory_space<semaphore_mem>>)
      %dma_wait3A_171 = arith.constant 0 : i32
      %dma_wait3A_172 = tpu.memref_slice %arg4[%arg0, %dma_wait3A_171] : memref<2x10240xf32, #tpu.memory_space<hbm>> -> memref<1x10240xf32, #tpu.memory_space<hbm>>
      %dma_wait3A_173 = tpu.memref_squeeze %dma_wait3A_172 : memref<1x10240xf32, #tpu.memory_space<hbm>> -> memref<10240xf32, #tpu.memory_space<hbm>>
      %dma_wait3A_174 = tpu.memref_slice %dma_wait3A_173[%mul3A_166] : memref<10240xf32, #tpu.memory_space<hbm>> -> memref<640xf32, #tpu.memory_space<hbm>>
      %dma_wait3A_175 = tpu.memref_slice %arg16[%mul3A_164] : memref<10240xf32, #tpu.memory_space<vmem_shared>> -> memref<640xf32, #tpu.memory_space<vmem_shared>>
      tpu.wait_dma2 semaphore(%run_scoped3A : memref<!tpu.dma_semaphore, #tpu.memory_space<semaphore_mem>>) src(%dma_wait3A_175 : memref<640xf32, #tpu.memory_space<vmem_shared>>) dst(%dma_wait3A_174 : memref<640xf32, #tpu.memory_space<hbm>>)
      tpu.yield
    }) : () -> ()
    return
  }
}

#map = affine_map<(d0, d1) -> (0, 0)>
#map1 = affine_map<(d0, d1) -> (0, 0, 0, 0)>
#map2 = affine_map<(d0, d1) -> (0, 0, 0)>
module attributes {stable_mosaic.version = 14 : i64} {
  func.func @_conv_body(%arg0: i32, %arg1: i32, %arg2: memref<10240x128xf32, #tpu.memory_space<hbm>>, %arg3: memref<2x16x157x128xi32, #tpu.memory_space<hbm>>, %arg4: memref<2x16x157x128xi32, #tpu.memory_space<hbm>>, %arg5: memref<2x16x16xi32, #tpu.memory_space<hbm>>, %arg6: memref<2x6144x128xf32, #tpu.memory_space<hbm>>, %arg7: memref<157x128xi32, #tpu.memory_space<vmem>>, %arg8: memref<157x128xi32, #tpu.memory_space<vmem>>, %arg9: memref<16xi32, #tpu.memory_space<vmem>>, %arg10: memref<128x128xf32, #tpu.memory_space<vmem>>, %arg11: memref<128x128xf32, #tpu.memory_space<vmem>>, %arg12: memref<!tpu.dma_semaphore, #tpu.memory_space<semaphore_mem>>, %arg13: memref<!tpu.dma_semaphore, #tpu.memory_space<semaphore_mem>>, %arg14: memref<6144x128xf32, #tpu.memory_space<vmem_shared>>) attributes {dimension_semantics = [#tpu.dimension_semantics<core_parallel>, #tpu.dimension_semantics<subcore_parallel>], iteration_bounds = array<i64: 2, 16>, scalar_prefetch = 0 : i64, scratch_operands = 8 : i64, tpu.core_type = #tpu.core_type<sc_vector_subcore>, window_params = [{transform_indices = #map}, {transform_indices = #map1}, {transform_indices = #map1}, {transform_indices = #map2}, {transform_indices = #map2}]} {
    %broadcast_in_dim3A = arith.constant 0.000000e+00 : f32
    %broadcast_in_dim3A_0 = vector.broadcast %broadcast_in_dim3A : f32 to vector<16xf32>
    %scan3A = arith.constant 0 : i32
    %scan3A_1 = arith.constant 128 : i32
    %scan3A_2 = arith.addi %scan3A, %scan3A_1 : i32
    %scan3A_3 = arith.constant 1 : i32
    scf.for %scan3A_67 = %scan3A to %scan3A_2 step %scan3A_3  : i32 {
      %mul3A_68 = arith.constant 1 : i32
      %mul3A_69 = arith.muli %scan3A_67, %mul3A_68 : i32
      %add3A_70 = arith.constant 0 : i32
      %add3A_71 = arith.addi %add3A_70, %mul3A_69 : i32
      %swap3A = arith.index_cast %add3A_71 : i32 to index
      %swap3A_72 = arith.constant 0 : index
      %swap3A_73 = tpu.vector_load %arg10[%swap3A, %swap3A_72] {strides = array<i32>} : memref<128x128xf32, #tpu.memory_space<vmem>>, vector<1x16xf32>,
      %swap3A_74 = vector.shape_cast %swap3A_73 : vector<1x16xf32> to vector<16xf32>
      %swap3A_75 = vector.shape_cast %broadcast_in_dim3A_0 : vector<16xf32> to vector<1x16xf32>
      tpu.vector_store %arg10[%swap3A, %swap3A_72], %swap3A_75 {strides = array<i32>} : memref<128x128xf32, #tpu.memory_space<vmem>>, vector<1x16xf32>,
      %swap3A_76 = arith.index_cast %add3A_71 : i32 to index
      %swap3A_77 = arith.constant 16 : index
      %swap3A_78 = tpu.vector_load %arg10[%swap3A_76, %swap3A_77] {strides = array<i32>} : memref<128x128xf32, #tpu.memory_space<vmem>>, vector<1x16xf32>,
      %swap3A_79 = vector.shape_cast %swap3A_78 : vector<1x16xf32> to vector<16xf32>
      %swap3A_80 = vector.shape_cast %broadcast_in_dim3A_0 : vector<16xf32> to vector<1x16xf32>
      tpu.vector_store %arg10[%swap3A_76, %swap3A_77], %swap3A_80 {strides = array<i32>} : memref<128x128xf32, #tpu.memory_space<vmem>>, vector<1x16xf32>,
      %swap3A_81 = arith.index_cast %add3A_71 : i32 to index
      %swap3A_82 = arith.constant 32 : index
      %swap3A_83 = tpu.vector_load %arg10[%swap3A_81, %swap3A_82] {strides = array<i32>} : memref<128x128xf32, #tpu.memory_space<vmem>>, vector<1x16xf32>,
      %swap3A_84 = vector.shape_cast %swap3A_83 : vector<1x16xf32> to vector<16xf32>
      %swap3A_85 = vector.shape_cast %broadcast_in_dim3A_0 : vector<16xf32> to vector<1x16xf32>
      tpu.vector_store %arg10[%swap3A_81, %swap3A_82], %swap3A_85 {strides = array<i32>} : memref<128x128xf32, #tpu.memory_space<vmem>>, vector<1x16xf32>,
      %swap3A_86 = arith.index_cast %add3A_71 : i32 to index
      %swap3A_87 = arith.constant 48 : index
      %swap3A_88 = tpu.vector_load %arg10[%swap3A_86, %swap3A_87] {strides = array<i32>} : memref<128x128xf32, #tpu.memory_space<vmem>>, vector<1x16xf32>,
      %swap3A_89 = vector.shape_cast %swap3A_88 : vector<1x16xf32> to vector<16xf32>
      %swap3A_90 = vector.shape_cast %broadcast_in_dim3A_0 : vector<16xf32> to vector<1x16xf32>
      tpu.vector_store %arg10[%swap3A_86, %swap3A_87], %swap3A_90 {strides = array<i32>} : memref<128x128xf32, #tpu.memory_space<vmem>>, vector<1x16xf32>,
      %swap3A_91 = arith.index_cast %add3A_71 : i32 to index
      %swap3A_92 = arith.constant 64 : index
      %swap3A_93 = tpu.vector_load %arg10[%swap3A_91, %swap3A_92] {strides = array<i32>} : memref<128x128xf32, #tpu.memory_space<vmem>>, vector<1x16xf32>,
      %swap3A_94 = vector.shape_cast %swap3A_93 : vector<1x16xf32> to vector<16xf32>
      %swap3A_95 = vector.shape_cast %broadcast_in_dim3A_0 : vector<16xf32> to vector<1x16xf32>
      tpu.vector_store %arg10[%swap3A_91, %swap3A_92], %swap3A_95 {strides = array<i32>} : memref<128x128xf32, #tpu.memory_space<vmem>>, vector<1x16xf32>,
      %swap3A_96 = arith.index_cast %add3A_71 : i32 to index
      %swap3A_97 = arith.constant 80 : index
      %swap3A_98 = tpu.vector_load %arg10[%swap3A_96, %swap3A_97] {strides = array<i32>} : memref<128x128xf32, #tpu.memory_space<vmem>>, vector<1x16xf32>,
      %swap3A_99 = vector.shape_cast %swap3A_98 : vector<1x16xf32> to vector<16xf32>
      %swap3A_100 = vector.shape_cast %broadcast_in_dim3A_0 : vector<16xf32> to vector<1x16xf32>
      tpu.vector_store %arg10[%swap3A_96, %swap3A_97], %swap3A_100 {strides = array<i32>} : memref<128x128xf32, #tpu.memory_space<vmem>>, vector<1x16xf32>,
      %swap3A_101 = arith.index_cast %add3A_71 : i32 to index
      %swap3A_102 = arith.constant 96 : index
      %swap3A_103 = tpu.vector_load %arg10[%swap3A_101, %swap3A_102] {strides = array<i32>} : memref<128x128xf32, #tpu.memory_space<vmem>>, vector<1x16xf32>,
      %swap3A_104 = vector.shape_cast %swap3A_103 : vector<1x16xf32> to vector<16xf32>
      %swap3A_105 = vector.shape_cast %broadcast_in_dim3A_0 : vector<16xf32> to vector<1x16xf32>
      tpu.vector_store %arg10[%swap3A_101, %swap3A_102], %swap3A_105 {strides = array<i32>} : memref<128x128xf32, #tpu.memory_space<vmem>>, vector<1x16xf32>,
      %swap3A_106 = arith.index_cast %add3A_71 : i32 to index
      %swap3A_107 = arith.constant 112 : index
      %swap3A_108 = tpu.vector_load %arg10[%swap3A_106, %swap3A_107] {strides = array<i32>} : memref<128x128xf32, #tpu.memory_space<vmem>>, vector<1x16xf32>,
      %swap3A_109 = vector.shape_cast %swap3A_108 : vector<1x16xf32> to vector<16xf32>
      %swap3A_110 = vector.shape_cast %broadcast_in_dim3A_0 : vector<16xf32> to vector<1x16xf32>
      tpu.vector_store %arg10[%swap3A_106, %swap3A_107], %swap3A_110 {strides = array<i32>} : memref<128x128xf32, #tpu.memory_space<vmem>>, vector<1x16xf32>,
    }
    %scan3A_4 = arith.constant 128 : i32
    %mul3A = arith.constant 384 : i32
    %mul3A_5 = arith.muli %arg1, %mul3A : i32
    %add3A = arith.constant 0 : i32
    %add3A_6 = arith.addi %mul3A_5, %add3A : i32
    "tpu.region"() ({
      %run_scoped3A = tpu.sem_alloc : memref<!tpu.dma_semaphore, #tpu.memory_space<semaphore_mem>>
      %dma_start3A_67 = arith.constant 0 : i32
      %dma_start3A_68 = tpu.memref_slice %arg14[%add3A_6, %dma_start3A_67] : memref<6144x128xf32, #tpu.memory_space<vmem_shared>> -> memref<128x128xf32, #tpu.memory_space<vmem_shared>>
      %dma_start3A_69 = arith.constant 0 : i32
      %dma_start3A_70 = tpu.memref_slice %arg14[%add3A_6, %dma_start3A_69] : memref<6144x128xf32, #tpu.memory_space<vmem_shared>> -> memref<128x128xf32, #tpu.memory_space<vmem_shared>>
      tpu.enqueue_dma source(%arg10 : memref<128x128xf32, #tpu.memory_space<vmem>>) target(%dma_start3A_70 : memref<128x128xf32, #tpu.memory_space<vmem_shared>>) target_semaphore(%run_scoped3A : memref<!tpu.dma_semaphore, #tpu.memory_space<semaphore_mem>>)
      %dma_wait3A = arith.constant 0 : i32
      %dma_wait3A_71 = tpu.memref_slice %arg14[%add3A_6, %dma_wait3A] : memref<6144x128xf32, #tpu.memory_space<vmem_shared>> -> memref<128x128xf32, #tpu.memory_space<vmem_shared>>
      %dma_wait3A_72 = arith.constant 0 : i32
      %dma_wait3A_73 = tpu.memref_slice %arg14[%add3A_6, %dma_wait3A_72] : memref<6144x128xf32, #tpu.memory_space<vmem_shared>> -> memref<128x128xf32, #tpu.memory_space<vmem_shared>>
      tpu.wait_dma2 semaphore(%run_scoped3A : memref<!tpu.dma_semaphore, #tpu.memory_space<semaphore_mem>>) src(%arg10 : memref<128x128xf32, #tpu.memory_space<vmem>>) dst(%dma_wait3A_73 : memref<128x128xf32, #tpu.memory_space<vmem_shared>>)
      tpu.yield
    }) : () -> ()
    %mul3A_7 = arith.constant 384 : i32
    %mul3A_8 = arith.muli %arg1, %mul3A_7 : i32
    %add3A_9 = arith.constant 128 : i32
    %add3A_10 = arith.addi %mul3A_8, %add3A_9 : i32
    "tpu.region"() ({
      %run_scoped3A = tpu.sem_alloc : memref<!tpu.dma_semaphore, #tpu.memory_space<semaphore_mem>>
      %dma_start3A_67 = arith.constant 0 : i32
      %dma_start3A_68 = tpu.memref_slice %arg14[%add3A_10, %dma_start3A_67] : memref<6144x128xf32, #tpu.memory_space<vmem_shared>> -> memref<128x128xf32, #tpu.memory_space<vmem_shared>>
      %dma_start3A_69 = arith.constant 0 : i32
      %dma_start3A_70 = tpu.memref_slice %arg14[%add3A_10, %dma_start3A_69] : memref<6144x128xf32, #tpu.memory_space<vmem_shared>> -> memref<128x128xf32, #tpu.memory_space<vmem_shared>>
      tpu.enqueue_dma source(%arg10 : memref<128x128xf32, #tpu.memory_space<vmem>>) target(%dma_start3A_70 : memref<128x128xf32, #tpu.memory_space<vmem_shared>>) target_semaphore(%run_scoped3A : memref<!tpu.dma_semaphore, #tpu.memory_space<semaphore_mem>>)
      %dma_wait3A = arith.constant 0 : i32
      %dma_wait3A_71 = tpu.memref_slice %arg14[%add3A_10, %dma_wait3A] : memref<6144x128xf32, #tpu.memory_space<vmem_shared>> -> memref<128x128xf32, #tpu.memory_space<vmem_shared>>
      %dma_wait3A_72 = arith.constant 0 : i32
      %dma_wait3A_73 = tpu.memref_slice %arg14[%add3A_10, %dma_wait3A_72] : memref<6144x128xf32, #tpu.memory_space<vmem_shared>> -> memref<128x128xf32, #tpu.memory_space<vmem_shared>>
      tpu.wait_dma2 semaphore(%run_scoped3A : memref<!tpu.dma_semaphore, #tpu.memory_space<semaphore_mem>>) src(%arg10 : memref<128x128xf32, #tpu.memory_space<vmem>>) dst(%dma_wait3A_73 : memref<128x128xf32, #tpu.memory_space<vmem_shared>>)
      tpu.yield
    }) : () -> ()
    %mul3A_11 = arith.constant 384 : i32
    %mul3A_12 = arith.muli %arg1, %mul3A_11 : i32
    %add3A_13 = arith.constant 256 : i32
    %add3A_14 = arith.addi %mul3A_12, %add3A_13 : i32
    "tpu.region"() ({
      %run_scoped3A = tpu.sem_alloc : memref<!tpu.dma_semaphore, #tpu.memory_space<semaphore_mem>>
      %dma_start3A_67 = arith.constant 0 : i32
      %dma_start3A_68 = tpu.memref_slice %arg14[%add3A_14, %dma_start3A_67] : memref<6144x128xf32, #tpu.memory_space<vmem_shared>> -> memref<128x128xf32, #tpu.memory_space<vmem_shared>>
      %dma_start3A_69 = arith.constant 0 : i32
      %dma_start3A_70 = tpu.memref_slice %arg14[%add3A_14, %dma_start3A_69] : memref<6144x128xf32, #tpu.memory_space<vmem_shared>> -> memref<128x128xf32, #tpu.memory_space<vmem_shared>>
      tpu.enqueue_dma source(%arg10 : memref<128x128xf32, #tpu.memory_space<vmem>>) target(%dma_start3A_70 : memref<128x128xf32, #tpu.memory_space<vmem_shared>>) target_semaphore(%run_scoped3A : memref<!tpu.dma_semaphore, #tpu.memory_space<semaphore_mem>>)
      %dma_wait3A = arith.constant 0 : i32
      %dma_wait3A_71 = tpu.memref_slice %arg14[%add3A_14, %dma_wait3A] : memref<6144x128xf32, #tpu.memory_space<vmem_shared>> -> memref<128x128xf32, #tpu.memory_space<vmem_shared>>
      %dma_wait3A_72 = arith.constant 0 : i32
      %dma_wait3A_73 = tpu.memref_slice %arg14[%add3A_14, %dma_wait3A_72] : memref<6144x128xf32, #tpu.memory_space<vmem_shared>> -> memref<128x128xf32, #tpu.memory_space<vmem_shared>>
      tpu.wait_dma2 semaphore(%run_scoped3A : memref<!tpu.dma_semaphore, #tpu.memory_space<semaphore_mem>>) src(%arg10 : memref<128x128xf32, #tpu.memory_space<vmem>>) dst(%dma_wait3A_73 : memref<128x128xf32, #tpu.memory_space<vmem_shared>>)
      tpu.yield
    }) : () -> ()
    "tpu.region"() ({
      %run_scoped3A = tpu.sem_alloc : memref<!tpu.dma_semaphore, #tpu.memory_space<semaphore_mem>>
      %dma_start3A_67 = arith.constant 0 : i32
      %dma_start3A_68 = arith.constant 0 : i32
      %dma_start3A_69 = arith.constant 0 : i32
      %dma_start3A_70 = tpu.memref_slice %arg3[%arg0, %dma_start3A_67, %dma_start3A_68, %dma_start3A_69] : memref<2x16x157x128xi32, #tpu.memory_space<hbm>> -> memref<1x16x157x128xi32, #tpu.memory_space<hbm>>
      %dma_start3A_71 = tpu.memref_squeeze %dma_start3A_70 : memref<1x16x157x128xi32, #tpu.memory_space<hbm>> -> memref<16x157x128xi32, #tpu.memory_space<hbm>>
      %dma_start3A_72 = arith.constant 0 : i32
      %dma_start3A_73 = arith.constant 0 : i32
      %dma_start3A_74 = tpu.memref_slice %dma_start3A_71[%arg1, %dma_start3A_72, %dma_start3A_73] : memref<16x157x128xi32, #tpu.memory_space<hbm>> -> memref<1x157x128xi32, #tpu.memory_space<hbm>>
      %dma_start3A_75 = tpu.memref_squeeze %dma_start3A_74 : memref<1x157x128xi32, #tpu.memory_space<hbm>> -> memref<157x128xi32, #tpu.memory_space<hbm>>
      %dma_start3A_76 = arith.constant 0 : i32
      %dma_start3A_77 = arith.constant 0 : i32
      %dma_start3A_78 = arith.constant 0 : i32
      %dma_start3A_79 = tpu.memref_slice %arg3[%arg0, %dma_start3A_76, %dma_start3A_77, %dma_start3A_78] : memref<2x16x157x128xi32, #tpu.memory_space<hbm>> -> memref<1x16x157x128xi32, #tpu.memory_space<hbm>>
      %dma_start3A_80 = tpu.memref_squeeze %dma_start3A_79 : memref<1x16x157x128xi32, #tpu.memory_space<hbm>> -> memref<16x157x128xi32, #tpu.memory_space<hbm>>
      %dma_start3A_81 = arith.constant 0 : i32
      %dma_start3A_82 = arith.constant 0 : i32
      %dma_start3A_83 = tpu.memref_slice %dma_start3A_80[%arg1, %dma_start3A_81, %dma_start3A_82] : memref<16x157x128xi32, #tpu.memory_space<hbm>> -> memref<1x157x128xi32, #tpu.memory_space<hbm>>
      %dma_start3A_84 = tpu.memref_squeeze %dma_start3A_83 : memref<1x157x128xi32, #tpu.memory_space<hbm>> -> memref<157x128xi32, #tpu.memory_space<hbm>>
      tpu.enqueue_dma source(%dma_start3A_84 : memref<157x128xi32, #tpu.memory_space<hbm>>) target(%arg7 : memref<157x128xi32, #tpu.memory_space<vmem>>) target_semaphore(%run_scoped3A : memref<!tpu.dma_semaphore, #tpu.memory_space<semaphore_mem>>)
      %dma_wait3A = arith.constant 0 : i32
      %dma_wait3A_85 = arith.constant 0 : i32
      %dma_wait3A_86 = arith.constant 0 : i32
      %dma_wait3A_87 = tpu.memref_slice %arg3[%arg0, %dma_wait3A, %dma_wait3A_85, %dma_wait3A_86] : memref<2x16x157x128xi32, #tpu.memory_space<hbm>> -> memref<1x16x157x128xi32, #tpu.memory_space<hbm>>
      %dma_wait3A_88 = tpu.memref_squeeze %dma_wait3A_87 : memref<1x16x157x128xi32, #tpu.memory_space<hbm>> -> memref<16x157x128xi32, #tpu.memory_space<hbm>>
      %dma_wait3A_89 = arith.constant 0 : i32
      %dma_wait3A_90 = arith.constant 0 : i32
      %dma_wait3A_91 = tpu.memref_slice %dma_wait3A_88[%arg1, %dma_wait3A_89, %dma_wait3A_90] : memref<16x157x128xi32, #tpu.memory_space<hbm>> -> memref<1x157x128xi32, #tpu.memory_space<hbm>>
      %dma_wait3A_92 = tpu.memref_squeeze %dma_wait3A_91 : memref<1x157x128xi32, #tpu.memory_space<hbm>> -> memref<157x128xi32, #tpu.memory_space<hbm>>
      %dma_wait3A_93 = arith.constant 0 : i32
      %dma_wait3A_94 = arith.constant 0 : i32
      %dma_wait3A_95 = arith.constant 0 : i32
      %dma_wait3A_96 = tpu.memref_slice %arg3[%arg0, %dma_wait3A_93, %dma_wait3A_94, %dma_wait3A_95] : memref<2x16x157x128xi32, #tpu.memory_space<hbm>> -> memref<1x16x157x128xi32, #tpu.memory_space<hbm>>
      %dma_wait3A_97 = tpu.memref_squeeze %dma_wait3A_96 : memref<1x16x157x128xi32, #tpu.memory_space<hbm>> -> memref<16x157x128xi32, #tpu.memory_space<hbm>>
      %dma_wait3A_98 = arith.constant 0 : i32
      %dma_wait3A_99 = arith.constant 0 : i32
      %dma_wait3A_100 = tpu.memref_slice %dma_wait3A_97[%arg1, %dma_wait3A_98, %dma_wait3A_99] : memref<16x157x128xi32, #tpu.memory_space<hbm>> -> memref<1x157x128xi32, #tpu.memory_space<hbm>>
      %dma_wait3A_101 = tpu.memref_squeeze %dma_wait3A_100 : memref<1x157x128xi32, #tpu.memory_space<hbm>> -> memref<157x128xi32, #tpu.memory_space<hbm>>
      tpu.wait_dma2 semaphore(%run_scoped3A : memref<!tpu.dma_semaphore, #tpu.memory_space<semaphore_mem>>) src(%dma_wait3A_101 : memref<157x128xi32, #tpu.memory_space<hbm>>) dst(%arg7 : memref<157x128xi32, #tpu.memory_space<vmem>>)
      tpu.yield
    }) : () -> ()
    "tpu.region"() ({
      %run_scoped3A = tpu.sem_alloc : memref<!tpu.dma_semaphore, #tpu.memory_space<semaphore_mem>>
      %dma_start3A_67 = arith.constant 0 : i32
      %dma_start3A_68 = arith.constant 0 : i32
      %dma_start3A_69 = arith.constant 0 : i32
      %dma_start3A_70 = tpu.memref_slice %arg4[%arg0, %dma_start3A_67, %dma_start3A_68, %dma_start3A_69] : memref<2x16x157x128xi32, #tpu.memory_space<hbm>> -> memref<1x16x157x128xi32, #tpu.memory_space<hbm>>
      %dma_start3A_71 = tpu.memref_squeeze %dma_start3A_70 : memref<1x16x157x128xi32, #tpu.memory_space<hbm>> -> memref<16x157x128xi32, #tpu.memory_space<hbm>>
      %dma_start3A_72 = arith.constant 0 : i32
      %dma_start3A_73 = arith.constant 0 : i32
      %dma_start3A_74 = tpu.memref_slice %dma_start3A_71[%arg1, %dma_start3A_72, %dma_start3A_73] : memref<16x157x128xi32, #tpu.memory_space<hbm>> -> memref<1x157x128xi32, #tpu.memory_space<hbm>>
      %dma_start3A_75 = tpu.memref_squeeze %dma_start3A_74 : memref<1x157x128xi32, #tpu.memory_space<hbm>> -> memref<157x128xi32, #tpu.memory_space<hbm>>
      %dma_start3A_76 = arith.constant 0 : i32
      %dma_start3A_77 = arith.constant 0 : i32
      %dma_start3A_78 = arith.constant 0 : i32
      %dma_start3A_79 = tpu.memref_slice %arg4[%arg0, %dma_start3A_76, %dma_start3A_77, %dma_start3A_78] : memref<2x16x157x128xi32, #tpu.memory_space<hbm>> -> memref<1x16x157x128xi32, #tpu.memory_space<hbm>>
      %dma_start3A_80 = tpu.memref_squeeze %dma_start3A_79 : memref<1x16x157x128xi32, #tpu.memory_space<hbm>> -> memref<16x157x128xi32, #tpu.memory_space<hbm>>
      %dma_start3A_81 = arith.constant 0 : i32
      %dma_start3A_82 = arith.constant 0 : i32
      %dma_start3A_83 = tpu.memref_slice %dma_start3A_80[%arg1, %dma_start3A_81, %dma_start3A_82] : memref<16x157x128xi32, #tpu.memory_space<hbm>> -> memref<1x157x128xi32, #tpu.memory_space<hbm>>
      %dma_start3A_84 = tpu.memref_squeeze %dma_start3A_83 : memref<1x157x128xi32, #tpu.memory_space<hbm>> -> memref<157x128xi32, #tpu.memory_space<hbm>>
      tpu.enqueue_dma source(%dma_start3A_84 : memref<157x128xi32, #tpu.memory_space<hbm>>) target(%arg8 : memref<157x128xi32, #tpu.memory_space<vmem>>) target_semaphore(%run_scoped3A : memref<!tpu.dma_semaphore, #tpu.memory_space<semaphore_mem>>)
      %dma_wait3A = arith.constant 0 : i32
      %dma_wait3A_85 = arith.constant 0 : i32
      %dma_wait3A_86 = arith.constant 0 : i32
      %dma_wait3A_87 = tpu.memref_slice %arg4[%arg0, %dma_wait3A, %dma_wait3A_85, %dma_wait3A_86] : memref<2x16x157x128xi32, #tpu.memory_space<hbm>> -> memref<1x16x157x128xi32, #tpu.memory_space<hbm>>
      %dma_wait3A_88 = tpu.memref_squeeze %dma_wait3A_87 : memref<1x16x157x128xi32, #tpu.memory_space<hbm>> -> memref<16x157x128xi32, #tpu.memory_space<hbm>>
      %dma_wait3A_89 = arith.constant 0 : i32
      %dma_wait3A_90 = arith.constant 0 : i32
      %dma_wait3A_91 = tpu.memref_slice %dma_wait3A_88[%arg1, %dma_wait3A_89, %dma_wait3A_90] : memref<16x157x128xi32, #tpu.memory_space<hbm>> -> memref<1x157x128xi32, #tpu.memory_space<hbm>>
      %dma_wait3A_92 = tpu.memref_squeeze %dma_wait3A_91 : memref<1x157x128xi32, #tpu.memory_space<hbm>> -> memref<157x128xi32, #tpu.memory_space<hbm>>
      %dma_wait3A_93 = arith.constant 0 : i32
      %dma_wait3A_94 = arith.constant 0 : i32
      %dma_wait3A_95 = arith.constant 0 : i32
      %dma_wait3A_96 = tpu.memref_slice %arg4[%arg0, %dma_wait3A_93, %dma_wait3A_94, %dma_wait3A_95] : memref<2x16x157x128xi32, #tpu.memory_space<hbm>> -> memref<1x16x157x128xi32, #tpu.memory_space<hbm>>
      %dma_wait3A_97 = tpu.memref_squeeze %dma_wait3A_96 : memref<1x16x157x128xi32, #tpu.memory_space<hbm>> -> memref<16x157x128xi32, #tpu.memory_space<hbm>>
      %dma_wait3A_98 = arith.constant 0 : i32
      %dma_wait3A_99 = arith.constant 0 : i32
      %dma_wait3A_100 = tpu.memref_slice %dma_wait3A_97[%arg1, %dma_wait3A_98, %dma_wait3A_99] : memref<16x157x128xi32, #tpu.memory_space<hbm>> -> memref<1x157x128xi32, #tpu.memory_space<hbm>>
      %dma_wait3A_101 = tpu.memref_squeeze %dma_wait3A_100 : memref<1x157x128xi32, #tpu.memory_space<hbm>> -> memref<157x128xi32, #tpu.memory_space<hbm>>
      tpu.wait_dma2 semaphore(%run_scoped3A : memref<!tpu.dma_semaphore, #tpu.memory_space<semaphore_mem>>) src(%dma_wait3A_101 : memref<157x128xi32, #tpu.memory_space<hbm>>) dst(%arg8 : memref<157x128xi32, #tpu.memory_space<vmem>>)
      tpu.yield
    }) : () -> ()
    "tpu.region"() ({
      %run_scoped3A = tpu.sem_alloc : memref<!tpu.dma_semaphore, #tpu.memory_space<semaphore_mem>>
      %dma_start3A_67 = arith.constant 0 : i32
      %dma_start3A_68 = arith.constant 0 : i32
      %dma_start3A_69 = tpu.memref_slice %arg5[%arg0, %dma_start3A_67, %dma_start3A_68] : memref<2x16x16xi32, #tpu.memory_space<hbm>> -> memref<1x16x16xi32, #tpu.memory_space<hbm>>
      %dma_start3A_70 = tpu.memref_squeeze %dma_start3A_69 : memref<1x16x16xi32, #tpu.memory_space<hbm>> -> memref<16x16xi32, #tpu.memory_space<hbm>>
      %dma_start3A_71 = arith.constant 0 : i32
      %dma_start3A_72 = tpu.memref_slice %dma_start3A_70[%arg1, %dma_start3A_71] : memref<16x16xi32, #tpu.memory_space<hbm>> -> memref<1x16xi32, #tpu.memory_space<hbm>>
      %dma_start3A_73 = tpu.memref_squeeze %dma_start3A_72 : memref<1x16xi32, #tpu.memory_space<hbm>> -> memref<16xi32, #tpu.memory_space<hbm>>
      %dma_start3A_74 = arith.constant 0 : i32
      %dma_start3A_75 = arith.constant 0 : i32
      %dma_start3A_76 = tpu.memref_slice %arg5[%arg0, %dma_start3A_74, %dma_start3A_75] : memref<2x16x16xi32, #tpu.memory_space<hbm>> -> memref<1x16x16xi32, #tpu.memory_space<hbm>>
      %dma_start3A_77 = tpu.memref_squeeze %dma_start3A_76 : memref<1x16x16xi32, #tpu.memory_space<hbm>> -> memref<16x16xi32, #tpu.memory_space<hbm>>
      %dma_start3A_78 = arith.constant 0 : i32
      %dma_start3A_79 = tpu.memref_slice %dma_start3A_77[%arg1, %dma_start3A_78] : memref<16x16xi32, #tpu.memory_space<hbm>> -> memref<1x16xi32, #tpu.memory_space<hbm>>
      %dma_start3A_80 = tpu.memref_squeeze %dma_start3A_79 : memref<1x16xi32, #tpu.memory_space<hbm>> -> memref<16xi32, #tpu.memory_space<hbm>>
      tpu.enqueue_dma source(%dma_start3A_80 : memref<16xi32, #tpu.memory_space<hbm>>) target(%arg9 : memref<16xi32, #tpu.memory_space<vmem>>) target_semaphore(%run_scoped3A : memref<!tpu.dma_semaphore, #tpu.memory_space<semaphore_mem>>)
      %dma_wait3A = arith.constant 0 : i32
      %dma_wait3A_81 = arith.constant 0 : i32
      %dma_wait3A_82 = tpu.memref_slice %arg5[%arg0, %dma_wait3A, %dma_wait3A_81] : memref<2x16x16xi32, #tpu.memory_space<hbm>> -> memref<1x16x16xi32, #tpu.memory_space<hbm>>
      %dma_wait3A_83 = tpu.memref_squeeze %dma_wait3A_82 : memref<1x16x16xi32, #tpu.memory_space<hbm>> -> memref<16x16xi32, #tpu.memory_space<hbm>>
      %dma_wait3A_84 = arith.constant 0 : i32
      %dma_wait3A_85 = tpu.memref_slice %dma_wait3A_83[%arg1, %dma_wait3A_84] : memref<16x16xi32, #tpu.memory_space<hbm>> -> memref<1x16xi32, #tpu.memory_space<hbm>>
      %dma_wait3A_86 = tpu.memref_squeeze %dma_wait3A_85 : memref<1x16xi32, #tpu.memory_space<hbm>> -> memref<16xi32, #tpu.memory_space<hbm>>
      %dma_wait3A_87 = arith.constant 0 : i32
      %dma_wait3A_88 = arith.constant 0 : i32
      %dma_wait3A_89 = tpu.memref_slice %arg5[%arg0, %dma_wait3A_87, %dma_wait3A_88] : memref<2x16x16xi32, #tpu.memory_space<hbm>> -> memref<1x16x16xi32, #tpu.memory_space<hbm>>
      %dma_wait3A_90 = tpu.memref_squeeze %dma_wait3A_89 : memref<1x16x16xi32, #tpu.memory_space<hbm>> -> memref<16x16xi32, #tpu.memory_space<hbm>>
      %dma_wait3A_91 = arith.constant 0 : i32
      %dma_wait3A_92 = tpu.memref_slice %dma_wait3A_90[%arg1, %dma_wait3A_91] : memref<16x16xi32, #tpu.memory_space<hbm>> -> memref<1x16xi32, #tpu.memory_space<hbm>>
      %dma_wait3A_93 = tpu.memref_squeeze %dma_wait3A_92 : memref<1x16xi32, #tpu.memory_space<hbm>> -> memref<16xi32, #tpu.memory_space<hbm>>
      tpu.wait_dma2 semaphore(%run_scoped3A : memref<!tpu.dma_semaphore, #tpu.memory_space<semaphore_mem>>) src(%dma_wait3A_93 : memref<16xi32, #tpu.memory_space<hbm>>) dst(%arg9 : memref<16xi32, #tpu.memory_space<vmem>>)
      tpu.yield
    }) : () -> ()
    %get3A = arith.constant 0 : index
    %get3A_15 = tpu.vector_load %arg9[%get3A] {strides = array<i32>} : memref<16xi32, #tpu.memory_space<vmem>>, vector<16xi32>,
    %get3A_16 = vector.shape_cast %get3A_15 : vector<16xi32> to vector<16xi32>
    %slice3A = vector.extract_strided_slice %get3A_16 {offsets = [0], sizes = [1], strides = [1]} : vector<16xi32> to vector<1xi32>
    %squeeze3A = vector.extract %slice3A[0] : i32 from vector<1xi32>
    %add3A_17 = arith.constant 128 : i32
    %add3A_18 = arith.addi %squeeze3A, %add3A_17 : i32
    %sub3A = arith.constant 1 : i32
    %sub3A_19 = arith.subi %add3A_18, %sub3A : i32
    %jit3A = arith.constant 128 : i32
    %div3A = arith.divsi %sub3A_19, %jit3A : i32
    %sign3A = arith.constant 0 : i32
    %sign3A_20 = arith.cmpi sgt, %sub3A_19, %sign3A : i32
    %sign3A_21 = arith.extui %sign3A_20 : i1 to i32
    %sign3A_22 = arith.constant 0 : i32
    %sign3A_23 = arith.cmpi slt, %sub3A_19, %sign3A_22 : i32
    %sign3A_24 = arith.extui %sign3A_23 : i1 to i32
    %sign3A_25 = arith.subi %sign3A_21, %sign3A_24 : i32
    %sign3A_26 = arith.constant 0 : i32
    %sign3A_27 = arith.cmpi sgt, %jit3A, %sign3A_26 : i32
    %sign3A_28 = arith.extui %sign3A_27 : i1 to i32
    %sign3A_29 = arith.constant 0 : i32
    %sign3A_30 = arith.cmpi slt, %jit3A, %sign3A_29 : i32
    %sign3A_31 = arith.extui %sign3A_30 : i1 to i32
    %sign3A_32 = arith.subi %sign3A_28, %sign3A_31 : i32
    %ne3A = arith.cmpi ne, %sign3A_25, %sign3A_32 : i32
    %rem3A = arith.remsi %sub3A_19, %jit3A : i32
    %ne3A_33 = arith.constant 0 : i32
    %ne3A_34 = arith.cmpi ne, %rem3A, %ne3A_33 : i32
    %and3A = arith.andi %ne3A, %ne3A_34 : i1
    %sub3A_35 = arith.constant 1 : i32
    %sub3A_36 = arith.subi %div3A, %sub3A_35 : i32
    %select_n3A = arith.select %and3A, %sub3A_36, %div3A : i32
    %max3A = arith.constant 1 : i32
    %max3A_37 = arith.maxsi %select_n3A, %max3A : i32
    %barrier3A = arith.constant 0 : index
    tpu.barrier barrier_id(%barrier3A)
    %dma_start3A = arith.constant 0 : i32
    %dma_start3A_38 = arith.constant 0 : i32
    %dma_start3A_39 = tpu.memref_slice %arg7[%dma_start3A, %dma_start3A_38] : memref<157x128xi32, #tpu.memory_space<vmem>> -> memref<1x128xi32, #tpu.memory_space<vmem>>
    %dma_start3A_40 = tpu.memref_squeeze %dma_start3A_39 : memref<1x128xi32, #tpu.memory_space<vmem>> -> memref<128xi32, #tpu.memory_space<vmem>>
    %dma_start3A_41 = arith.constant 0 : i32
    %dma_start3A_42 = arith.constant 0 : i32
    %dma_start3A_43 = tpu.memref_slice %arg2[%dma_start3A_41, %dma_start3A_42] : memref<10240x128xf32, #tpu.memory_space<hbm>> -> memref<10240x128xf32, #tpu.memory_space<hbm>>
    tpu.enqueue_indirect_dma source(%dma_start3A_43 : memref<10240x128xf32, #tpu.memory_space<hbm>>) target(%arg10 : memref<128x128xf32, #tpu.memory_space<vmem>>) offsets(%dma_start3A_40 : memref<128xi32, #tpu.memory_space<vmem>>) semaphore(%arg12 : memref<!tpu.dma_semaphore, #tpu.memory_space<semaphore_mem>>)
    %sub3A_44 = arith.constant 0 : i32
    %sub3A_45 = arith.subi %max3A_37, %sub3A_44 : i32
    %sub3A_46 = arith.constant 1 : i32
    %sub3A_47 = arith.constant 1 : i32
    %sub3A_48 = arith.subi %sub3A_46, %sub3A_47 : i32
    %add3A_49 = arith.addi %sub3A_45, %sub3A_48 : i32
    %div3A_50 = arith.constant 1 : i32
    %div3A_51 = arith.divsi %add3A_49, %div3A_50 : i32
    %while3A = arith.constant 1 : i32
    %while3A_52 = arith.constant 0 : i32
    %while3A_53 = arith.constant 0 : i32
    %while3A_54 = arith.subi %div3A_51, %while3A_53 : i32
    %while3A_55 = arith.addi %while3A_53, %while3A_54 : i32
    %while3A_56 = arith.constant 1 : i32
    %while3A_57 = arith.divsi %while3A_54, %while3A_56 : i32
    %while3A_58 = arith.muli %while3A_57, %while3A_56 : i32
    %while3A_59 = arith.addi %while3A_53, %while3A_58 : i32
    %while3A_60 = arith.constant 1 : i32
    scf.for %while3A_67 = %while3A_53 to %while3A_59 step %while3A_60  : i32 {
      %mul3A_68 = arith.muli %while3A_67, %while3A : i32
      %add3A_69 = arith.addi %while3A_52, %mul3A_68 : i32
      %rem3A_70 = arith.constant 2 : i32
      %rem3A_71 = arith.remsi %add3A_69, %rem3A_70 : i32
      %eq3A = arith.constant 0 : i32
      %eq3A_72 = arith.cmpi eq, %rem3A_71, %eq3A : i32
      %add3A_73 = arith.constant 1 : i32
      %add3A_74 = arith.addi %add3A_69, %add3A_73 : i32
      %lt3A = arith.cmpi slt, %add3A_74, %max3A_37 : i32
      %convert_element_type3A = arith.extui %lt3A : i1 to i32
      %cond3A = arith.constant 0 : i32
      %cond3A_75 = arith.cmpi ne, %convert_element_type3A, %cond3A : i32
      scf.if %cond3A_75 {
        %convert_element_type3A_83 = arith.extui %eq3A_72 : i1 to i32
        %cond3A_84 = arith.constant 0 : i32
        %cond3A_85 = arith.cmpi ne, %convert_element_type3A_83, %cond3A_84 : i32
        scf.if %cond3A_85 {
          %add3A_91 = arith.constant 1 : i32
          %add3A_92 = arith.addi %add3A_69, %add3A_91 : i32
          %dma_start3A_93 = arith.constant 0 : i32
          %dma_start3A_94 = tpu.memref_slice %arg7[%add3A_92, %dma_start3A_93] : memref<157x128xi32, #tpu.memory_space<vmem>> -> memref<1x128xi32, #tpu.memory_space<vmem>>
          %dma_start3A_95 = tpu.memref_squeeze %dma_start3A_94 : memref<1x128xi32, #tpu.memory_space<vmem>> -> memref<128xi32, #tpu.memory_space<vmem>>
          %dma_start3A_96 = arith.constant 0 : i32
          %dma_start3A_97 = arith.constant 0 : i32
          %dma_start3A_98 = tpu.memref_slice %arg2[%dma_start3A_96, %dma_start3A_97] : memref<10240x128xf32, #tpu.memory_space<hbm>> -> memref<10240x128xf32, #tpu.memory_space<hbm>>
          tpu.enqueue_indirect_dma source(%dma_start3A_98 : memref<10240x128xf32, #tpu.memory_space<hbm>>) target(%arg11 : memref<128x128xf32, #tpu.memory_space<vmem>>) offsets(%dma_start3A_95 : memref<128xi32, #tpu.memory_space<vmem>>) semaphore(%arg13 : memref<!tpu.dma_semaphore, #tpu.memory_space<semaphore_mem>>)
        } else {
        }
        %not3A_86 = arith.constant true
        %not3A_87 = arith.xori %eq3A_72, %not3A_86 : i1
        %convert_element_type3A_88 = arith.extui %not3A_87 : i1 to i32
        %cond3A_89 = arith.constant 0 : i32
        %cond3A_90 = arith.cmpi ne, %convert_element_type3A_88, %cond3A_89 : i32
        scf.if %cond3A_90 {
          %add3A_91 = arith.constant 1 : i32
          %add3A_92 = arith.addi %add3A_69, %add3A_91 : i32
          %dma_start3A_93 = arith.constant 0 : i32
          %dma_start3A_94 = tpu.memref_slice %arg7[%add3A_92, %dma_start3A_93] : memref<157x128xi32, #tpu.memory_space<vmem>> -> memref<1x128xi32, #tpu.memory_space<vmem>>
          %dma_start3A_95 = tpu.memref_squeeze %dma_start3A_94 : memref<1x128xi32, #tpu.memory_space<vmem>> -> memref<128xi32, #tpu.memory_space<vmem>>
          %dma_start3A_96 = arith.constant 0 : i32
          %dma_start3A_97 = arith.constant 0 : i32
          %dma_start3A_98 = tpu.memref_slice %arg2[%dma_start3A_96, %dma_start3A_97] : memref<10240x128xf32, #tpu.memory_space<hbm>> -> memref<10240x128xf32, #tpu.memory_space<hbm>>
          tpu.enqueue_indirect_dma source(%dma_start3A_98 : memref<10240x128xf32, #tpu.memory_space<hbm>>) target(%arg10 : memref<128x128xf32, #tpu.memory_space<vmem>>) offsets(%dma_start3A_95 : memref<128xi32, #tpu.memory_space<vmem>>) semaphore(%arg12 : memref<!tpu.dma_semaphore, #tpu.memory_space<semaphore_mem>>)
        } else {
        }
      } else {
      }
      %convert_element_type3A_76 = arith.extui %eq3A_72 : i1 to i32
      %cond3A_77 = arith.constant 0 : i32
      %cond3A_78 = arith.cmpi ne, %convert_element_type3A_76, %cond3A_77 : i32
      scf.if %cond3A_78 {
        %dma_wait3A = arith.constant 0 : i32
        %dma_wait3A_83 = tpu.memref_slice %arg7[%add3A_69, %dma_wait3A] : memref<157x128xi32, #tpu.memory_space<vmem>> -> memref<1x128xi32, #tpu.memory_space<vmem>>
        %dma_wait3A_84 = tpu.memref_squeeze %dma_wait3A_83 : memref<1x128xi32, #tpu.memory_space<vmem>> -> memref<128xi32, #tpu.memory_space<vmem>>
        %dma_wait3A_85 = arith.constant 0 : i32
        %dma_wait3A_86 = arith.constant 0 : i32
        %dma_wait3A_87 = tpu.memref_slice %arg2[%dma_wait3A_85, %dma_wait3A_86] : memref<10240x128xf32, #tpu.memory_space<hbm>> -> memref<10240x128xf32, #tpu.memory_space<hbm>>
        tpu.wait_indirect_dma semaphore(%arg12 : memref<!tpu.dma_semaphore, #tpu.memory_space<semaphore_mem>>) src(%dma_wait3A_87 : memref<10240x128xf32, #tpu.memory_space<hbm>>) dst(%arg10 : memref<128x128xf32, #tpu.memory_space<vmem>>)
        "tpu.region"() ({
          %run_scoped3A = tpu.sem_alloc : memref<!tpu.dma_semaphore, #tpu.memory_space<semaphore_mem>>
          %dma_start3A_88 = arith.constant 0 : i32
          %dma_start3A_89 = tpu.memref_slice %arg8[%add3A_69, %dma_start3A_88] : memref<157x128xi32, #tpu.memory_space<vmem>> -> memref<1x128xi32, #tpu.memory_space<vmem>>
          %dma_start3A_90 = tpu.memref_squeeze %dma_start3A_89 : memref<1x128xi32, #tpu.memory_space<vmem>> -> memref<128xi32, #tpu.memory_space<vmem>>
          %dma_start3A_91 = arith.constant 0 : i32
          %dma_start3A_92 = arith.constant 0 : i32
          %dma_start3A_93 = tpu.memref_slice %arg14[%dma_start3A_91, %dma_start3A_92] : memref<6144x128xf32, #tpu.memory_space<vmem_shared>> -> memref<6144x128xf32, #tpu.memory_space<vmem_shared>>
          tpu.enqueue_indirect_dma source(%arg10 : memref<128x128xf32, #tpu.memory_space<vmem>>) target(%dma_start3A_93 : memref<6144x128xf32, #tpu.memory_space<vmem_shared>>) offsets(%dma_start3A_90 : memref<128xi32, #tpu.memory_space<vmem>>) semaphore(%run_scoped3A : memref<!tpu.dma_semaphore, #tpu.memory_space<semaphore_mem>>) {add = true}
          %dma_wait3A_94 = arith.constant 0 : i32
          %dma_wait3A_95 = tpu.memref_slice %arg8[%add3A_69, %dma_wait3A_94] : memref<157x128xi32, #tpu.memory_space<vmem>> -> memref<1x128xi32, #tpu.memory_space<vmem>>
          %dma_wait3A_96 = tpu.memref_squeeze %dma_wait3A_95 : memref<1x128xi32, #tpu.memory_space<vmem>> -> memref<128xi32, #tpu.memory_space<vmem>>
          %dma_wait3A_97 = arith.constant 0 : i32
          %dma_wait3A_98 = arith.constant 0 : i32
          %dma_wait3A_99 = tpu.memref_slice %arg14[%dma_wait3A_97, %dma_wait3A_98] : memref<6144x128xf32, #tpu.memory_space<vmem_shared>> -> memref<6144x128xf32, #tpu.memory_space<vmem_shared>>
          tpu.wait_indirect_dma semaphore(%run_scoped3A : memref<!tpu.dma_semaphore, #tpu.memory_space<semaphore_mem>>) src(%arg10 : memref<128x128xf32, #tpu.memory_space<vmem>>) dst(%dma_wait3A_99 : memref<6144x128xf32, #tpu.memory_space<vmem_shared>>)
          tpu.yield
        }) : () -> ()
      } else {
      }
      %not3A = arith.constant true
      %not3A_79 = arith.xori %eq3A_72, %not3A : i1
      %convert_element_type3A_80 = arith.extui %not3A_79 : i1 to i32
      %cond3A_81 = arith.constant 0 : i32
      %cond3A_82 = arith.cmpi ne, %convert_element_type3A_80, %cond3A_81 : i32
      scf.if %cond3A_82 {
        %dma_wait3A = arith.constant 0 : i32
        %dma_wait3A_83 = tpu.memref_slice %arg7[%add3A_69, %dma_wait3A] : memref<157x128xi32, #tpu.memory_space<vmem>> -> memref<1x128xi32, #tpu.memory_space<vmem>>
        %dma_wait3A_84 = tpu.memref_squeeze %dma_wait3A_83 : memref<1x128xi32, #tpu.memory_space<vmem>> -> memref<128xi32, #tpu.memory_space<vmem>>
        %dma_wait3A_85 = arith.constant 0 : i32
        %dma_wait3A_86 = arith.constant 0 : i32
        %dma_wait3A_87 = tpu.memref_slice %arg2[%dma_wait3A_85, %dma_wait3A_86] : memref<10240x128xf32, #tpu.memory_space<hbm>> -> memref<10240x128xf32, #tpu.memory_space<hbm>>
        tpu.wait_indirect_dma semaphore(%arg13 : memref<!tpu.dma_semaphore, #tpu.memory_space<semaphore_mem>>) src(%dma_wait3A_87 : memref<10240x128xf32, #tpu.memory_space<hbm>>) dst(%arg11 : memref<128x128xf32, #tpu.memory_space<vmem>>)
        "tpu.region"() ({
          %run_scoped3A = tpu.sem_alloc : memref<!tpu.dma_semaphore, #tpu.memory_space<semaphore_mem>>
          %dma_start3A_88 = arith.constant 0 : i32
          %dma_start3A_89 = tpu.memref_slice %arg8[%add3A_69, %dma_start3A_88] : memref<157x128xi32, #tpu.memory_space<vmem>> -> memref<1x128xi32, #tpu.memory_space<vmem>>
          %dma_start3A_90 = tpu.memref_squeeze %dma_start3A_89 : memref<1x128xi32, #tpu.memory_space<vmem>> -> memref<128xi32, #tpu.memory_space<vmem>>
          %dma_start3A_91 = arith.constant 0 : i32
          %dma_start3A_92 = arith.constant 0 : i32
          %dma_start3A_93 = tpu.memref_slice %arg14[%dma_start3A_91, %dma_start3A_92] : memref<6144x128xf32, #tpu.memory_space<vmem_shared>> -> memref<6144x128xf32, #tpu.memory_space<vmem_shared>>
          tpu.enqueue_indirect_dma source(%arg11 : memref<128x128xf32, #tpu.memory_space<vmem>>) target(%dma_start3A_93 : memref<6144x128xf32, #tpu.memory_space<vmem_shared>>) offsets(%dma_start3A_90 : memref<128xi32, #tpu.memory_space<vmem>>) semaphore(%run_scoped3A : memref<!tpu.dma_semaphore, #tpu.memory_space<semaphore_mem>>) {add = true}
          %dma_wait3A_94 = arith.constant 0 : i32
          %dma_wait3A_95 = tpu.memref_slice %arg8[%add3A_69, %dma_wait3A_94] : memref<157x128xi32, #tpu.memory_space<vmem>> -> memref<1x128xi32, #tpu.memory_space<vmem>>
          %dma_wait3A_96 = tpu.memref_squeeze %dma_wait3A_95 : memref<1x128xi32, #tpu.memory_space<vmem>> -> memref<128xi32, #tpu.memory_space<vmem>>
          %dma_wait3A_97 = arith.constant 0 : i32
          %dma_wait3A_98 = arith.constant 0 : i32
          %dma_wait3A_99 = tpu.memref_slice %arg14[%dma_wait3A_97, %dma_wait3A_98] : memref<6144x128xf32, #tpu.memory_space<vmem_shared>> -> memref<6144x128xf32, #tpu.memory_space<vmem_shared>>
          tpu.wait_indirect_dma semaphore(%run_scoped3A : memref<!tpu.dma_semaphore, #tpu.memory_space<semaphore_mem>>) src(%arg11 : memref<128x128xf32, #tpu.memory_space<vmem>>) dst(%dma_wait3A_99 : memref<6144x128xf32, #tpu.memory_space<vmem_shared>>)
          tpu.yield
        }) : () -> ()
      } else {
      }
    }
    %while3A_61 = arith.constant 1 : i32
    scf.for %while3A_67 = %while3A_59 to %while3A_55 step %while3A_61  : i32 {
      %mul3A_68 = arith.muli %while3A_67, %while3A : i32
      %add3A_69 = arith.addi %while3A_52, %mul3A_68 : i32
      %rem3A_70 = arith.constant 2 : i32
      %rem3A_71 = arith.remsi %add3A_69, %rem3A_70 : i32
      %eq3A = arith.constant 0 : i32
      %eq3A_72 = arith.cmpi eq, %rem3A_71, %eq3A : i32
      %add3A_73 = arith.constant 1 : i32
      %add3A_74 = arith.addi %add3A_69, %add3A_73 : i32
      %lt3A = arith.cmpi slt, %add3A_74, %max3A_37 : i32
      %convert_element_type3A = arith.extui %lt3A : i1 to i32
      %cond3A = arith.constant 0 : i32
      %cond3A_75 = arith.cmpi ne, %convert_element_type3A, %cond3A : i32
      scf.if %cond3A_75 {
        %convert_element_type3A_83 = arith.extui %eq3A_72 : i1 to i32
        %cond3A_84 = arith.constant 0 : i32
        %cond3A_85 = arith.cmpi ne, %convert_element_type3A_83, %cond3A_84 : i32
        scf.if %cond3A_85 {
          %add3A_91 = arith.constant 1 : i32
          %add3A_92 = arith.addi %add3A_69, %add3A_91 : i32
          %dma_start3A_93 = arith.constant 0 : i32
          %dma_start3A_94 = tpu.memref_slice %arg7[%add3A_92, %dma_start3A_93] : memref<157x128xi32, #tpu.memory_space<vmem>> -> memref<1x128xi32, #tpu.memory_space<vmem>>
          %dma_start3A_95 = tpu.memref_squeeze %dma_start3A_94 : memref<1x128xi32, #tpu.memory_space<vmem>> -> memref<128xi32, #tpu.memory_space<vmem>>
          %dma_start3A_96 = arith.constant 0 : i32
          %dma_start3A_97 = arith.constant 0 : i32
          %dma_start3A_98 = tpu.memref_slice %arg2[%dma_start3A_96, %dma_start3A_97] : memref<10240x128xf32, #tpu.memory_space<hbm>> -> memref<10240x128xf32, #tpu.memory_space<hbm>>
          tpu.enqueue_indirect_dma source(%dma_start3A_98 : memref<10240x128xf32, #tpu.memory_space<hbm>>) target(%arg11 : memref<128x128xf32, #tpu.memory_space<vmem>>) offsets(%dma_start3A_95 : memref<128xi32, #tpu.memory_space<vmem>>) semaphore(%arg13 : memref<!tpu.dma_semaphore, #tpu.memory_space<semaphore_mem>>)
        } else {
        }
        %not3A_86 = arith.constant true
        %not3A_87 = arith.xori %eq3A_72, %not3A_86 : i1
        %convert_element_type3A_88 = arith.extui %not3A_87 : i1 to i32
        %cond3A_89 = arith.constant 0 : i32
        %cond3A_90 = arith.cmpi ne, %convert_element_type3A_88, %cond3A_89 : i32
        scf.if %cond3A_90 {
          %add3A_91 = arith.constant 1 : i32
          %add3A_92 = arith.addi %add3A_69, %add3A_91 : i32
          %dma_start3A_93 = arith.constant 0 : i32
          %dma_start3A_94 = tpu.memref_slice %arg7[%add3A_92, %dma_start3A_93] : memref<157x128xi32, #tpu.memory_space<vmem>> -> memref<1x128xi32, #tpu.memory_space<vmem>>
          %dma_start3A_95 = tpu.memref_squeeze %dma_start3A_94 : memref<1x128xi32, #tpu.memory_space<vmem>> -> memref<128xi32, #tpu.memory_space<vmem>>
          %dma_start3A_96 = arith.constant 0 : i32
          %dma_start3A_97 = arith.constant 0 : i32
          %dma_start3A_98 = tpu.memref_slice %arg2[%dma_start3A_96, %dma_start3A_97] : memref<10240x128xf32, #tpu.memory_space<hbm>> -> memref<10240x128xf32, #tpu.memory_space<hbm>>
          tpu.enqueue_indirect_dma source(%dma_start3A_98 : memref<10240x128xf32, #tpu.memory_space<hbm>>) target(%arg10 : memref<128x128xf32, #tpu.memory_space<vmem>>) offsets(%dma_start3A_95 : memref<128xi32, #tpu.memory_space<vmem>>) semaphore(%arg12 : memref<!tpu.dma_semaphore, #tpu.memory_space<semaphore_mem>>)
        } else {
        }
      } else {
      }
      %convert_element_type3A_76 = arith.extui %eq3A_72 : i1 to i32
      %cond3A_77 = arith.constant 0 : i32
      %cond3A_78 = arith.cmpi ne, %convert_element_type3A_76, %cond3A_77 : i32
      scf.if %cond3A_78 {
        %dma_wait3A = arith.constant 0 : i32
        %dma_wait3A_83 = tpu.memref_slice %arg7[%add3A_69, %dma_wait3A] : memref<157x128xi32, #tpu.memory_space<vmem>> -> memref<1x128xi32, #tpu.memory_space<vmem>>
        %dma_wait3A_84 = tpu.memref_squeeze %dma_wait3A_83 : memref<1x128xi32, #tpu.memory_space<vmem>> -> memref<128xi32, #tpu.memory_space<vmem>>
        %dma_wait3A_85 = arith.constant 0 : i32
        %dma_wait3A_86 = arith.constant 0 : i32
        %dma_wait3A_87 = tpu.memref_slice %arg2[%dma_wait3A_85, %dma_wait3A_86] : memref<10240x128xf32, #tpu.memory_space<hbm>> -> memref<10240x128xf32, #tpu.memory_space<hbm>>
        tpu.wait_indirect_dma semaphore(%arg12 : memref<!tpu.dma_semaphore, #tpu.memory_space<semaphore_mem>>) src(%dma_wait3A_87 : memref<10240x128xf32, #tpu.memory_space<hbm>>) dst(%arg10 : memref<128x128xf32, #tpu.memory_space<vmem>>)
        "tpu.region"() ({
          %run_scoped3A = tpu.sem_alloc : memref<!tpu.dma_semaphore, #tpu.memory_space<semaphore_mem>>
          %dma_start3A_88 = arith.constant 0 : i32
          %dma_start3A_89 = tpu.memref_slice %arg8[%add3A_69, %dma_start3A_88] : memref<157x128xi32, #tpu.memory_space<vmem>> -> memref<1x128xi32, #tpu.memory_space<vmem>>
          %dma_start3A_90 = tpu.memref_squeeze %dma_start3A_89 : memref<1x128xi32, #tpu.memory_space<vmem>> -> memref<128xi32, #tpu.memory_space<vmem>>
          %dma_start3A_91 = arith.constant 0 : i32
          %dma_start3A_92 = arith.constant 0 : i32
          %dma_start3A_93 = tpu.memref_slice %arg14[%dma_start3A_91, %dma_start3A_92] : memref<6144x128xf32, #tpu.memory_space<vmem_shared>> -> memref<6144x128xf32, #tpu.memory_space<vmem_shared>>
          tpu.enqueue_indirect_dma source(%arg10 : memref<128x128xf32, #tpu.memory_space<vmem>>) target(%dma_start3A_93 : memref<6144x128xf32, #tpu.memory_space<vmem_shared>>) offsets(%dma_start3A_90 : memref<128xi32, #tpu.memory_space<vmem>>) semaphore(%run_scoped3A : memref<!tpu.dma_semaphore, #tpu.memory_space<semaphore_mem>>) {add = true}
          %dma_wait3A_94 = arith.constant 0 : i32
          %dma_wait3A_95 = tpu.memref_slice %arg8[%add3A_69, %dma_wait3A_94] : memref<157x128xi32, #tpu.memory_space<vmem>> -> memref<1x128xi32, #tpu.memory_space<vmem>>
          %dma_wait3A_96 = tpu.memref_squeeze %dma_wait3A_95 : memref<1x128xi32, #tpu.memory_space<vmem>> -> memref<128xi32, #tpu.memory_space<vmem>>
          %dma_wait3A_97 = arith.constant 0 : i32
          %dma_wait3A_98 = arith.constant 0 : i32
          %dma_wait3A_99 = tpu.memref_slice %arg14[%dma_wait3A_97, %dma_wait3A_98] : memref<6144x128xf32, #tpu.memory_space<vmem_shared>> -> memref<6144x128xf32, #tpu.memory_space<vmem_shared>>
          tpu.wait_indirect_dma semaphore(%run_scoped3A : memref<!tpu.dma_semaphore, #tpu.memory_space<semaphore_mem>>) src(%arg10 : memref<128x128xf32, #tpu.memory_space<vmem>>) dst(%dma_wait3A_99 : memref<6144x128xf32, #tpu.memory_space<vmem_shared>>)
          tpu.yield
        }) : () -> ()
      } else {
      }
      %not3A = arith.constant true
      %not3A_79 = arith.xori %eq3A_72, %not3A : i1
      %convert_element_type3A_80 = arith.extui %not3A_79 : i1 to i32
      %cond3A_81 = arith.constant 0 : i32
      %cond3A_82 = arith.cmpi ne, %convert_element_type3A_80, %cond3A_81 : i32
      scf.if %cond3A_82 {
        %dma_wait3A = arith.constant 0 : i32
        %dma_wait3A_83 = tpu.memref_slice %arg7[%add3A_69, %dma_wait3A] : memref<157x128xi32, #tpu.memory_space<vmem>> -> memref<1x128xi32, #tpu.memory_space<vmem>>
        %dma_wait3A_84 = tpu.memref_squeeze %dma_wait3A_83 : memref<1x128xi32, #tpu.memory_space<vmem>> -> memref<128xi32, #tpu.memory_space<vmem>>
        %dma_wait3A_85 = arith.constant 0 : i32
        %dma_wait3A_86 = arith.constant 0 : i32
        %dma_wait3A_87 = tpu.memref_slice %arg2[%dma_wait3A_85, %dma_wait3A_86] : memref<10240x128xf32, #tpu.memory_space<hbm>> -> memref<10240x128xf32, #tpu.memory_space<hbm>>
        tpu.wait_indirect_dma semaphore(%arg13 : memref<!tpu.dma_semaphore, #tpu.memory_space<semaphore_mem>>) src(%dma_wait3A_87 : memref<10240x128xf32, #tpu.memory_space<hbm>>) dst(%arg11 : memref<128x128xf32, #tpu.memory_space<vmem>>)
        "tpu.region"() ({
          %run_scoped3A = tpu.sem_alloc : memref<!tpu.dma_semaphore, #tpu.memory_space<semaphore_mem>>
          %dma_start3A_88 = arith.constant 0 : i32
          %dma_start3A_89 = tpu.memref_slice %arg8[%add3A_69, %dma_start3A_88] : memref<157x128xi32, #tpu.memory_space<vmem>> -> memref<1x128xi32, #tpu.memory_space<vmem>>
          %dma_start3A_90 = tpu.memref_squeeze %dma_start3A_89 : memref<1x128xi32, #tpu.memory_space<vmem>> -> memref<128xi32, #tpu.memory_space<vmem>>
          %dma_start3A_91 = arith.constant 0 : i32
          %dma_start3A_92 = arith.constant 0 : i32
          %dma_start3A_93 = tpu.memref_slice %arg14[%dma_start3A_91, %dma_start3A_92] : memref<6144x128xf32, #tpu.memory_space<vmem_shared>> -> memref<6144x128xf32, #tpu.memory_space<vmem_shared>>
          tpu.enqueue_indirect_dma source(%arg11 : memref<128x128xf32, #tpu.memory_space<vmem>>) target(%dma_start3A_93 : memref<6144x128xf32, #tpu.memory_space<vmem_shared>>) offsets(%dma_start3A_90 : memref<128xi32, #tpu.memory_space<vmem>>) semaphore(%run_scoped3A : memref<!tpu.dma_semaphore, #tpu.memory_space<semaphore_mem>>) {add = true}
          %dma_wait3A_94 = arith.constant 0 : i32
          %dma_wait3A_95 = tpu.memref_slice %arg8[%add3A_69, %dma_wait3A_94] : memref<157x128xi32, #tpu.memory_space<vmem>> -> memref<1x128xi32, #tpu.memory_space<vmem>>
          %dma_wait3A_96 = tpu.memref_squeeze %dma_wait3A_95 : memref<1x128xi32, #tpu.memory_space<vmem>> -> memref<128xi32, #tpu.memory_space<vmem>>
          %dma_wait3A_97 = arith.constant 0 : i32
          %dma_wait3A_98 = arith.constant 0 : i32
          %dma_wait3A_99 = tpu.memref_slice %arg14[%dma_wait3A_97, %dma_wait3A_98] : memref<6144x128xf32, #tpu.memory_space<vmem_shared>> -> memref<6144x128xf32, #tpu.memory_space<vmem_shared>>
          tpu.wait_indirect_dma semaphore(%run_scoped3A : memref<!tpu.dma_semaphore, #tpu.memory_space<semaphore_mem>>) src(%arg11 : memref<128x128xf32, #tpu.memory_space<vmem>>) dst(%dma_wait3A_99 : memref<6144x128xf32, #tpu.memory_space<vmem_shared>>)
          tpu.yield
        }) : () -> ()
      } else {
      }
    }
    %barrier3A_62 = arith.constant 0 : index
    tpu.barrier barrier_id(%barrier3A_62)
    %mul3A_63 = arith.constant 384 : i32
    %mul3A_64 = arith.muli %arg1, %mul3A_63 : i32
    %mul3A_65 = arith.constant 384 : i32
    %mul3A_66 = arith.muli %arg1, %mul3A_65 : i32
    "tpu.region"() ({
      %run_scoped3A = tpu.sem_alloc : memref<!tpu.dma_semaphore, #tpu.memory_space<semaphore_mem>>
      %dma_start3A_67 = arith.constant 0 : i32
      %dma_start3A_68 = arith.constant 0 : i32
      %dma_start3A_69 = tpu.memref_slice %arg6[%arg0, %dma_start3A_67, %dma_start3A_68] : memref<2x6144x128xf32, #tpu.memory_space<hbm>> -> memref<1x6144x128xf32, #tpu.memory_space<hbm>>
      %dma_start3A_70 = tpu.memref_squeeze %dma_start3A_69 : memref<1x6144x128xf32, #tpu.memory_space<hbm>> -> memref<6144x128xf32, #tpu.memory_space<hbm>>
      %dma_start3A_71 = arith.constant 0 : i32
      %dma_start3A_72 = tpu.memref_slice %dma_start3A_70[%mul3A_66, %dma_start3A_71] : memref<6144x128xf32, #tpu.memory_space<hbm>> -> memref<384x128xf32, #tpu.memory_space<hbm>>
      %dma_start3A_73 = arith.constant 0 : i32
      %dma_start3A_74 = tpu.memref_slice %arg14[%mul3A_64, %dma_start3A_73] : memref<6144x128xf32, #tpu.memory_space<vmem_shared>> -> memref<384x128xf32, #tpu.memory_space<vmem_shared>>
      tpu.enqueue_dma source(%dma_start3A_74 : memref<384x128xf32, #tpu.memory_space<vmem_shared>>) target(%dma_start3A_72 : memref<384x128xf32, #tpu.memory_space<hbm>>) target_semaphore(%run_scoped3A : memref<!tpu.dma_semaphore, #tpu.memory_space<semaphore_mem>>)
      %dma_wait3A = arith.constant 0 : i32
      %dma_wait3A_75 = arith.constant 0 : i32
      %dma_wait3A_76 = tpu.memref_slice %arg6[%arg0, %dma_wait3A, %dma_wait3A_75] : memref<2x6144x128xf32, #tpu.memory_space<hbm>> -> memref<1x6144x128xf32, #tpu.memory_space<hbm>>
      %dma_wait3A_77 = tpu.memref_squeeze %dma_wait3A_76 : memref<1x6144x128xf32, #tpu.memory_space<hbm>> -> memref<6144x128xf32, #tpu.memory_space<hbm>>
      %dma_wait3A_78 = arith.constant 0 : i32
      %dma_wait3A_79 = tpu.memref_slice %dma_wait3A_77[%mul3A_66, %dma_wait3A_78] : memref<6144x128xf32, #tpu.memory_space<hbm>> -> memref<384x128xf32, #tpu.memory_space<hbm>>
      %dma_wait3A_80 = arith.constant 0 : i32
      %dma_wait3A_81 = tpu.memref_slice %arg14[%mul3A_64, %dma_wait3A_80] : memref<6144x128xf32, #tpu.memory_space<vmem_shared>> -> memref<384x128xf32, #tpu.memory_space<vmem_shared>>
      tpu.wait_dma2 semaphore(%run_scoped3A : memref<!tpu.dma_semaphore, #tpu.memory_space<semaphore_mem>>) src(%dma_wait3A_81 : memref<384x128xf32, #tpu.memory_space<vmem_shared>>) dst(%dma_wait3A_79 : memref<384x128xf32, #tpu.memory_space<hbm>>)
      tpu.yield
    }) : () -> ()
    return
  }
}

module attributes {stable_mosaic.version = 14 : i64} {
  func.func @_tc1_body(%arg0: memref<10000x128xf32, #tpu.memory_space<vmem>>, %arg1: memref<10000x1xi32, #tpu.memory_space<vmem>>, %arg2: memref<128x128xf32, #tpu.memory_space<vmem>>, %arg3: memref<128x128xf32, #tpu.memory_space<vmem>>, %arg4: memref<1x128xf32, #tpu.memory_space<vmem>>, %arg5: memref<2x10240xf32, #tpu.memory_space<vmem>>, %arg6: memref<10240x128xf32, #tpu.memory_space<vmem>>) attributes {dimension_semantics = [], scalar_prefetch = 0 : i64, scratch_operands = 0 : i64, tpu.core_type = #tpu.core_type<tc>} {
    %get3A = arith.constant 0 : index
    %get3A_0 = arith.constant 0 : index
    %get3A_1 = vector.load %arg5[%get3A, %get3A_0] : memref<2x10240xf32, #tpu.memory_space<vmem>>, vector<1x10000xf32>
    %get3A_2 = vector.shape_cast %get3A_1 : vector<1x10000xf32> to vector<10000xf32>
    %add3A = arith.constant 1.000000e+00 : f32
    %add3A_3 = vector.broadcast %add3A : f32 to vector<10000xf32>
    %add3A_4 = arith.addf %get3A_2, %add3A_3 : vector<10000xf32>
    %rsqrt3A = math.rsqrt %add3A_4 : vector<10000xf32>
    %broadcast_in_dim3A = vector.shape_cast %rsqrt3A : vector<10000xf32> to vector<10000x1xf32>
    %get3A_5 = arith.constant 0 : index
    %get3A_6 = arith.constant 0 : index
    %get3A_7 = vector.load %arg0[%get3A_5, %get3A_6] : memref<10000x128xf32, #tpu.memory_space<vmem>>, vector<10000x128xf32>
    %get3A_8 = arith.constant 0 : index
    %get3A_9 = arith.constant 0 : index
    %get3A_10 = vector.load %arg2[%get3A_8, %get3A_9] : memref<128x128xf32, #tpu.memory_space<vmem>>, vector<128x128xf32>
    %dot_general3A = arith.constant dense<0.000000e+00> : vector<10000x128xf32>
    %dot_general3A_11 = tpu.matmul %get3A_7, %get3A_10, %dot_general3A {dimension_numbers = #tpu.dot_dimension_numbers<[1], [0], [0], [1], [0, 0, 1, 1], [], []>, transpose_lhs_hint = false} : vector<10000x128xf32>, vector<128x128xf32>, vector<10000x128xf32> -> vector<10000x128xf32>
    %get3A_12 = arith.constant 0 : index
    %get3A_13 = arith.constant 0 : index
    %get3A_14 = vector.load %arg1[%get3A_12, %get3A_13] : memref<10000x1xi32, #tpu.memory_space<vmem>>, vector<10000x1xi32>
    %eq3A = arith.constant 0 : i32
    %eq3A_15 = vector.broadcast %eq3A : i32 to vector<10000x1xi32>
    %eq3A_16 = arith.cmpi eq, %get3A_14, %eq3A_15 : vector<10000x1xi32>
    %get3A_17 = arith.constant 0 : index
    %get3A_18 = arith.constant 0 : index
    %get3A_19 = vector.load %arg4[%get3A_17, %get3A_18] : memref<1x128xf32, #tpu.memory_space<vmem>>, vector<1x128xf32>
    %broadcast_in_dim3A_20 = vector.shape_cast %eq3A_16 : vector<10000x1xi1> to vector<10000x1xi1>
    %broadcast_in_dim3A_21 = vector.broadcast %broadcast_in_dim3A_20 : vector<10000x1xi1> to vector<10000x128xi1>
    %broadcast_in_dim3A_22 = vector.shape_cast %get3A_19 : vector<1x128xf32> to vector<1x128xf32>
    %broadcast_in_dim3A_23 = vector.broadcast %broadcast_in_dim3A_22 : vector<1x128xf32> to vector<10000x128xf32>
    %select_n3A = arith.select %broadcast_in_dim3A_21, %broadcast_in_dim3A_23, %dot_general3A_11 : vector<10000x128xi1>, vector<10000x128xf32>
    %get3A_24 = arith.constant 0 : index
    %get3A_25 = arith.constant 0 : index
    %get3A_26 = vector.load %arg3[%get3A_24, %get3A_25] : memref<128x128xf32, #tpu.memory_space<vmem>>, vector<128x128xf32>
    %dot_general3A_27 = arith.constant dense<0.000000e+00> : vector<10000x128xf32>
    %dot_general3A_28 = tpu.matmul %select_n3A, %get3A_26, %dot_general3A_27 {dimension_numbers = #tpu.dot_dimension_numbers<[1], [0], [0], [1], [0, 0, 1, 1], [], []>, transpose_lhs_hint = false} : vector<10000x128xf32>, vector<128x128xf32>, vector<10000x128xf32> -> vector<10000x128xf32>
    %mul3A = vector.broadcast %broadcast_in_dim3A : vector<10000x1xf32> to vector<10000x128xf32>
    %mul3A_29 = arith.mulf %dot_general3A_28, %mul3A : vector<10000x128xf32>
    %swap3A = arith.constant 0 : index
    %swap3A_30 = arith.constant 0 : index
    %swap3A_31 = vector.load %arg6[%swap3A, %swap3A_30] : memref<10240x128xf32, #tpu.memory_space<vmem>>, vector<10000x128xf32>
    tpu.vector_store %arg6[%swap3A, %swap3A_30], %mul3A_29 {strides = array<i32>} : memref<10240x128xf32, #tpu.memory_space<vmem>>, vector<10000x128xf32>,
    %broadcast_in_dim3A_32 = arith.constant 0.000000e+00 : f32
    %broadcast_in_dim3A_33 = vector.broadcast %broadcast_in_dim3A_32 : f32 to vector<240x128xf32>
    %swap3A_34 = arith.constant 10000 : index
    %swap3A_35 = arith.constant 0 : index
    %swap3A_36 = vector.load %arg6[%swap3A_34, %swap3A_35] : memref<10240x128xf32, #tpu.memory_space<vmem>>, vector<240x128xf32>
    tpu.vector_store %arg6[%swap3A_34, %swap3A_35], %broadcast_in_dim3A_33 {strides = array<i32>} : memref<10240x128xf32, #tpu.memory_space<vmem>>, vector<240x128xf32>,
    return
  }
}

module attributes {stable_mosaic.version = 14 : i64} {
  func.func @_tc2_body(%arg0: memref<2x6144x128xf32, #tpu.memory_space<vmem>>, %arg1: memref<10240x128xf32, #tpu.memory_space<vmem>>, %arg2: memref<2x10240xf32, #tpu.memory_space<vmem>>, %arg3: memref<1x128xf32, #tpu.memory_space<vmem>>, %arg4: memref<1x128xf32, #tpu.memory_space<vmem>>, %arg5: memref<1x128xf32, #tpu.memory_space<vmem>>, %arg6: memref<1x1xf32, #tpu.memory_space<vmem>>, %arg7: memref<128x128xf32, #tpu.memory_space<vmem>>, %arg8: memref<10240x128xf32, #tpu.memory_space<vmem>>) attributes {dimension_semantics = [], scalar_prefetch = 0 : i64, scratch_operands = 0 : i64, tpu.core_type = #tpu.core_type<tc>} {
    %get3A = arith.constant 0 : index
    %get3A_0 = arith.constant 0 : index
    %get3A_1 = vector.load %arg2[%get3A, %get3A_0] : memref<2x10240xf32, #tpu.memory_space<vmem>>, vector<1x10000xf32>
    %get3A_2 = vector.shape_cast %get3A_1 : vector<1x10000xf32> to vector<10000xf32>
    %add3A = arith.constant 1.000000e+00 : f32
    %add3A_3 = vector.broadcast %add3A : f32 to vector<10000xf32>
    %add3A_4 = arith.addf %get3A_2, %add3A_3 : vector<10000xf32>
    %rsqrt3A = math.rsqrt %add3A_4 : vector<10000xf32>
    %broadcast_in_dim3A = vector.shape_cast %rsqrt3A : vector<10000xf32> to vector<10000x1xf32>
    %get3A_5 = arith.constant 0 : index
    %get3A_6 = arith.constant 0 : index
    %get3A_7 = arith.constant 0 : index
    %get3A_8 = vector.load %arg0[%get3A_5, %get3A_6, %get3A_7] : memref<2x6144x128xf32, #tpu.memory_space<vmem>>, vector<1x5120x128xf32>
    %get3A_9 = vector.shape_cast %get3A_8 : vector<1x5120x128xf32> to vector<5120x128xf32>
    %get3A_10 = arith.constant 1 : index
    %get3A_11 = arith.constant 0 : index
    %get3A_12 = arith.constant 0 : index
    %get3A_13 = vector.load %arg0[%get3A_10, %get3A_11, %get3A_12] : memref<2x6144x128xf32, #tpu.memory_space<vmem>>, vector<1x4880x128xf32>
    %get3A_14 = vector.shape_cast %get3A_13 : vector<1x4880x128xf32> to vector<4880x128xf32>
    %concatenate3A = tpu.concatenate %get3A_9, %get3A_14 in 0 : vector<5120x128xf32>, vector<4880x128xf32> -> vector<10000x128xf32>
    %get3A_15 = arith.constant 0 : index
    %get3A_16 = arith.constant 0 : index
    %get3A_17 = vector.load %arg1[%get3A_15, %get3A_16] : memref<10240x128xf32, #tpu.memory_space<vmem>>, vector<10000x128xf32>
    %add3A_18 = arith.addf %concatenate3A, %get3A_17 : vector<10000x128xf32>
    %mul3A = vector.broadcast %broadcast_in_dim3A : vector<10000x1xf32> to vector<10000x128xf32>
    %mul3A_19 = arith.mulf %add3A_18, %mul3A : vector<10000x128xf32>
    %get3A_20 = arith.constant 0 : index
    %get3A_21 = arith.constant 0 : index
    %get3A_22 = vector.load %arg3[%get3A_20, %get3A_21] : memref<1x128xf32, #tpu.memory_space<vmem>>, vector<1x128xf32>
    %add3A_23 = vector.broadcast %get3A_22 : vector<1x128xf32> to vector<10000x128xf32>
    %add3A_24 = arith.addf %mul3A_19, %add3A_23 : vector<10000x128xf32>
    %reduce_sum3A = arith.constant dense<0.000000e+00> : vector<10000xf32>
    %reduce_sum3A_25 = vector.multi_reduction <add>, %add3A_24, %reduce_sum3A [1] : vector<10000x128xf32> to vector<10000xf32>
    %broadcast_in_dim3A_26 = vector.shape_cast %reduce_sum3A_25 : vector<10000xf32> to vector<10000x1xf32>
    %div3A = arith.constant 1.280000e+02 : f32
    %div3A_27 = vector.broadcast %div3A : f32 to vector<10000x1xf32>
    %div3A_28 = arith.divf %broadcast_in_dim3A_26, %div3A_27 : vector<10000x1xf32>
    %sub3A = vector.broadcast %div3A_28 : vector<10000x1xf32> to vector<10000x128xf32>
    %sub3A_29 = arith.subf %add3A_24, %sub3A : vector<10000x128xf32>
    %mul3A_30 = arith.mulf %sub3A_29, %sub3A_29 : vector<10000x128xf32>
    %reduce_sum3A_31 = arith.constant dense<0.000000e+00> : vector<10000xf32>
    %reduce_sum3A_32 = vector.multi_reduction <add>, %mul3A_30, %reduce_sum3A_31 [1] : vector<10000x128xf32> to vector<10000xf32>
    %broadcast_in_dim3A_33 = vector.shape_cast %reduce_sum3A_32 : vector<10000xf32> to vector<10000x1xf32>
    %div3A_34 = arith.constant 1.280000e+02 : f32
    %div3A_35 = vector.broadcast %div3A_34 : f32 to vector<10000x1xf32>
    %div3A_36 = arith.divf %broadcast_in_dim3A_33, %div3A_35 : vector<10000x1xf32>
    %add3A_37 = arith.constant 9.99999974E-6 : f32
    %add3A_38 = vector.broadcast %add3A_37 : f32 to vector<10000x1xf32>
    %add3A_39 = arith.addf %div3A_36, %add3A_38 : vector<10000x1xf32>
    %rsqrt3A_40 = math.rsqrt %add3A_39 : vector<10000x1xf32>
    %mul3A_41 = vector.broadcast %rsqrt3A_40 : vector<10000x1xf32> to vector<10000x128xf32>
    %mul3A_42 = arith.mulf %sub3A_29, %mul3A_41 : vector<10000x128xf32>
    %get3A_43 = arith.constant 0 : index
    %get3A_44 = arith.constant 0 : index
    %get3A_45 = vector.load %arg4[%get3A_43, %get3A_44] : memref<1x128xf32, #tpu.memory_space<vmem>>, vector<1x128xf32>
    %mul3A_46 = vector.broadcast %get3A_45 : vector<1x128xf32> to vector<10000x128xf32>
    %mul3A_47 = arith.mulf %mul3A_42, %mul3A_46 : vector<10000x128xf32>
    %get3A_48 = arith.constant 0 : index
    %get3A_49 = arith.constant 0 : index
    %get3A_50 = vector.load %arg5[%get3A_48, %get3A_49] : memref<1x128xf32, #tpu.memory_space<vmem>>, vector<1x128xf32>
    %add3A_51 = vector.broadcast %get3A_50 : vector<1x128xf32> to vector<10000x128xf32>
    %add3A_52 = arith.addf %mul3A_47, %add3A_51 : vector<10000x128xf32>
    %gt3A = arith.constant 0.000000e+00 : f32
    %gt3A_53 = vector.broadcast %gt3A : f32 to vector<10000x128xf32>
    %gt3A_54 = arith.cmpf ogt, %add3A_52, %gt3A_53 : vector<10000x128xf32>
    %get3A_55 = arith.constant 0 : index
    %get3A_56 = arith.constant 0 : index
    %get3A_57 = vector.load %arg6[%get3A_55, %get3A_56] : memref<1x1xf32, #tpu.memory_space<vmem>>, vector<1x1xf32>
    %get3A_58 = vector.extract %get3A_57[0, 0] : f32 from vector<1x1xf32>
    %mul3A_59 = vector.broadcast %get3A_58 : f32 to vector<10000x128xf32>
    %mul3A_60 = arith.mulf %mul3A_59, %add3A_52 : vector<10000x128xf32>
    %select_n3A = arith.select %gt3A_54, %add3A_52, %mul3A_60 : vector<10000x128xi1>, vector<10000x128xf32>
    %get3A_61 = arith.constant 0 : index
    %get3A_62 = arith.constant 0 : index
    %get3A_63 = vector.load %arg7[%get3A_61, %get3A_62] : memref<128x128xf32, #tpu.memory_space<vmem>>, vector<128x128xf32>
    %dot_general3A = arith.constant dense<0.000000e+00> : vector<10000x128xf32>
    %dot_general3A_64 = tpu.matmul %select_n3A, %get3A_63, %dot_general3A {dimension_numbers = #tpu.dot_dimension_numbers<[1], [0], [0], [1], [0, 0, 1, 1], [], []>, transpose_lhs_hint = false} : vector<10000x128xf32>, vector<128x128xf32>, vector<10000x128xf32> -> vector<10000x128xf32>
    %mul3A_65 = vector.broadcast %broadcast_in_dim3A : vector<10000x1xf32> to vector<10000x128xf32>
    %mul3A_66 = arith.mulf %dot_general3A_64, %mul3A_65 : vector<10000x128xf32>
    %swap3A = arith.constant 0 : index
    %swap3A_67 = arith.constant 0 : index
    %swap3A_68 = vector.load %arg8[%swap3A, %swap3A_67] : memref<10240x128xf32, #tpu.memory_space<vmem>>, vector<10000x128xf32>
    tpu.vector_store %arg8[%swap3A, %swap3A_67], %mul3A_66 {strides = array<i32>} : memref<10240x128xf32, #tpu.memory_space<vmem>>, vector<10000x128xf32>,
    %broadcast_in_dim3A_69 = arith.constant 0.000000e+00 : f32
    %broadcast_in_dim3A_70 = vector.broadcast %broadcast_in_dim3A_69 : f32 to vector<240x128xf32>
    %swap3A_71 = arith.constant 10000 : index
    %swap3A_72 = arith.constant 0 : index
    %swap3A_73 = vector.load %arg8[%swap3A_71, %swap3A_72] : memref<10240x128xf32, #tpu.memory_space<vmem>>, vector<240x128xf32>
    tpu.vector_store %arg8[%swap3A_71, %swap3A_72], %broadcast_in_dim3A_70 {strides = array<i32>} : memref<10240x128xf32, #tpu.memory_space<vmem>>, vector<240x128xf32>,
    return
  }
}

module attributes {stable_mosaic.version = 14 : i64} {
  func.func @_tc3_body(%arg0: memref<2x6144x128xf32, #tpu.memory_space<vmem>>, %arg1: memref<10240x128xf32, #tpu.memory_space<vmem>>, %arg2: memref<2x10240xf32, #tpu.memory_space<vmem>>, %arg3: memref<1x128xf32, #tpu.memory_space<vmem>>, %arg4: memref<1x128xf32, #tpu.memory_space<vmem>>, %arg5: memref<1x128xf32, #tpu.memory_space<vmem>>, %arg6: memref<1x1xf32, #tpu.memory_space<vmem>>, %arg7: memref<128x128xf32, #tpu.memory_space<vmem>>, %arg8: memref<1x128xf32, #tpu.memory_space<vmem>>, %arg9: memref<10000x128xf32, #tpu.memory_space<vmem>>) attributes {dimension_semantics = [], scalar_prefetch = 0 : i64, scratch_operands = 0 : i64, tpu.core_type = #tpu.core_type<tc>} {
    %get3A = arith.constant 0 : index
    %get3A_0 = arith.constant 0 : index
    %get3A_1 = vector.load %arg2[%get3A, %get3A_0] : memref<2x10240xf32, #tpu.memory_space<vmem>>, vector<1x10000xf32>
    %get3A_2 = vector.shape_cast %get3A_1 : vector<1x10000xf32> to vector<10000xf32>
    %add3A = arith.constant 1.000000e+00 : f32
    %add3A_3 = vector.broadcast %add3A : f32 to vector<10000xf32>
    %add3A_4 = arith.addf %get3A_2, %add3A_3 : vector<10000xf32>
    %rsqrt3A = math.rsqrt %add3A_4 : vector<10000xf32>
    %broadcast_in_dim3A = vector.shape_cast %rsqrt3A : vector<10000xf32> to vector<10000x1xf32>
    %get3A_5 = arith.constant 0 : index
    %get3A_6 = arith.constant 0 : index
    %get3A_7 = arith.constant 0 : index
    %get3A_8 = vector.load %arg0[%get3A_5, %get3A_6, %get3A_7] : memref<2x6144x128xf32, #tpu.memory_space<vmem>>, vector<1x5120x128xf32>
    %get3A_9 = vector.shape_cast %get3A_8 : vector<1x5120x128xf32> to vector<5120x128xf32>
    %get3A_10 = arith.constant 1 : index
    %get3A_11 = arith.constant 0 : index
    %get3A_12 = arith.constant 0 : index
    %get3A_13 = vector.load %arg0[%get3A_10, %get3A_11, %get3A_12] : memref<2x6144x128xf32, #tpu.memory_space<vmem>>, vector<1x4880x128xf32>
    %get3A_14 = vector.shape_cast %get3A_13 : vector<1x4880x128xf32> to vector<4880x128xf32>
    %concatenate3A = tpu.concatenate %get3A_9, %get3A_14 in 0 : vector<5120x128xf32>, vector<4880x128xf32> -> vector<10000x128xf32>
    %get3A_15 = arith.constant 0 : index
    %get3A_16 = arith.constant 0 : index
    %get3A_17 = vector.load %arg1[%get3A_15, %get3A_16] : memref<10240x128xf32, #tpu.memory_space<vmem>>, vector<10000x128xf32>
    %add3A_18 = arith.addf %concatenate3A, %get3A_17 : vector<10000x128xf32>
    %mul3A = vector.broadcast %broadcast_in_dim3A : vector<10000x1xf32> to vector<10000x128xf32>
    %mul3A_19 = arith.mulf %add3A_18, %mul3A : vector<10000x128xf32>
    %get3A_20 = arith.constant 0 : index
    %get3A_21 = arith.constant 0 : index
    %get3A_22 = vector.load %arg3[%get3A_20, %get3A_21] : memref<1x128xf32, #tpu.memory_space<vmem>>, vector<1x128xf32>
    %add3A_23 = vector.broadcast %get3A_22 : vector<1x128xf32> to vector<10000x128xf32>
    %add3A_24 = arith.addf %mul3A_19, %add3A_23 : vector<10000x128xf32>
    %reduce_sum3A = arith.constant dense<0.000000e+00> : vector<10000xf32>
    %reduce_sum3A_25 = vector.multi_reduction <add>, %add3A_24, %reduce_sum3A [1] : vector<10000x128xf32> to vector<10000xf32>
    %broadcast_in_dim3A_26 = vector.shape_cast %reduce_sum3A_25 : vector<10000xf32> to vector<10000x1xf32>
    %div3A = arith.constant 1.280000e+02 : f32
    %div3A_27 = vector.broadcast %div3A : f32 to vector<10000x1xf32>
    %div3A_28 = arith.divf %broadcast_in_dim3A_26, %div3A_27 : vector<10000x1xf32>
    %sub3A = vector.broadcast %div3A_28 : vector<10000x1xf32> to vector<10000x128xf32>
    %sub3A_29 = arith.subf %add3A_24, %sub3A : vector<10000x128xf32>
    %mul3A_30 = arith.mulf %sub3A_29, %sub3A_29 : vector<10000x128xf32>
    %reduce_sum3A_31 = arith.constant dense<0.000000e+00> : vector<10000xf32>
    %reduce_sum3A_32 = vector.multi_reduction <add>, %mul3A_30, %reduce_sum3A_31 [1] : vector<10000x128xf32> to vector<10000xf32>
    %broadcast_in_dim3A_33 = vector.shape_cast %reduce_sum3A_32 : vector<10000xf32> to vector<10000x1xf32>
    %div3A_34 = arith.constant 1.280000e+02 : f32
    %div3A_35 = vector.broadcast %div3A_34 : f32 to vector<10000x1xf32>
    %div3A_36 = arith.divf %broadcast_in_dim3A_33, %div3A_35 : vector<10000x1xf32>
    %add3A_37 = arith.constant 9.99999974E-6 : f32
    %add3A_38 = vector.broadcast %add3A_37 : f32 to vector<10000x1xf32>
    %add3A_39 = arith.addf %div3A_36, %add3A_38 : vector<10000x1xf32>
    %rsqrt3A_40 = math.rsqrt %add3A_39 : vector<10000x1xf32>
    %mul3A_41 = vector.broadcast %rsqrt3A_40 : vector<10000x1xf32> to vector<10000x128xf32>
    %mul3A_42 = arith.mulf %sub3A_29, %mul3A_41 : vector<10000x128xf32>
    %get3A_43 = arith.constant 0 : index
    %get3A_44 = arith.constant 0 : index
    %get3A_45 = vector.load %arg4[%get3A_43, %get3A_44] : memref<1x128xf32, #tpu.memory_space<vmem>>, vector<1x128xf32>
    %mul3A_46 = vector.broadcast %get3A_45 : vector<1x128xf32> to vector<10000x128xf32>
    %mul3A_47 = arith.mulf %mul3A_42, %mul3A_46 : vector<10000x128xf32>
    %get3A_48 = arith.constant 0 : index
    %get3A_49 = arith.constant 0 : index
    %get3A_50 = vector.load %arg5[%get3A_48, %get3A_49] : memref<1x128xf32, #tpu.memory_space<vmem>>, vector<1x128xf32>
    %add3A_51 = vector.broadcast %get3A_50 : vector<1x128xf32> to vector<10000x128xf32>
    %add3A_52 = arith.addf %mul3A_47, %add3A_51 : vector<10000x128xf32>
    %gt3A = arith.constant 0.000000e+00 : f32
    %gt3A_53 = vector.broadcast %gt3A : f32 to vector<10000x128xf32>
    %gt3A_54 = arith.cmpf ogt, %add3A_52, %gt3A_53 : vector<10000x128xf32>
    %get3A_55 = arith.constant 0 : index
    %get3A_56 = arith.constant 0 : index
    %get3A_57 = vector.load %arg6[%get3A_55, %get3A_56] : memref<1x1xf32, #tpu.memory_space<vmem>>, vector<1x1xf32>
    %get3A_58 = vector.extract %get3A_57[0, 0] : f32 from vector<1x1xf32>
    %mul3A_59 = vector.broadcast %get3A_58 : f32 to vector<10000x128xf32>
    %mul3A_60 = arith.mulf %mul3A_59, %add3A_52 : vector<10000x128xf32>
    %select_n3A = arith.select %gt3A_54, %add3A_52, %mul3A_60 : vector<10000x128xi1>, vector<10000x128xf32>
    %get3A_61 = arith.constant 0 : index
    %get3A_62 = arith.constant 0 : index
    %get3A_63 = vector.load %arg7[%get3A_61, %get3A_62] : memref<128x128xf32, #tpu.memory_space<vmem>>, vector<128x128xf32>
    %dot_general3A = arith.constant dense<0.000000e+00> : vector<10000x128xf32>
    %dot_general3A_64 = tpu.matmul %select_n3A, %get3A_63, %dot_general3A {dimension_numbers = #tpu.dot_dimension_numbers<[1], [0], [0], [1], [0, 0, 1, 1], [], []>, transpose_lhs_hint = false} : vector<10000x128xf32>, vector<128x128xf32>, vector<10000x128xf32> -> vector<10000x128xf32>
    %get3A_65 = arith.constant 0 : index
    %get3A_66 = arith.constant 0 : index
    %get3A_67 = vector.load %arg8[%get3A_65, %get3A_66] : memref<1x128xf32, #tpu.memory_space<vmem>>, vector<1x128xf32>
    %add3A_68 = vector.broadcast %get3A_67 : vector<1x128xf32> to vector<10000x128xf32>
    %add3A_69 = arith.addf %dot_general3A_64, %add3A_68 : vector<10000x128xf32>
    %swap3A = arith.constant 0 : index
    %swap3A_70 = arith.constant 0 : index
    %swap3A_71 = vector.load %arg9[%swap3A, %swap3A_70] : memref<10000x128xf32, #tpu.memory_space<vmem>>, vector<10000x128xf32>
    tpu.vector_store %arg9[%swap3A, %swap3A_70], %add3A_69 {strides = array<i32>} : memref<10000x128xf32, #tpu.memory_space<vmem>>, vector<10000x128xf32>,
    return
  }
}

</mosaic_0001>

<sc_bundles>
// kernel: kernel.11.cloned.1.call-start
scs
__scs_entry_jumppad:
0x0: {  	(pc) =	sbr.rel $0x88, $3  }
0x1: {  	(tag) =	ssettag $0x0;
	lr =	simm.s32 $0x1  }
0x2: {  	[smem:$0x3F91] =	sst lr;
	_ =	strace $0xD0000000  }
0x3: {  	_ = 	snop  }
0x4: {  	_ = 	snop  }
0x5: {  	_ = 	snop  }
0x6: {  	_ = 	snop  }
0x7: {  	_ = 	snop  }
__scs_overlays_trampoline_lowered:
0x8: {  	[smem:$0x3FA0] =	sst s0  }
0x9: {  	[smem:$0x3FA1] =	sst s1  }
0xa: {  	[smem:$0x3FA2] =	sst s2  }
0xb: {  	[smem:$0x3FA3] =	sst s3  }
0xc: {  	[smem:$0x3FA4] =	sst s4  }
0xd: {  	[smem:$0x3FA5] =	sst s5  }
0xe: {  	[smem:$0x3FA6] =	sst s6  }
0xf: {  	[smem:$0x3FA7] =	sst s7  }
0x10: {  	[smem:$0x3FA8] =	sst s8  }
0x11: {  	[smem:$0x3FA9] =	sst s9;
	s0 =	simm.s32 @!p0 $0x0  }
0x12: {  	s1 =	sld [smem:$0x3F8F];
	s0 =	simm.s32 @p0 $0x1  }
0x13: {  	[smem:$0x3FAA] =	sst s0;
	s0 =	simm.s32 @!p1 $0x0  }
0x14: {  	s2 =	sld [smem:$0x3F8E];
	s0 =	simm.s32 @p1 $0x1  }
0x15: {  	[smem:$0x3FAB] =	sst s0;
	s0 =	simm.s32 @!p2 $0x0  }
0x16: {  	s3 =	sld [smem:$0x3FDB];
	s0 =	simm.s32 @p2 $0x1  }
0x17: {  	s4 =	simm.s32 $0x1BF5;
	[smem:$0x3FAD] =	sst s0  }
0x18: {  	s0 =	sld [smem:$0x3F90];
	_ =	swait.ge [sflag:s4], $0x0  }
0x19: {  	s7 =	sld [smem:$0x3F91]  }
0x1a: {  	s8 =	sadd.s32 $0xFFFFE003, lr  }
0x1b: {  	s9 =	sadd.s32 $0xFFFFFEF7, lr;
	s5 =	simm.s32 $0xFFFFFFFF;
	p2 =	slt.u32 s8, $0xFFFFF086  }
0x1c: {  	p1 =	slt.u32 s9, $0xF7A;
	s5 =	simm.s32 @!p2 $0x0  }
0x1d: {  	s5 =	simm.s32 @p1 $0x1;
	p0 =	seq.s32 s7, s2  }
0x1e: {  	s7 =	smul.u32 @!p0 $0xF7A, s2;
	p2 =	seq.s32 @!p0 s5, $0x0  }
0x1f: {  	s9 =	smul.u32 $0xF7A, s1;
	s8 =	simm.s32 @!p0 $0x1BF5;
	p2 =	por !p2, p0  }
0x20: {  	[sflag:s8] =	ssyncset.s32 @!p0 $0xFFFFF086;
	s6 =	sadd.s32 @!p0 s3, s7;
	s7 =	simm.s32 @!p0 $0x108  }
0x21: {  	s3 =	sadd.s32 s3, s9;
	s6 =	sadd.s32 @!p0 $0x88, s6;
	s7 =	simm.s32 @p2 $0x1082  }
0x22: {  	[simem:s7], [sflag:s8] =	dma.local @!p0 [hbm:s6], $0xF7A  }
0x23: {  	s9 =	sor.u32 $0xD0000000, s2;
	s6 =	simm.s32 $0x108;
	_ =	swait.ge @!p0 [sflag:s8], $0x0  }
0x24: {  	s3 =	sadd.s32 $0x88, s3;
	s6 =	simm.s32 @!p1 $0x1082;
	[sflag:s4] =	ssyncset.s32 $0xFFFFF086  }
0x25: {  	[simem:s6], [sflag:s4] =	dma.local [hbm:s3], $0xF7A  }
0x26: {  	[smem:$0x3F91] =	sst s1;
	(tag) =	ssettag s2;
	_ =	strace s9  }
0x27: {  	s1 =	sld [smem:$0x3FA1]  }
0x28: {  	s2 =	sld [smem:$0x3FA2]  }
0x29: {  	s4 =	sld [smem:$0x3FA4]  }
0x2a: {  	p0 =	seq.s32 s5, $0x0;
	s5 =	sld [smem:$0x3FA5]  }
0x2b: {  	s6 =	sld [smem:$0x3FA6]  }
0x2c: {  	s7 =	sld [smem:$0x3FA7]  }
0x2d: {  	s3 =	simm.s32 $0x108;
	s8 =	sld [smem:$0x3FA8]  }
0x2e: {  	s3 =	simm.s32 @!p0 $0x1082;
	s9 =	sld [smem:$0x3FA9]  }
0x2f: {  	lr =	sadd.s32 s0, s3;
	s0 =	sld [smem:$0x3FA0]  }
0x30: {  	s3 =	sld [smem:$0x3FA3]  }
0x31: {  	[smem:$0x3FAC] =	sst s10  }
0x32: {  	s10 =	sld [smem:$0x3FAA];
	_ =	sdelay $0x3  }
0x33: {  	p0 =	seq.s32 s10, $0x1;
	s10 =	sld [smem:$0x3FAC];
	_ =	sdelay $0x3  }
0x34: {  	[smem:$0x3FAC] =	sst s10  }
0x35: {  	s10 =	sld [smem:$0x3FAB];
	_ =	sdelay $0x3  }
0x36: {  	p1 =	seq.s32 s10, $0x1;
	s10 =	sld [smem:$0x3FAC];
	_ =	sdelay $0x3  }
0x37: {  	[smem:$0x3FAC] =	sst s10  }
0x38: {  	s10 =	sld [smem:$0x3FAD]  }
0x39: {  	_ = 	snop;
	(pc) =	sbr.ind lr, $3  }
0x3a: {  	_ = 	snop  }
0x3b: {  	_ = 	snop  }
0x3c: {  	p2 =	seq.s32 s10, $0x1;
	s10 =	sld [smem:$0x3FAC]  }
0x3d: {  	_ =	shalt  }
0x3e: {  	_ =	shalt  }
0x3f: {  	_ =	shalt  }
0x40: {  	_ =	shalt  }
0x41: {  	_ =	shalt  }
0x42: {  	_ =	shalt  }
0x43: {  	_ =	shalt  }
0x44: {  	_ =	shalt  }
0x45: {  	_ =	shalt  }
0x46: {  	_ =	shalt  }
0x47: {  	_ =	shalt  }
0x48: {  	_ =	shalt  }
0x49: {  	_ =	shalt  }
0x4a: {  	_ =	shalt  }
0x4b: {  	_ =	shalt  }
0x4c: {  	_ =	shalt  }
0x4d: {  	_ =	shalt  }
0x4e: {  	_ =	shalt  }
0x4f: {  	_ =	shalt  }
0x50: {  	_ =	shalt  }
0x51: {  	_ =	shalt  }
0x52: {  	_ =	shalt  }
0x53: {  	_ =	shalt  }
0x54: {  	_ =	shalt  }
0x55: {  	_ =	shalt  }
0x56: {  	_ =	shalt  }
0x57: {  	_ =	shalt  }
0x58: {  	_ =	shalt  }
0x59: {  	_ =	shalt  }
0x5a: {  	_ =	shalt  }
0x5b: {  	_ =	shalt  }
0x5c: {  	_ =	shalt  }
0x5d: {  	_ =	shalt  }
0x5e: {  	_ =	shalt  }
0x5f: {  	_ =	shalt  }
0x60: {  	_ =	shalt  }
0x61: {  	_ =	shalt  }
0x62: {  	_ =	shalt  }
0x63: {  	_ =	shalt  }
0x64: {  	_ =	shalt  }
0x65: {  	_ =	shalt  }
0x66: {  	_ =	shalt  }
0x67: {  	_ =	shalt  }
0x68: {  	_ =	shalt  }
0x69: {  	_ =	shalt  }
0x6a: {  	_ =	shalt  }
0x6b: {  	_ =	shalt  }
0x6c: {  	_ =	shalt  }
0x6d: {  	_ =	shalt  }
0x6e: {  	_ =	shalt  }
0x6f: {  	_ =	shalt  }
0x70: {  	_ =	shalt  }
0x71: {  	_ =	shalt  }
0x72: {  	_ =	shalt  }
0x73: {  	_ =	shalt  }
0x74: {  	_ =	shalt  }
0x75: {  	_ =	shalt  }
0x76: {  	_ =	shalt  }
0x77: {  	_ =	shalt  }
0x78: {  	_ =	shalt  }
0x79: {  	_ =	shalt  }
0x7a: {  	_ =	shalt  }
0x7b: {  	_ =	shalt  }
0x7c: {  	_ =	shalt  }
0x7d: {  	_ =	shalt  }
0x7e: {  	_ =	shalt  }
0x7f: {  	_ =	shalt  }
0x80: {  	_ =	shalt  }
0x81: {  	_ =	shalt  }
0x82: {  	_ =	shalt  }
0x83: {  	_ =	shalt  }
0x84: {  	_ =	shalt  }
0x85: {  	_ =	shalt  }
0x86: {  	_ =	shalt  }
0x87: {  	_ =	shalt  }
.Lfunc_end0:
.L_simem_size_0:
called_computation.1_lowered:
.L_overlay_start_0:
0x88: {  	s2 =	sld [smem:$0x3FD9]  }
0x89: {  	s3 =	sld [smem:$0x3FFE];
	_ =	sdelay $0x1  }
0x8a: {  	s1 =	srdreg.scid  }
0x8b: {  	s0 =	sand.u32 $0x1, s1  }
0x8c: {  	s17 =	sshll.u32 s0, $0xA;
	s2 =	sadd.s32 s3, s2  }
0x8d: {  	s2 =	sadd.s32 s2, s17  }
0x8e: {  	[smem:$0x3FB8] =	sst s2  }
0x8f: {  	_ = 	snop  }
0x90: {  	s2 =	sld [smem:$0x3FD0];
	(tm) =	ssettm $0x1  }
0x91: {  	s18 =	sld [smem:$0x3FFB];
	_ =	sdelay $0x3  }
0x92: {  	_ =	strace s18  }
0x93: {  	s3 =	sld [smem:$0x3FFC];
	_ =	sdelay $0x3  }
0x94: {  	_ =	strace s3  }
0x95: {  	s3 =	sld [smem:$0x3FFD];
	_ =	sdelay $0x3  }
0x96: {  	_ =	strace s3  }
0x97: {  	_ =	strace $0x8FFFFFFF  }
0x98: {  	s19 =	sld [smem:$0x3FDB];
	_ =	sdelay $0x1  }
0x99: {  	s4 =	simm.s32 $_scs_section_size  }
0x9a: {  	s5 =	simm.s32 $_size__tile_overlayer_lowered;
	s6 =	simm.s32 $_tile_overlayer_lowered  }
0x9b: {  	s22 =	simm.s32 $0x1BFF;
	s21 =	sshll.u32 s6, $0x1;
	s3 =	sadd.s32 s4, s19  }
0x9c: {  	s7 =	simm.s32 $0x0;
	s20 =	sshll.u32 s5, $0x1;
	s5 =	sadd.s32 s21, s3  }
0x9d: {  	[timem:s7], [sflag:s22] =	dma.local [hbm:s5], s20  }
0x9e: {  	_ =	swait.ge [sflag:s22], s20  }
0x9f: {  	s4 =	ssub.s32 $0x0, s20;
	[sflag:s22] =	ssyncset.done $0x0  }
0xa0: {  	[sflag:s22] =	ssyncadd.s32 s4;
	_ =	sdelay $0x1  }
0xa1: {  	s23 =	simm.s32 $0x1B8B  }
0xa2: {  	_ =	swait.ge [sflag:s23], $0x1  }
0xa3: {  	[sflag:s23] =	ssyncset.done $0x0  }
0xa4: {  	s25 =	simm.s32 $0x1B8E;
	s24 =	sld [smem:$0x3FFE];
	[sflag:s23] =	ssyncadd.s32 $0xFFFFFFFF  }
0xa5: {  	s26 =	simm.s32 $execute0_lowered;
	[smem:$0x3FD2] =	sst s25  }
0xa6: {  	s5 =	sshll.u32 s26, $0x1;
	_ =	strace $0x80000049;
	[dreg:$0x1] =	wrdreg $0xFFFFFFFF  }
0xa7: {  	s28 =	simm.s32 $_size_execute0_lowered;
	s3 =	sadd.s32 s3, s5;
	[dreg:$0x0] =	wrdreg $0x0  }
0xa8: {  	s5 =	sshll.u32 s28, $0x1;
	[dreg:$0x2] =	wrdreg s3  }
0xa9: {  	[dreg:$0x3] =	wrdreg s5  }
0xaa: {  	[dreg:$0x4] =	wrdreg $0xC0  }
0xab: {  	_ =	task [dreg:s7], $0x5FFFF  }
0xac: {  	[dreg:$0x1] =	wrdreg $0xFFFFFFFF  }
0xad: {  	[dreg:$0x0] =	wrdreg $0x60  }
0xae: {  	[dreg:$0x2] =	wrdreg s24  }
0xaf: {  	[dreg:$0x3] =	wrdreg s2  }
0xb0: {  	[dreg:$0x4] =	wrdreg $0x120800  }
0xb1: {  	[dreg:$0x5] =	wrdreg $0x9  }
0xb2: {  	_ =	task.clear_ibuf [dreg:s7], $0x6FFFF;
	_ =	strace $0x90000049  }
0xb3: {  	s29 =	simm.s32 $0x9;
	_ =	strace $0x8000004B  }
0xb4: {  	_ =	swait.ge [sflag:s29], $0x1  }
0xb5: {  	[sflag:s29] =	ssyncadd.s32 $0xFFFFFFFF  }
0xb6: {  	_ =	strace $0x9000004B  }
0xb7: {  	_ =	sfence  }
0xb8: {  	s30 =	sld [smem:$0x0];
	_ =	sdelay $0x2  }
0xb9: {  	s31 =	sshll.u32 s1, $0xD;
	s1 =	sshrl.u32 s1, $0x2  }
0xba: {  	s3 =	sand.u32 $0x4000, s31;
	s1 =	sadd.s32 s1, s30  }
0xbb: {  	s0 =	sor.u32 s3, s0;
	s1 =	sshll.u32 s1, $0x11  }
0xbc: {  	s0 =	sor.u32 s1, s0  }
0xbd: {  	s0 =	sadd.s32 $0x8F2B, s0  }
0xbe: {  	[sflag:s0] =	ssyncadd.remote.s32 $0x1  }
0xbf: {  	_ =	sfence.sel $0xFFFF  }
0xc0: {  	[dreg:$0x0] =	wrdreg $0xFFFFFFFF;
	(pc) =	sbr.abs _section_cstart, $3  }
0xc1: {  	[dreg:$0x1] =	wrdreg $0xFFFFFFFF  }
0xc2: {  	_ =	task.clear_ibuf [dreg:s7], $0x2FFFF;
	_ =	strace $0x9FFFFFFF  }
0xc3: {  	(tm) =	ssettm $0x7FFFFFFF  }
tec
execute0_lowered:
.L_overlay_start_1:
0x0: {  	(tag) =	ssettag $0x1  }
0x1: {  	s5 =	rddreg [dreg:$0x0]  }
0x2: {  	s8 =	rddreg [dreg:$0x1]  }
0x3: {  	s1 =	rddreg [dreg:$0x2];
	s3 =	srdreg.scid  }
0x4: {  	s0 =	rddreg [dreg:$0x3];
	s6 =	sand.u32 $0x1, s3  }
0x5: {  	s2 =	simm.s32 $0x0;
	s3 =	stileid.u32;
	s9 =	smul.u32 $0xA000, s6  }
0x6: {  	[smem:$0x7FF] =	sst s2;
	s4 =	sadd.s32 $0x36200, s5;
	s7 =	smul.u32 $0x30000, s3  }
0x7: {  	_ =	strace $0x8000004A;
	s11 =	sshll.u32 s6, $0x8;
	s12 =	smul.u32 $0x18000, s6  }
0x8: {  	s6 =	ssub.s32 $0x2, s6;
	s15 =	smul.u32 $0xA00, s3;
	s18 =	sshll.u32 s3, $0x4  }
0x9: {  	s20 =	smul.u32 $0x1800, s3;
	s11 =	sadd.s32 s11, s5;
	s13 =	sshrl.u32 s6, $0x1  }
0xa: {  	s10 =	sadd.s32 s9, s5;
	s7 =	sshrl.u32 s7, $0x2;
	s12 =	sadd.s32 s12, s5  }
0xb: {  	s13 =	ssub.s32 s6, s13;
	s14 =	sadd.s32 s8, s9;
	s17 =	sadd.s32 $0x36000, s11  }
0xc: {  	s9 =	simm.s32 $0xA080;
	s5 =	sadd.s32 s7, s1;
	s16 =	sadd.s32 $0x4200, s10  }
.Ltmp0:
0xd: {  	s19 =	sadd.s32 $0x5E200, s12;
	s8 =	smax.u32 s13, $0x1;
	(pc) =	sbr.rel .LBB2_1-.Ltmp0, $4  }
0xe: {  	s10 =	simm.s32 $0x3;
	s11 =	sadd.s32 s15, s14;
	s13 =	sadd.s32 s18, s17  }
0xf: {  	s14 =	simm.s32 $0xA000;
	s17 =	simm.s32 $0xE080;
	s6 =	sadd.s32 $0x4000, s5  }
0x10: {  	s7 =	sadd.s32 $0x8000, s5;
	s12 =	sadd.s32 s15, s16;
	s15 =	simm.s32 $0x1  }
0x11: {  	v0 =	vimm.f32 $0.0e+00;
	s16 =	simm.s32 $0x80;
	s18 =	sadd.s32 s20, s19;
	s19 =	simm.s32 $0x2  }
.LBB2_12:
0x12: {  	s2 =	sadd.s32 $0x1, s2  }
0x13: {  	s20 =	sshll.u32 s3, $0x6;
	[bflag:$0x0] =	sbarrier.arrive $0xFFFF;
	p0 =	sne.s32 s2, s8  }
.Ltmp1:
0x14: {  	s21 =	sshrl.u32 s5, $0x3;
	s20 =	sor.u32 $0x1C03, s20;
	(pc) =	sbr.rel @!p0 .LBB2_13-.Ltmp1, $4  }
0x15: {  	[hbm:s18], [sflag:s20] =	dma.local [spmem:s21], $0x1800  }
0x16: {  	_ =	swait.ge [sflag:s10], $0x1800  }
0x17: {  	[sflag:s10] =	ssyncset.done $0x0  }
0x18: {  	[sflag:s10] =	ssyncadd.s32 $0xFFFFE800  }
.LBB2_1:
0x19: {  	s20 =	simm.s32 $0x0;
	s21 =	simm.s32 $0x200  }
.LBB2_2:
0x1a: {  	p0 =	sne.s32 s21, $0xFE00;
	[tilespmem:s20+$0xA0F0] =	vst v0  }
0x1b: {  	[tilespmem:s20+$0xA080] =	vst v0  }
0x1c: {  	[tilespmem:s20+$0xA090] =	vst v0  }
.Ltmp2:
0x1d: {  	[tilespmem:s20+$0xA0A0] =	vst v0;
	(pc) =	sbr.rel @p0 .LBB2_2-.Ltmp2, $4  }
0x1e: {  	[tilespmem:s20+$0xA0B0] =	vst v0  }
0x1f: {  	[tilespmem:s20+$0xA0C0] =	vst v0  }
0x20: {  	[tilespmem:s20+$0xA0D0] =	vst v0  }
0x21: {  	[tilespmem:s20+$0xA0E0] =	vst v0;
	s20 =	sshra.s32 s21, $0x2;
	s21 =	sadd.s32 $0x200, s21  }
0x22: {  	[tilespmem:s20+$0xA0F0] =	vst v0  }
0x23: {  	[tilespmem:s20+$0xA080] =	vst v0  }
0x24: {  	[tilespmem:s20+$0xA090] =	vst v0  }
0x25: {  	[tilespmem:s20+$0xA0A0] =	vst v0  }
0x26: {  	[tilespmem:s20+$0xA0B0] =	vst v0  }
0x27: {  	[tilespmem:s20+$0xA0C0] =	vst v0  }
0x28: {  	[tilespmem:s20+$0xA0D0] =	vst v0  }
0x29: {  	[tilespmem:s20+$0xA0E0] =	vst v0  }
0x2a: {  	[spmem:s5] =	stream.linear.scatter [tilespmem:s9], [sflag:$0x3], $0x4000, $0x38;
	[tilespmem:$0x1E080] =	vst v63  }
0x2b: {  	_ =	swait.ge [sflag:s10], $0x4000  }
0x2c: {  	[sflag:s10] =	ssyncset.done $0x0  }
0x2d: {  	[sflag:s10] =	ssyncadd.s32 $0xFFFFC000  }
0x2e: {  	[spmem:s6] =	stream.linear.scatter [tilespmem:s9], [sflag:$0x3], $0x4000, $0x38;
	[tilespmem:$0x1E080] =	vst v63  }
0x2f: {  	_ =	swait.ge [sflag:s10], $0x4000  }
0x30: {  	[sflag:s10] =	ssyncset.done $0x0  }
0x31: {  	[sflag:s10] =	ssyncadd.s32 $0xFFFFC000  }
0x32: {  	[spmem:s7] =	stream.linear.scatter [tilespmem:s9], [sflag:$0x3], $0x4000, $0x38;
	[tilespmem:$0x1E080] =	vst v63  }
0x33: {  	_ =	swait.ge [sflag:s10], $0x4000  }
0x34: {  	[sflag:s10] =	ssyncset.done $0x0  }
0x35: {  	s20 =	simm.s32 $0x0;
	[sflag:s10] =	ssyncadd.s32 $0xFFFFC000  }
0x36: {  	[tilespmem:s20], [sflag:$0x3] =	stream.linear.gather [hbm4b:s11+s20], $0x4E80, $0x38;
	[tilespmem:$0x1E080] =	vst v63  }
0x37: {  	_ =	swait.ge [sflag:s10], $0x4E80  }
0x38: {  	[sflag:s10] =	ssyncset.done $0x0  }
0x39: {  	s21 =	simm.s32 $0x5000;
	[sflag:s10] =	ssyncadd.s32 $0xFFFFB180  }
0x3a: {  	[tilespmem:s21], [sflag:$0x3] =	stream.linear.gather [hbm4b:s12+s20], $0x4E80, $0x38;
	[tilespmem:$0x1E080] =	vst v63  }
0x3b: {  	_ =	swait.ge [sflag:s10], $0x4E80  }
0x3c: {  	[sflag:s10] =	ssyncset.done $0x0  }
0x3d: {  	[sflag:s10] =	ssyncadd.s32 $0xFFFFB180  }
0x3e: {  	[tilespmem:s14], [sflag:$0x3] =	stream.linear.gather [hbm4b:s13+s20], $0x80, $0x38;
	[tilespmem:$0x1E080] =	vst v63  }
0x3f: {  	_ =	swait.ge [sflag:s10], $0x80  }
0x40: {  	[sflag:s10] =	ssyncset.done $0x0  }
0x41: {  	[sflag:s10] =	ssyncadd.s32 $0xFFFFFF80  }
0x42: {  	v1 =	vld [tilespmem:$0xA000];
	_ =	sdelay $0x4  }
0x43: {  	(v2sf) =	vpush v1, $0x0;
	_ =	sdelay $0xe  }
0x44: {  	s22 =	spop (v2sf)  }
0x45: {  	s22 =	sadd.s32 $0x7F, s22  }
0x46: {  	s23 =	sand.u32 $0x7F, s22  }
0x47: {  	s24 =	sshra.s32 s22, $0x1F;
	p0 =	slt.s32 s22, $0x1;
	p1 =	sne.s32 s23, $0x0  }
0x48: {  	s31 =	sshrl.u32 s24, $0x19;
	p0 =	por !p0, !p1  }
0x49: {  	s23 =	simm.s32 $0x1;
	s22 =	sadd.s32 s31, s22;
	p0 =	por !p0, !p0  }
.Ltmp3:
0x4a: {  	s22 =	sshra.s32 s22, $0x7;
	s23 =	simm.s32 @!p0 $0x0;
	(pc) =	sbr.rel .LBB2_4-.Ltmp3, $4  }
0x4b: {  	[bflag:$0x0] =	sbarrier.arrive $0xFFFF;
	s22 =	ssub.s32 s22, s23;
	s23 =	simm.s32 $0x80  }
0x4c: {  	[tilespmem:s9], [sflag:$0x1] =	stream.indirect.gather [hbm4b:s4+s23], $0x80, s20, s23, $0xb8;
	[tilespmem:$0x1E080] =	vst v63  }
0x4d: {  	p0 =	sgt.s32 s22, $0x1;
	s24 =	smov.u32 s22  }
0x4e: {  	s24 =	simm.s32 @!p0 $0x1  }
.LBB2_9:
0x4f: {  	[tilespmem:s9], [sflag:$0x1] =	stream.indirect.gather [hbm4b:s4+s16], $0x80, s23, s16, $0xb8;
	[tilespmem:$0x1E080] =	vst v63  }
.LBB2_10:
0x50: {  	_ =	swait.ge [sflag:s19], $0x4000  }
0x51: {  	[sflag:s19] =	ssyncset.done $0x0  }
0x52: {  	s25 =	simm.s32 $0x3;
	[sflag:s19] =	ssyncadd.s32 $0xFFFFC000  }
0x53: {  	[spmem:s1] =	stream.indirect.scatter.add.f32 [tilespmem:s17], [sflag:$0x3], $0x80, s21, s16, $0xb8;
	[tilespmem:$0x1E080] =	vst v63  }
.LBB2_11:
0x54: {  	p0 =	sne.s32 s24, s20  }
.Ltmp4:
0x55: {  	_ = 	snop;
	(pc) =	sbr.rel @!p0 .LBB2_12-.Ltmp4, $4  }
0x56: {  	_ = 	snop  }
0x57: {  	_ =	swait.ge [sflag:s25], $0x4000  }
0x58: {  	[sflag:s25] =	ssyncset.done $0x0  }
0x59: {  	s21 =	sadd.s32 $0x80, s21;
	s23 =	sadd.s32 $0x80, s23;
	[sflag:s25] =	ssyncadd.s32 $0xFFFFC000  }
.LBB2_4:
0x5a: {  	s25 =	sand.u32 $0x1, s20;
	s20 =	sadd.s32 $0x1, s20  }
0x5b: {  	p1 =	sle.s32 s22, s20  }
.Ltmp5:
0x5c: {  	_ = 	snop;
	(pc) =	sbr.rel @p1 .LBB2_7-.Ltmp5, $2  }
0x5d: {  	_ =	sdelay $0x2  }
0x5e: {  	p0 =	sne.s32 s25, $0x0  }
.Ltmp6:
0x5f: {  	(pc) =	sbr.rel @p0 .LBB2_9-.Ltmp6, $1  }
0x60: {  	_ =	sdelay $0x3  }
.Ltmp7:
0x61: {  	(pc) =	sbr.rel .LBB2_8-.Ltmp7, $2  }
0x62: {  	_ =	sdelay $0x2  }
0x63: {  	[tilespmem:s17], [sflag:$0x2] =	stream.indirect.gather [hbm4b:s4+s16], $0x80, s23, s16, $0xb8;
	[tilespmem:$0x1E080] =	vst v63  }
.LBB2_7:
.Ltmp8:
0x64: {  	(pc) =	sbr.rel @p0 .LBB2_10-.Ltmp8, $1  }
0x65: {  	_ =	sdelay $0x3  }
.LBB2_8:
.Ltmp9:
0x66: {  	(pc) =	sbr.rel .LBB2_11-.Ltmp9, $4  }
0x67: {  	_ =	swait.ge [sflag:s15], $0x4000  }
0x68: {  	[sflag:s15] =	ssyncset.done $0x0  }
0x69: {  	s25 =	simm.s32 $0x4;
	[sflag:s15] =	ssyncadd.s32 $0xFFFFC000  }
0x6a: {  	[spmem:s1] =	stream.indirect.scatter.add.f32 [tilespmem:s9], [sflag:$0x4], $0x80, s21, s16, $0xb8;
	[tilespmem:$0x1E080] =	vst v63  }
.LBB2_13:
0x6b: {  	_ =	sfence.sel $0x180000  }
0x6c: {  	[bflag:$0x0] =	sbarrier.arrive $0xFFFF  }
0x6d: {  	p0 =	sne.s32 s3, $0x0;
	_ =	strace $0x9000004A  }
0x6e: {  	s0 =	sadd.s32 @!p0 $0x100000, s0;
	[bflag:$0x2] =	sbarrier.arrive $0xFFFF  }
0x6f: {  	[sflag:s0] =	ssyncadd.tile.s32 @!p0 $0x1;
	_ =	shalt  }
.Lfunc_end2:
_tile_overlayer_lowered:
.L_overlay_start_2:
0x70: {  	(tag) =	ssettag $0x2  }
0x71: {  	s0 =	rddreg [dreg:$0x0];
	s2 =	stileid.u32  }
0x72: {  	s1 =	rddreg [dreg:$0x1];
	p0 =	sne.s32 s2, $0x0  }
0x73: {  	s3 =	rddreg [dreg:$0x2];
	[bflag:$0x3] =	sbarrier.arrive $0xFFFF;
	s2 =	simm.s32 @!p0 $0x1C03  }
0x74: {  	[timem:s3], [sflag:s2] =	dma.local @!p0 [hbm:s0], s1  }
0x75: {  	s0 =	simm.s32 @!p0 $0x3  }
0x76: {  	_ =	swait.ge @!p0 [sflag:s0], s1  }
0x77: {  	s1 =	ssub.s32 @!p0 $0x0, s1;
	[sflag:s0] =	ssyncset.done @!p0 $0x0  }
0x78: {  	[sflag:s0] =	ssyncadd.s32 @!p0 s1  }
0x79: {  	[bflag:$0x3] =	sbarrier.arrive $0xFFFF  }
0x7a: {  	_ =	shalt  }

// kernel: kernel.14.cloned.1.call-start
scs
__scs_entry_jumppad:
0x0: {  	(pc) =	sbr.rel $0x88, $3  }
0x1: {  	(tag) =	ssettag $0x0;
	lr =	simm.s32 $0x1  }
0x2: {  	[smem:$0x3F91] =	sst lr;
	_ =	strace $0xD0000000  }
0x3: {  	_ = 	snop  }
0x4: {  	_ = 	snop  }
0x5: {  	_ = 	snop  }
0x6: {  	_ = 	snop  }
0x7: {  	_ = 	snop  }
__scs_overlays_trampoline_lowered:
0x8: {  	[smem:$0x3FA0] =	sst s0  }
0x9: {  	[smem:$0x3FA1] =	sst s1  }
0xa: {  	[smem:$0x3FA2] =	sst s2  }
0xb: {  	[smem:$0x3FA3] =	sst s3  }
0xc: {  	[smem:$0x3FA4] =	sst s4  }
0xd: {  	[smem:$0x3FA5] =	sst s5  }
0xe: {  	[smem:$0x3FA6] =	sst s6  }
0xf: {  	[smem:$0x3FA7] =	sst s7  }
0x10: {  	[smem:$0x3FA8] =	sst s8  }
0x11: {  	[smem:$0x3FA9] =	sst s9;
	s0 =	simm.s32 @!p0 $0x0  }
0x12: {  	s1 =	sld [smem:$0x3F8F];
	s0 =	simm.s32 @p0 $0x1  }
0x13: {  	[smem:$0x3FAA] =	sst s0;
	s0 =	simm.s32 @!p1 $0x0  }
0x14: {  	s2 =	sld [smem:$0x3F8E];
	s0 =	simm.s32 @p1 $0x1  }
0x15: {  	[smem:$0x3FAB] =	sst s0;
	s0 =	simm.s32 @!p2 $0x0  }
0x16: {  	s3 =	sld [smem:$0x3FDB];
	s0 =	simm.s32 @p2 $0x1  }
0x17: {  	s4 =	simm.s32 $0x1BF5;
	[smem:$0x3FAD] =	sst s0  }
0x18: {  	s0 =	sld [smem:$0x3F90];
	_ =	swait.ge [sflag:s4], $0x0  }
0x19: {  	s7 =	sld [smem:$0x3F91]  }
0x1a: {  	s8 =	sadd.s32 $0xFFFFE003, lr  }
0x1b: {  	s9 =	sadd.s32 $0xFFFFFEF7, lr;
	s5 =	simm.s32 $0xFFFFFFFF;
	p2 =	slt.u32 s8, $0xFFFFF086  }
0x1c: {  	p1 =	slt.u32 s9, $0xF7A;
	s5 =	simm.s32 @!p2 $0x0  }
0x1d: {  	s5 =	simm.s32 @p1 $0x1;
	p0 =	seq.s32 s7, s2  }
0x1e: {  	s7 =	smul.u32 @!p0 $0xF7A, s2;
	p2 =	seq.s32 @!p0 s5, $0x0  }
0x1f: {  	s9 =	smul.u32 $0xF7A, s1;
	s8 =	simm.s32 @!p0 $0x1BF5;
	p2 =	por !p2, p0  }
0x20: {  	[sflag:s8] =	ssyncset.s32 @!p0 $0xFFFFF086;
	s6 =	sadd.s32 @!p0 s3, s7;
	s7 =	simm.s32 @!p0 $0x108  }
0x21: {  	s3 =	sadd.s32 s3, s9;
	s6 =	sadd.s32 @!p0 $0x88, s6;
	s7 =	simm.s32 @p2 $0x1082  }
0x22: {  	[simem:s7], [sflag:s8] =	dma.local @!p0 [hbm:s6], $0xF7A  }
0x23: {  	s9 =	sor.u32 $0xD0000000, s2;
	s6 =	simm.s32 $0x108;
	_ =	swait.ge @!p0 [sflag:s8], $0x0  }
0x24: {  	s3 =	sadd.s32 $0x88, s3;
	s6 =	simm.s32 @!p1 $0x1082;
	[sflag:s4] =	ssyncset.s32 $0xFFFFF086  }
0x25: {  	[simem:s6], [sflag:s4] =	dma.local [hbm:s3], $0xF7A  }
0x26: {  	[smem:$0x3F91] =	sst s1;
	(tag) =	ssettag s2;
	_ =	strace s9  }
0x27: {  	s1 =	sld [smem:$0x3FA1]  }
0x28: {  	s2 =	sld [smem:$0x3FA2]  }
0x29: {  	s4 =	sld [smem:$0x3FA4]  }
0x2a: {  	p0 =	seq.s32 s5, $0x0;
	s5 =	sld [smem:$0x3FA5]  }
0x2b: {  	s6 =	sld [smem:$0x3FA6]  }
0x2c: {  	s7 =	sld [smem:$0x3FA7]  }
0x2d: {  	s3 =	simm.s32 $0x108;
	s8 =	sld [smem:$0x3FA8]  }
0x2e: {  	s3 =	simm.s32 @!p0 $0x1082;
	s9 =	sld [smem:$0x3FA9]  }
0x2f: {  	lr =	sadd.s32 s0, s3;
	s0 =	sld [smem:$0x3FA0]  }
0x30: {  	s3 =	sld [smem:$0x3FA3]  }
0x31: {  	[smem:$0x3FAC] =	sst s10  }
0x32: {  	s10 =	sld [smem:$0x3FAA];
	_ =	sdelay $0x3  }
0x33: {  	p0 =	seq.s32 s10, $0x1;
	s10 =	sld [smem:$0x3FAC];
	_ =	sdelay $0x3  }
0x34: {  	[smem:$0x3FAC] =	sst s10  }
0x35: {  	s10 =	sld [smem:$0x3FAB];
	_ =	sdelay $0x3  }
0x36: {  	p1 =	seq.s32 s10, $0x1;
	s10 =	sld [smem:$0x3FAC];
	_ =	sdelay $0x3  }
0x37: {  	[smem:$0x3FAC] =	sst s10  }
0x38: {  	s10 =	sld [smem:$0x3FAD]  }
0x39: {  	_ = 	snop;
	(pc) =	sbr.ind lr, $3  }
0x3a: {  	_ = 	snop  }
0x3b: {  	_ = 	snop  }
0x3c: {  	p2 =	seq.s32 s10, $0x1;
	s10 =	sld [smem:$0x3FAC]  }
0x3d: {  	_ =	shalt  }
0x3e: {  	_ =	shalt  }
0x3f: {  	_ =	shalt  }
0x40: {  	_ =	shalt  }
0x41: {  	_ =	shalt  }
0x42: {  	_ =	shalt  }
0x43: {  	_ =	shalt  }
0x44: {  	_ =	shalt  }
0x45: {  	_ =	shalt  }
0x46: {  	_ =	shalt  }
0x47: {  	_ =	shalt  }
0x48: {  	_ =	shalt  }
0x49: {  	_ =	shalt  }
0x4a: {  	_ =	shalt  }
0x4b: {  	_ =	shalt  }
0x4c: {  	_ =	shalt  }
0x4d: {  	_ =	shalt  }
0x4e: {  	_ =	shalt  }
0x4f: {  	_ =	shalt  }
0x50: {  	_ =	shalt  }
0x51: {  	_ =	shalt  }
0x52: {  	_ =	shalt  }
0x53: {  	_ =	shalt  }
0x54: {  	_ =	shalt  }
0x55: {  	_ =	shalt  }
0x56: {  	_ =	shalt  }
0x57: {  	_ =	shalt  }
0x58: {  	_ =	shalt  }
0x59: {  	_ =	shalt  }
0x5a: {  	_ =	shalt  }
0x5b: {  	_ =	shalt  }
0x5c: {  	_ =	shalt  }
0x5d: {  	_ =	shalt  }
0x5e: {  	_ =	shalt  }
0x5f: {  	_ =	shalt  }
0x60: {  	_ =	shalt  }
0x61: {  	_ =	shalt  }
0x62: {  	_ =	shalt  }
0x63: {  	_ =	shalt  }
0x64: {  	_ =	shalt  }
0x65: {  	_ =	shalt  }
0x66: {  	_ =	shalt  }
0x67: {  	_ =	shalt  }
0x68: {  	_ =	shalt  }
0x69: {  	_ =	shalt  }
0x6a: {  	_ =	shalt  }
0x6b: {  	_ =	shalt  }
0x6c: {  	_ =	shalt  }
0x6d: {  	_ =	shalt  }
0x6e: {  	_ =	shalt  }
0x6f: {  	_ =	shalt  }
0x70: {  	_ =	shalt  }
0x71: {  	_ =	shalt  }
0x72: {  	_ =	shalt  }
0x73: {  	_ =	shalt  }
0x74: {  	_ =	shalt  }
0x75: {  	_ =	shalt  }
0x76: {  	_ =	shalt  }
0x77: {  	_ =	shalt  }
0x78: {  	_ =	shalt  }
0x79: {  	_ =	shalt  }
0x7a: {  	_ =	shalt  }
0x7b: {  	_ =	shalt  }
0x7c: {  	_ =	shalt  }
0x7d: {  	_ =	shalt  }
0x7e: {  	_ =	shalt  }
0x7f: {  	_ =	shalt  }
0x80: {  	_ =	shalt  }
0x81: {  	_ =	shalt  }
0x82: {  	_ =	shalt  }
0x83: {  	_ =	shalt  }
0x84: {  	_ =	shalt  }
0x85: {  	_ =	shalt  }
0x86: {  	_ =	shalt  }
0x87: {  	_ =	shalt  }
.Lfunc_end0:
.L_simem_size_0:
called_computation.2_lowered:
.L_overlay_start_0:
0x88: {  	s2 =	sld [smem:$0x3FD9]  }
0x89: {  	s3 =	sld [smem:$0x3FFE];
	_ =	sdelay $0x1  }
0x8a: {  	s1 =	srdreg.scid  }
0x8b: {  	s0 =	sand.u32 $0x1, s1  }
0x8c: {  	s17 =	sshll.u32 s0, $0xA;
	s2 =	sadd.s32 s3, s2  }
0x8d: {  	s2 =	sadd.s32 s2, s17  }
0x8e: {  	[smem:$0x3FB8] =	sst s2  }
0x8f: {  	_ = 	snop  }
0x90: {  	s2 =	sld [smem:$0x3FD0];
	(tm) =	ssettm $0x1  }
0x91: {  	s18 =	sld [smem:$0x3FFB];
	_ =	sdelay $0x3  }
0x92: {  	_ =	strace s18  }
0x93: {  	s3 =	sld [smem:$0x3FFC];
	_ =	sdelay $0x3  }
0x94: {  	_ =	strace s3  }
0x95: {  	s3 =	sld [smem:$0x3FFD];
	_ =	sdelay $0x3  }
0x96: {  	_ =	strace s3  }
0x97: {  	_ =	strace $0x8FFFFFFF  }
0x98: {  	s19 =	sld [smem:$0x3FDB];
	_ =	sdelay $0x1  }
0x99: {  	s4 =	simm.s32 $_scs_section_size  }
0x9a: {  	s5 =	simm.s32 $_size__tile_overlayer_lowered;
	s6 =	simm.s32 $_tile_overlayer_lowered  }
0x9b: {  	s22 =	simm.s32 $0x1BFF;
	s21 =	sshll.u32 s6, $0x1;
	s3 =	sadd.s32 s4, s19  }
0x9c: {  	s7 =	simm.s32 $0x0;
	s20 =	sshll.u32 s5, $0x1;
	s5 =	sadd.s32 s21, s3  }
0x9d: {  	[timem:s7], [sflag:s22] =	dma.local [hbm:s5], s20  }
0x9e: {  	_ =	swait.ge [sflag:s22], s20  }
0x9f: {  	s4 =	ssub.s32 $0x0, s20;
	[sflag:s22] =	ssyncset.done $0x0  }
0xa0: {  	[sflag:s22] =	ssyncadd.s32 s4;
	_ =	sdelay $0x1  }
0xa1: {  	s23 =	simm.s32 $0x1B8B  }
0xa2: {  	_ =	swait.ge [sflag:s23], $0x1  }
0xa3: {  	[sflag:s23] =	ssyncset.done $0x0  }
0xa4: {  	s25 =	simm.s32 $0x1B8E;
	s24 =	sld [smem:$0x3FFE];
	[sflag:s23] =	ssyncadd.s32 $0xFFFFFFFF  }
0xa5: {  	s26 =	simm.s32 $execute0_lowered;
	[smem:$0x3FD2] =	sst s25  }
0xa6: {  	s5 =	sshll.u32 s26, $0x1;
	_ =	strace $0x8000004C;
	[dreg:$0x1] =	wrdreg $0xFFFFFFFF  }
0xa7: {  	s28 =	simm.s32 $_size_execute0_lowered;
	s3 =	sadd.s32 s3, s5;
	[dreg:$0x0] =	wrdreg $0x0  }
0xa8: {  	s5 =	sshll.u32 s28, $0x1;
	[dreg:$0x2] =	wrdreg s3  }
0xa9: {  	[dreg:$0x3] =	wrdreg s5  }
0xaa: {  	[dreg:$0x4] =	wrdreg $0xC0  }
0xab: {  	_ =	task [dreg:s7], $0x5FFFF  }
0xac: {  	[dreg:$0x1] =	wrdreg $0xFFFFFFFF  }
0xad: {  	[dreg:$0x0] =	wrdreg $0x60  }
0xae: {  	[dreg:$0x2] =	wrdreg s24  }
0xaf: {  	[dreg:$0x3] =	wrdreg s2  }
0xb0: {  	[dreg:$0x4] =	wrdreg $0x120800  }
0xb1: {  	[dreg:$0x5] =	wrdreg $0x9  }
0xb2: {  	_ =	task.clear_ibuf [dreg:s7], $0x6FFFF;
	_ =	strace $0x9000004C  }
0xb3: {  	s29 =	simm.s32 $0x9;
	_ =	strace $0x8000004E  }
0xb4: {  	_ =	swait.ge [sflag:s29], $0x1  }
0xb5: {  	[sflag:s29] =	ssyncadd.s32 $0xFFFFFFFF  }
0xb6: {  	_ =	strace $0x9000004E  }
0xb7: {  	_ =	sfence  }
0xb8: {  	s30 =	sld [smem:$0x0];
	_ =	sdelay $0x2  }
0xb9: {  	s31 =	sshll.u32 s1, $0xD;
	s1 =	sshrl.u32 s1, $0x2  }
0xba: {  	s3 =	sand.u32 $0x4000, s31;
	s1 =	sadd.s32 s1, s30  }
0xbb: {  	s0 =	sor.u32 s3, s0;
	s1 =	sshll.u32 s1, $0x11  }
0xbc: {  	s0 =	sor.u32 s1, s0  }
0xbd: {  	s0 =	sadd.s32 $0x8F2B, s0  }
0xbe: {  	[sflag:s0] =	ssyncadd.remote.s32 $0x1  }
0xbf: {  	_ =	sfence.sel $0xFFFF  }
0xc0: {  	[dreg:$0x0] =	wrdreg $0xFFFFFFFF;
	(pc) =	sbr.abs _section_cstart, $3  }
0xc1: {  	[dreg:$0x1] =	wrdreg $0xFFFFFFFF  }
0xc2: {  	_ =	task.clear_ibuf [dreg:s7], $0x2FFFF;
	_ =	strace $0x9FFFFFFF  }
0xc3: {  	(tm) =	ssettm $0x7FFFFFFF  }
tec
execute0_lowered:
.L_overlay_start_1:
0x0: {  	(tag) =	ssettag $0x1  }
0x1: {  	s5 =	rddreg [dreg:$0x0]  }
0x2: {  	s8 =	rddreg [dreg:$0x1]  }
0x3: {  	s1 =	rddreg [dreg:$0x2];
	s3 =	srdreg.scid  }
0x4: {  	s0 =	rddreg [dreg:$0x3];
	s6 =	sand.u32 $0x1, s3  }
0x5: {  	s2 =	simm.s32 $0x0;
	s3 =	stileid.u32;
	s9 =	smul.u32 $0xA000, s6  }
0x6: {  	[smem:$0x7FF] =	sst s2;
	s4 =	sadd.s32 $0x36200, s5;
	s7 =	smul.u32 $0x30000, s3  }
0x7: {  	_ =	strace $0x8000004D;
	s11 =	sshll.u32 s6, $0x8;
	s12 =	smul.u32 $0x18000, s6  }
0x8: {  	s6 =	ssub.s32 $0x2, s6;
	s15 =	smul.u32 $0xA00, s3;
	s18 =	sshll.u32 s3, $0x4  }
0x9: {  	s20 =	smul.u32 $0x1800, s3;
	s11 =	sadd.s32 s11, s5;
	s13 =	sshrl.u32 s6, $0x1  }
0xa: {  	s10 =	sadd.s32 s9, s5;
	s7 =	sshrl.u32 s7, $0x2;
	s12 =	sadd.s32 s12, s5  }
0xb: {  	s13 =	ssub.s32 s6, s13;
	s14 =	sadd.s32 s8, s9;
	s17 =	sadd.s32 $0x36000, s11  }
0xc: {  	s9 =	simm.s32 $0xA080;
	s5 =	sadd.s32 s7, s1;
	s16 =	sadd.s32 $0x4200, s10  }
.Ltmp0:
0xd: {  	s19 =	sadd.s32 $0x5E200, s12;
	s8 =	smax.u32 s13, $0x1;
	(pc) =	sbr.rel .LBB2_1-.Ltmp0, $4  }
0xe: {  	s10 =	simm.s32 $0x3;
	s11 =	sadd.s32 s15, s14;
	s13 =	sadd.s32 s18, s17  }
0xf: {  	s14 =	simm.s32 $0xA000;
	s17 =	simm.s32 $0xE080;
	s6 =	sadd.s32 $0x4000, s5  }
0x10: {  	s7 =	sadd.s32 $0x8000, s5;
	s12 =	sadd.s32 s15, s16;
	s15 =	simm.s32 $0x1  }
0x11: {  	v0 =	vimm.f32 $0.0e+00;
	s16 =	simm.s32 $0x80;
	s18 =	sadd.s32 s20, s19;
	s19 =	simm.s32 $0x2  }
.LBB2_12:
0x12: {  	s2 =	sadd.s32 $0x1, s2  }
0x13: {  	s20 =	sshll.u32 s3, $0x6;
	[bflag:$0x0] =	sbarrier.arrive $0xFFFF;
	p0 =	sne.s32 s2, s8  }
.Ltmp1:
0x14: {  	s21 =	sshrl.u32 s5, $0x3;
	s20 =	sor.u32 $0x1C03, s20;
	(pc) =	sbr.rel @!p0 .LBB2_13-.Ltmp1, $4  }
0x15: {  	[hbm:s18], [sflag:s20] =	dma.local [spmem:s21], $0x1800  }
0x16: {  	_ =	swait.ge [sflag:s10], $0x1800  }
0x17: {  	[sflag:s10] =	ssyncset.done $0x0  }
0x18: {  	[sflag:s10] =	ssyncadd.s32 $0xFFFFE800  }
.LBB2_1:
0x19: {  	s20 =	simm.s32 $0x0;
	s21 =	simm.s32 $0x200  }
.LBB2_2:
0x1a: {  	p0 =	sne.s32 s21, $0xFE00;
	[tilespmem:s20+$0xA0F0] =	vst v0  }
0x1b: {  	[tilespmem:s20+$0xA080] =	vst v0  }
0x1c: {  	[tilespmem:s20+$0xA090] =	vst v0  }
.Ltmp2:
0x1d: {  	[tilespmem:s20+$0xA0A0] =	vst v0;
	(pc) =	sbr.rel @p0 .LBB2_2-.Ltmp2, $4  }
0x1e: {  	[tilespmem:s20+$0xA0B0] =	vst v0  }
0x1f: {  	[tilespmem:s20+$0xA0C0] =	vst v0  }
0x20: {  	[tilespmem:s20+$0xA0D0] =	vst v0  }
0x21: {  	[tilespmem:s20+$0xA0E0] =	vst v0;
	s20 =	sshra.s32 s21, $0x2;
	s21 =	sadd.s32 $0x200, s21  }
0x22: {  	[tilespmem:s20+$0xA0F0] =	vst v0  }
0x23: {  	[tilespmem:s20+$0xA080] =	vst v0  }
0x24: {  	[tilespmem:s20+$0xA090] =	vst v0  }
0x25: {  	[tilespmem:s20+$0xA0A0] =	vst v0  }
0x26: {  	[tilespmem:s20+$0xA0B0] =	vst v0  }
0x27: {  	[tilespmem:s20+$0xA0C0] =	vst v0  }
0x28: {  	[tilespmem:s20+$0xA0D0] =	vst v0  }
0x29: {  	[tilespmem:s20+$0xA0E0] =	vst v0  }
0x2a: {  	[spmem:s5] =	stream.linear.scatter [tilespmem:s9], [sflag:$0x3], $0x4000, $0x38;
	[tilespmem:$0x1E080] =	vst v63  }
0x2b: {  	_ =	swait.ge [sflag:s10], $0x4000  }
0x2c: {  	[sflag:s10] =	ssyncset.done $0x0  }
0x2d: {  	[sflag:s10] =	ssyncadd.s32 $0xFFFFC000  }
0x2e: {  	[spmem:s6] =	stream.linear.scatter [tilespmem:s9], [sflag:$0x3], $0x4000, $0x38;
	[tilespmem:$0x1E080] =	vst v63  }
0x2f: {  	_ =	swait.ge [sflag:s10], $0x4000  }
0x30: {  	[sflag:s10] =	ssyncset.done $0x0  }
0x31: {  	[sflag:s10] =	ssyncadd.s32 $0xFFFFC000  }
0x32: {  	[spmem:s7] =	stream.linear.scatter [tilespmem:s9], [sflag:$0x3], $0x4000, $0x38;
	[tilespmem:$0x1E080] =	vst v63  }
0x33: {  	_ =	swait.ge [sflag:s10], $0x4000  }
0x34: {  	[sflag:s10] =	ssyncset.done $0x0  }
0x35: {  	s20 =	simm.s32 $0x0;
	[sflag:s10] =	ssyncadd.s32 $0xFFFFC000  }
0x36: {  	[tilespmem:s20], [sflag:$0x3] =	stream.linear.gather [hbm4b:s11+s20], $0x4E80, $0x38;
	[tilespmem:$0x1E080] =	vst v63  }
0x37: {  	_ =	swait.ge [sflag:s10], $0x4E80  }
0x38: {  	[sflag:s10] =	ssyncset.done $0x0  }
0x39: {  	s21 =	simm.s32 $0x5000;
	[sflag:s10] =	ssyncadd.s32 $0xFFFFB180  }
0x3a: {  	[tilespmem:s21], [sflag:$0x3] =	stream.linear.gather [hbm4b:s12+s20], $0x4E80, $0x38;
	[tilespmem:$0x1E080] =	vst v63  }
0x3b: {  	_ =	swait.ge [sflag:s10], $0x4E80  }
0x3c: {  	[sflag:s10] =	ssyncset.done $0x0  }
0x3d: {  	[sflag:s10] =	ssyncadd.s32 $0xFFFFB180  }
0x3e: {  	[tilespmem:s14], [sflag:$0x3] =	stream.linear.gather [hbm4b:s13+s20], $0x80, $0x38;
	[tilespmem:$0x1E080] =	vst v63  }
0x3f: {  	_ =	swait.ge [sflag:s10], $0x80  }
0x40: {  	[sflag:s10] =	ssyncset.done $0x0  }
0x41: {  	[sflag:s10] =	ssyncadd.s32 $0xFFFFFF80  }
0x42: {  	v1 =	vld [tilespmem:$0xA000];
	_ =	sdelay $0x4  }
0x43: {  	(v2sf) =	vpush v1, $0x0;
	_ =	sdelay $0xe  }
0x44: {  	s22 =	spop (v2sf)  }
0x45: {  	s22 =	sadd.s32 $0x7F, s22  }
0x46: {  	s23 =	sand.u32 $0x7F, s22  }
0x47: {  	s24 =	sshra.s32 s22, $0x1F;
	p0 =	slt.s32 s22, $0x1;
	p1 =	sne.s32 s23, $0x0  }
0x48: {  	s31 =	sshrl.u32 s24, $0x19;
	p0 =	por !p0, !p1  }
0x49: {  	s23 =	simm.s32 $0x1;
	s22 =	sadd.s32 s31, s22;
	p0 =	por !p0, !p0  }
.Ltmp3:
0x4a: {  	s22 =	sshra.s32 s22, $0x7;
	s23 =	simm.s32 @!p0 $0x0;
	(pc) =	sbr.rel .LBB2_4-.Ltmp3, $4  }
0x4b: {  	[bflag:$0x0] =	sbarrier.arrive $0xFFFF;
	s22 =	ssub.s32 s22, s23;
	s23 =	simm.s32 $0x80  }
0x4c: {  	[tilespmem:s9], [sflag:$0x1] =	stream.indirect.gather [hbm4b:s4+s23], $0x80, s20, s23, $0xb8;
	[tilespmem:$0x1E080] =	vst v63  }
0x4d: {  	p0 =	sgt.s32 s22, $0x1;
	s24 =	smov.u32 s22  }
0x4e: {  	s24 =	simm.s32 @!p0 $0x1  }
.LBB2_9:
0x4f: {  	[tilespmem:s9], [sflag:$0x1] =	stream.indirect.gather [hbm4b:s4+s16], $0x80, s23, s16, $0xb8;
	[tilespmem:$0x1E080] =	vst v63  }
.LBB2_10:
0x50: {  	_ =	swait.ge [sflag:s19], $0x4000  }
0x51: {  	[sflag:s19] =	ssyncset.done $0x0  }
0x52: {  	s25 =	simm.s32 $0x3;
	[sflag:s19] =	ssyncadd.s32 $0xFFFFC000  }
0x53: {  	[spmem:s1] =	stream.indirect.scatter.add.f32 [tilespmem:s17], [sflag:$0x3], $0x80, s21, s16, $0xb8;
	[tilespmem:$0x1E080] =	vst v63  }
.LBB2_11:
0x54: {  	p0 =	sne.s32 s24, s20  }
.Ltmp4:
0x55: {  	_ = 	snop;
	(pc) =	sbr.rel @!p0 .LBB2_12-.Ltmp4, $4  }
0x56: {  	_ = 	snop  }
0x57: {  	_ =	swait.ge [sflag:s25], $0x4000  }
0x58: {  	[sflag:s25] =	ssyncset.done $0x0  }
0x59: {  	s21 =	sadd.s32 $0x80, s21;
	s23 =	sadd.s32 $0x80, s23;
	[sflag:s25] =	ssyncadd.s32 $0xFFFFC000  }
.LBB2_4:
0x5a: {  	s25 =	sand.u32 $0x1, s20;
	s20 =	sadd.s32 $0x1, s20  }
0x5b: {  	p1 =	sle.s32 s22, s20  }
.Ltmp5:
0x5c: {  	_ = 	snop;
	(pc) =	sbr.rel @p1 .LBB2_7-.Ltmp5, $2  }
0x5d: {  	_ =	sdelay $0x2  }
0x5e: {  	p0 =	sne.s32 s25, $0x0  }
.Ltmp6:
0x5f: {  	(pc) =	sbr.rel @p0 .LBB2_9-.Ltmp6, $1  }
0x60: {  	_ =	sdelay $0x3  }
.Ltmp7:
0x61: {  	(pc) =	sbr.rel .LBB2_8-.Ltmp7, $2  }
0x62: {  	_ =	sdelay $0x2  }
0x63: {  	[tilespmem:s17], [sflag:$0x2] =	stream.indirect.gather [hbm4b:s4+s16], $0x80, s23, s16, $0xb8;
	[tilespmem:$0x1E080] =	vst v63  }
.LBB2_7:
.Ltmp8:
0x64: {  	(pc) =	sbr.rel @p0 .LBB2_10-.Ltmp8, $1  }
0x65: {  	_ =	sdelay $0x3  }
.LBB2_8:
.Ltmp9:
0x66: {  	(pc) =	sbr.rel .LBB2_11-.Ltmp9, $4  }
0x67: {  	_ =	swait.ge [sflag:s15], $0x4000  }
0x68: {  	[sflag:s15] =	ssyncset.done $0x0  }
0x69: {  	s25 =	simm.s32 $0x4;
	[sflag:s15] =	ssyncadd.s32 $0xFFFFC000  }
0x6a: {  	[spmem:s1] =	stream.indirect.scatter.add.f32 [tilespmem:s9], [sflag:$0x4], $0x80, s21, s16, $0xb8;
	[tilespmem:$0x1E080] =	vst v63  }
.LBB2_13:
0x6b: {  	_ =	sfence.sel $0x180000  }
0x6c: {  	[bflag:$0x0] =	sbarrier.arrive $0xFFFF  }
0x6d: {  	p0 =	sne.s32 s3, $0x0;
	_ =	strace $0x9000004D  }
0x6e: {  	s0 =	sadd.s32 @!p0 $0x100000, s0;
	[bflag:$0x2] =	sbarrier.arrive $0xFFFF  }
0x6f: {  	[sflag:s0] =	ssyncadd.tile.s32 @!p0 $0x1;
	_ =	shalt  }
.Lfunc_end2:
_tile_overlayer_lowered:
.L_overlay_start_2:
0x70: {  	(tag) =	ssettag $0x2  }
0x71: {  	s0 =	rddreg [dreg:$0x0];
	s2 =	stileid.u32  }
0x72: {  	s1 =	rddreg [dreg:$0x1];
	p0 =	sne.s32 s2, $0x0  }
0x73: {  	s3 =	rddreg [dreg:$0x2];
	[bflag:$0x3] =	sbarrier.arrive $0xFFFF;
	s2 =	simm.s32 @!p0 $0x1C03  }
0x74: {  	[timem:s3], [sflag:s2] =	dma.local @!p0 [hbm:s0], s1  }
0x75: {  	s0 =	simm.s32 @!p0 $0x3  }
0x76: {  	_ =	swait.ge @!p0 [sflag:s0], s1  }
0x77: {  	s1 =	ssub.s32 @!p0 $0x0, s1;
	[sflag:s0] =	ssyncset.done @!p0 $0x0  }
0x78: {  	[sflag:s0] =	ssyncadd.s32 @!p0 s1  }
0x79: {  	[bflag:$0x3] =	sbarrier.arrive $0xFFFF  }
0x7a: {  	_ =	shalt  }

// kernel: kernel.8.cloned.1.call-start
scs
__scs_entry_jumppad:
0x0: {  	(pc) =	sbr.rel $0x88, $3  }
0x1: {  	(tag) =	ssettag $0x0;
	lr =	simm.s32 $0x1  }
0x2: {  	[smem:$0x3F91] =	sst lr;
	_ =	strace $0xD0000000  }
0x3: {  	_ = 	snop  }
0x4: {  	_ = 	snop  }
0x5: {  	_ = 	snop  }
0x6: {  	_ = 	snop  }
0x7: {  	_ = 	snop  }
__scs_overlays_trampoline_lowered:
0x8: {  	[smem:$0x3FA0] =	sst s0  }
0x9: {  	[smem:$0x3FA1] =	sst s1  }
0xa: {  	[smem:$0x3FA2] =	sst s2  }
0xb: {  	[smem:$0x3FA3] =	sst s3  }
0xc: {  	[smem:$0x3FA4] =	sst s4  }
0xd: {  	[smem:$0x3FA5] =	sst s5  }
0xe: {  	[smem:$0x3FA6] =	sst s6  }
0xf: {  	[smem:$0x3FA7] =	sst s7  }
0x10: {  	[smem:$0x3FA8] =	sst s8  }
0x11: {  	[smem:$0x3FA9] =	sst s9;
	s0 =	simm.s32 @!p0 $0x0  }
0x12: {  	s1 =	sld [smem:$0x3F8F];
	s0 =	simm.s32 @p0 $0x1  }
0x13: {  	[smem:$0x3FAA] =	sst s0;
	s0 =	simm.s32 @!p1 $0x0  }
0x14: {  	s2 =	sld [smem:$0x3F8E];
	s0 =	simm.s32 @p1 $0x1  }
0x15: {  	[smem:$0x3FAB] =	sst s0;
	s0 =	simm.s32 @!p2 $0x0  }
0x16: {  	s3 =	sld [smem:$0x3FDB];
	s0 =	simm.s32 @p2 $0x1  }
0x17: {  	s4 =	simm.s32 $0x1BF5;
	[smem:$0x3FAD] =	sst s0  }
0x18: {  	s0 =	sld [smem:$0x3F90];
	_ =	swait.ge [sflag:s4], $0x0  }
0x19: {  	s7 =	sld [smem:$0x3F91]  }
0x1a: {  	s8 =	sadd.s32 $0xFFFFE003, lr  }
0x1b: {  	s9 =	sadd.s32 $0xFFFFFEF7, lr;
	s5 =	simm.s32 $0xFFFFFFFF;
	p2 =	slt.u32 s8, $0xFFFFF086  }
0x1c: {  	p1 =	slt.u32 s9, $0xF7A;
	s5 =	simm.s32 @!p2 $0x0  }
0x1d: {  	s5 =	simm.s32 @p1 $0x1;
	p0 =	seq.s32 s7, s2  }
0x1e: {  	s7 =	smul.u32 @!p0 $0xF7A, s2;
	p2 =	seq.s32 @!p0 s5, $0x0  }
0x1f: {  	s9 =	smul.u32 $0xF7A, s1;
	s8 =	simm.s32 @!p0 $0x1BF5;
	p2 =	por !p2, p0  }
0x20: {  	[sflag:s8] =	ssyncset.s32 @!p0 $0xFFFFF086;
	s6 =	sadd.s32 @!p0 s3, s7;
	s7 =	simm.s32 @!p0 $0x108  }
0x21: {  	s3 =	sadd.s32 s3, s9;
	s6 =	sadd.s32 @!p0 $0x88, s6;
	s7 =	simm.s32 @p2 $0x1082  }
0x22: {  	[simem:s7], [sflag:s8] =	dma.local @!p0 [hbm:s6], $0xF7A  }
0x23: {  	s9 =	sor.u32 $0xD0000000, s2;
	s6 =	simm.s32 $0x108;
	_ =	swait.ge @!p0 [sflag:s8], $0x0  }
0x24: {  	s3 =	sadd.s32 $0x88, s3;
	s6 =	simm.s32 @!p1 $0x1082;
	[sflag:s4] =	ssyncset.s32 $0xFFFFF086  }
0x25: {  	[simem:s6], [sflag:s4] =	dma.local [hbm:s3], $0xF7A  }
0x26: {  	[smem:$0x3F91] =	sst s1;
	(tag) =	ssettag s2;
	_ =	strace s9  }
0x27: {  	s1 =	sld [smem:$0x3FA1]  }
0x28: {  	s2 =	sld [smem:$0x3FA2]  }
0x29: {  	s4 =	sld [smem:$0x3FA4]  }
0x2a: {  	p0 =	seq.s32 s5, $0x0;
	s5 =	sld [smem:$0x3FA5]  }
0x2b: {  	s6 =	sld [smem:$0x3FA6]  }
0x2c: {  	s7 =	sld [smem:$0x3FA7]  }
0x2d: {  	s3 =	simm.s32 $0x108;
	s8 =	sld [smem:$0x3FA8]  }
0x2e: {  	s3 =	simm.s32 @!p0 $0x1082;
	s9 =	sld [smem:$0x3FA9]  }
0x2f: {  	lr =	sadd.s32 s0, s3;
	s0 =	sld [smem:$0x3FA0]  }
0x30: {  	s3 =	sld [smem:$0x3FA3]  }
0x31: {  	[smem:$0x3FAC] =	sst s10  }
0x32: {  	s10 =	sld [smem:$0x3FAA];
	_ =	sdelay $0x3  }
0x33: {  	p0 =	seq.s32 s10, $0x1;
	s10 =	sld [smem:$0x3FAC];
	_ =	sdelay $0x3  }
0x34: {  	[smem:$0x3FAC] =	sst s10  }
0x35: {  	s10 =	sld [smem:$0x3FAB];
	_ =	sdelay $0x3  }
0x36: {  	p1 =	seq.s32 s10, $0x1;
	s10 =	sld [smem:$0x3FAC];
	_ =	sdelay $0x3  }
0x37: {  	[smem:$0x3FAC] =	sst s10  }
0x38: {  	s10 =	sld [smem:$0x3FAD]  }
0x39: {  	_ = 	snop;
	(pc) =	sbr.ind lr, $3  }
0x3a: {  	_ = 	snop  }
0x3b: {  	_ = 	snop  }
0x3c: {  	p2 =	seq.s32 s10, $0x1;
	s10 =	sld [smem:$0x3FAC]  }
0x3d: {  	_ =	shalt  }
0x3e: {  	_ =	shalt  }
0x3f: {  	_ =	shalt  }
0x40: {  	_ =	shalt  }
0x41: {  	_ =	shalt  }
0x42: {  	_ =	shalt  }
0x43: {  	_ =	shalt  }
0x44: {  	_ =	shalt  }
0x45: {  	_ =	shalt  }
0x46: {  	_ =	shalt  }
0x47: {  	_ =	shalt  }
0x48: {  	_ =	shalt  }
0x49: {  	_ =	shalt  }
0x4a: {  	_ =	shalt  }
0x4b: {  	_ =	shalt  }
0x4c: {  	_ =	shalt  }
0x4d: {  	_ =	shalt  }
0x4e: {  	_ =	shalt  }
0x4f: {  	_ =	shalt  }
0x50: {  	_ =	shalt  }
0x51: {  	_ =	shalt  }
0x52: {  	_ =	shalt  }
0x53: {  	_ =	shalt  }
0x54: {  	_ =	shalt  }
0x55: {  	_ =	shalt  }
0x56: {  	_ =	shalt  }
0x57: {  	_ =	shalt  }
0x58: {  	_ =	shalt  }
0x59: {  	_ =	shalt  }
0x5a: {  	_ =	shalt  }
0x5b: {  	_ =	shalt  }
0x5c: {  	_ =	shalt  }
0x5d: {  	_ =	shalt  }
0x5e: {  	_ =	shalt  }
0x5f: {  	_ =	shalt  }
0x60: {  	_ =	shalt  }
0x61: {  	_ =	shalt  }
0x62: {  	_ =	shalt  }
0x63: {  	_ =	shalt  }
0x64: {  	_ =	shalt  }
0x65: {  	_ =	shalt  }
0x66: {  	_ =	shalt  }
0x67: {  	_ =	shalt  }
0x68: {  	_ =	shalt  }
0x69: {  	_ =	shalt  }
0x6a: {  	_ =	shalt  }
0x6b: {  	_ =	shalt  }
0x6c: {  	_ =	shalt  }
0x6d: {  	_ =	shalt  }
0x6e: {  	_ =	shalt  }
0x6f: {  	_ =	shalt  }
0x70: {  	_ =	shalt  }
0x71: {  	_ =	shalt  }
0x72: {  	_ =	shalt  }
0x73: {  	_ =	shalt  }
0x74: {  	_ =	shalt  }
0x75: {  	_ =	shalt  }
0x76: {  	_ =	shalt  }
0x77: {  	_ =	shalt  }
0x78: {  	_ =	shalt  }
0x79: {  	_ =	shalt  }
0x7a: {  	_ =	shalt  }
0x7b: {  	_ =	shalt  }
0x7c: {  	_ =	shalt  }
0x7d: {  	_ =	shalt  }
0x7e: {  	_ =	shalt  }
0x7f: {  	_ =	shalt  }
0x80: {  	_ =	shalt  }
0x81: {  	_ =	shalt  }
0x82: {  	_ =	shalt  }
0x83: {  	_ =	shalt  }
0x84: {  	_ =	shalt  }
0x85: {  	_ =	shalt  }
0x86: {  	_ =	shalt  }
0x87: {  	_ =	shalt  }
.Lfunc_end0:
.L_simem_size_0:
called_computation_lowered:
.L_overlay_start_0:
0x88: {  	s2 =	sld [smem:$0x3FD9]  }
0x89: {  	s3 =	sld [smem:$0x3FFE];
	_ =	sdelay $0x1  }
0x8a: {  	s1 =	srdreg.scid  }
0x8b: {  	s0 =	sand.u32 $0x1, s1  }
0x8c: {  	s17 =	sshll.u32 s0, $0xA;
	s2 =	sadd.s32 s3, s2  }
0x8d: {  	s2 =	sadd.s32 s2, s17  }
0x8e: {  	[smem:$0x3FB8] =	sst s2  }
0x8f: {  	_ = 	snop  }
0x90: {  	s2 =	sld [smem:$0x3FD0];
	(tm) =	ssettm $0x1  }
0x91: {  	s18 =	sld [smem:$0x3FFB];
	_ =	sdelay $0x3  }
0x92: {  	_ =	strace s18  }
0x93: {  	s3 =	sld [smem:$0x3FFC];
	_ =	sdelay $0x3  }
0x94: {  	_ =	strace s3  }
0x95: {  	s3 =	sld [smem:$0x3FFD];
	_ =	sdelay $0x3  }
0x96: {  	_ =	strace s3  }
0x97: {  	_ =	strace $0x8FFFFFFF  }
0x98: {  	s19 =	sld [smem:$0x3FDB];
	_ =	sdelay $0x1  }
0x99: {  	s4 =	simm.s32 $_scs_section_size  }
0x9a: {  	s5 =	simm.s32 $_size__tile_overlayer_lowered;
	s6 =	simm.s32 $_tile_overlayer_lowered  }
0x9b: {  	s22 =	simm.s32 $0x1BFF;
	s21 =	sshll.u32 s6, $0x1;
	s3 =	sadd.s32 s4, s19  }
0x9c: {  	s7 =	simm.s32 $0x0;
	s20 =	sshll.u32 s5, $0x1;
	s5 =	sadd.s32 s21, s3  }
0x9d: {  	[timem:s7], [sflag:s22] =	dma.local [hbm:s5], s20  }
0x9e: {  	_ =	swait.ge [sflag:s22], s20  }
0x9f: {  	s4 =	ssub.s32 $0x0, s20;
	[sflag:s22] =	ssyncset.done $0x0  }
0xa0: {  	[sflag:s22] =	ssyncadd.s32 s4;
	_ =	sdelay $0x1  }
0xa1: {  	s23 =	simm.s32 $0x1B8B  }
0xa2: {  	_ =	swait.ge [sflag:s23], $0x1  }
0xa3: {  	[sflag:s23] =	ssyncset.done $0x0  }
0xa4: {  	s25 =	simm.s32 $0x1B8E;
	s24 =	sld [smem:$0x3FFE];
	[sflag:s23] =	ssyncadd.s32 $0xFFFFFFFF  }
0xa5: {  	s26 =	simm.s32 $execute0_lowered;
	[smem:$0x3FD2] =	sst s25  }
0xa6: {  	s5 =	sshll.u32 s26, $0x1;
	_ =	strace $0x80000046;
	[dreg:$0x1] =	wrdreg $0xFFFFFFFF  }
0xa7: {  	s28 =	simm.s32 $_size_execute0_lowered;
	s3 =	sadd.s32 s3, s5;
	[dreg:$0x0] =	wrdreg $0x0  }
0xa8: {  	s5 =	sshll.u32 s28, $0x1;
	[dreg:$0x2] =	wrdreg s3  }
0xa9: {  	[dreg:$0x3] =	wrdreg s5  }
0xaa: {  	[dreg:$0x4] =	wrdreg $0xC0  }
0xab: {  	_ =	task [dreg:s7], $0x5FFFF  }
0xac: {  	[dreg:$0x1] =	wrdreg $0xFFFFFFFF  }
0xad: {  	[dreg:$0x0] =	wrdreg $0x60  }
0xae: {  	[dreg:$0x2] =	wrdreg s2  }
0xaf: {  	[dreg:$0x3] =	wrdreg s24  }
0xb0: {  	[dreg:$0x4] =	wrdreg $0x140800  }
0xb1: {  	[dreg:$0x5] =	wrdreg $0x9  }
0xb2: {  	_ =	task.clear_ibuf [dreg:s7], $0x6FFFF;
	_ =	strace $0x90000046  }
0xb3: {  	s29 =	simm.s32 $0x9;
	_ =	strace $0x80000048  }
0xb4: {  	_ =	swait.ge [sflag:s29], $0x1  }
0xb5: {  	[sflag:s29] =	ssyncadd.s32 $0xFFFFFFFF  }
0xb6: {  	_ =	strace $0x90000048  }
0xb7: {  	_ =	sfence  }
0xb8: {  	s30 =	sld [smem:$0x0];
	_ =	sdelay $0x2  }
0xb9: {  	s31 =	sshll.u32 s1, $0xD;
	s1 =	sshrl.u32 s1, $0x2  }
0xba: {  	s3 =	sand.u32 $0x4000, s31;
	s1 =	sadd.s32 s1, s30  }
0xbb: {  	s0 =	sor.u32 s3, s0;
	s1 =	sshll.u32 s1, $0x11  }
0xbc: {  	s0 =	sor.u32 s1, s0  }
0xbd: {  	s0 =	sadd.s32 $0x8F2B, s0  }
0xbe: {  	[sflag:s0] =	ssyncadd.remote.s32 $0x1  }
0xbf: {  	_ =	sfence.sel $0xFFFF  }
0xc0: {  	[dreg:$0x0] =	wrdreg $0xFFFFFFFF;
	(pc) =	sbr.abs _section_cstart, $3  }
0xc1: {  	[dreg:$0x1] =	wrdreg $0xFFFFFFFF  }
0xc2: {  	_ =	task.clear_ibuf [dreg:s7], $0x2FFFF;
	_ =	strace $0x9FFFFFFF  }
0xc3: {  	(tm) =	ssettm $0x7FFFFFFF  }
tec
execute0_lowered:
.L_overlay_start_1:
0x0: {  	(tag) =	ssettag $0x1  }
0x1: {  	s5 =	rddreg [dreg:$0x0]  }
0x2: {  	s4 =	rddreg [dreg:$0x1]  }
0x3: {  	s2 =	rddreg [dreg:$0x2]  }
0x4: {  	s0 =	rddreg [dreg:$0x3];
	s3 =	simm.s32 $0x0  }
0x5: {  	s1 =	stileid.u32;
	s7 =	srdreg.scid;
	s31 =	simm.s32 $0x13D00  }
0x6: {  	[smem:$0x7FF] =	sst s3;
	s6 =	smul.u32 $0xA00, s1;
	s7 =	sand.u32 $0x1, s7  }
0x7: {  	s13 =	sshrl.u32 s1, $0x3;
	s14 =	sshll.u32 s1, $0x7;
	s22 =	smul.u32 $0xA0, s1  }
0x8: {  	s17 =	sshll.u32 s1, $0x4;
	_ =	strace $0x80000047;
	s10 =	smul.u32 $0x9D00, s7  }
0x9: {  	s9 =	sshll.u32 s7, $0x4;
	s11 =	sshll.u32 s7, $0x8;
	s15 =	smul.u32 $0x27400, s13  }
0xa: {  	s12 =	ssub.s32 $0x2, s7;
	s26 =	sand.u32 $0x380, s14;
	s18 =	smul.u32 $0x1400, s7  }
0xb: {  	s30 =	sshll.u32 s13, $0xA;
	[dreg:$0x4] =	wrdreg s31;
	s13 =	simm.s32 $0x1  }
0xc: {  	s8 =	sadd.s32 s6, s4;
	s9 =	sadd.s32 s9, s4;
	s11 =	sadd.s32 s11, s4  }
0xd: {  	s24 =	sshrl.u32 s12, $0x1;
	s25 =	sshrl.u32 s6, $0x2;
	s5 =	sadd.s32 s5, s6  }
0xe: {  	s7 =	sor.u32 s26, s30;
	s10 =	sadd.s32 s10, s4;
	s12 =	ssub.s32 s12, s24  }
0xf: {  	s4 =	sadd.s32 s25, s2;
	s6 =	sadd.s32 $0x4200, s8;
	s28 =	sor.u32 s26, s15  }
0x10: {  	s19 =	sadd.s32 $0x36000, s11;
	s20 =	sshrl.u32 s7, $0x3;
	s21 =	sadd.s32 $0x35600, s9  }
0x11: {  	s8 =	simm.s32 $0x13D80;
	s9 =	simm.s32 $0x2;
	s11 =	simm.s32 $0xA000  }
0x12: {  	v0 =	vlaneseq.u32;
	v3 =	vmov s18;
	s18 =	simm.s32 $0x14000;
	s29 =	sadd.s32 $0xE200, s10;
	s15 =	sshrl.u32 s28, $0x3  }
0x13: {  	v2 =	vor.u32 $0x1400, v0;
	s16 =	sadd.s32 $0x21C00, s10;
	s7 =	smax.u32 s12, $0x1;
	s10 =	simm.s32 $0x80  }
0x14: {  	v1 =	vor.u32 s17, v0;
	v2 =	vor.u32 s17, v2;
	s12 =	simm.s32 $0xEE80;
	s17 =	sadd.s32 s20, s19;
	s19 =	sadd.s32 s22, s21  }
0x15: {  	v4 =	vimm.f32 $0.0e+00;
	v1 =	vand.u32 $0x7F, v1;
	s20 =	simm.s32 $0x20;
	s21 =	simm.s32 $0x10;
	s22 =	simm.s32 $0x0  }
0x16: {  	v5 =	vimm.f32 $1.000000000e+00;
	v6 =	vimm.s32 $0x0;
	v1 =	vadd.s32 $0x2710, v1;
	s14 =	sadd.s32 s15, s29;
	s15 =	sadd.s32 s15, s16;
	s16 =	simm.s32 $0x400  }
.LBB2_1:
0x17: {  	[tilespmem:$0x13D80] =	vst v4  }
0x18: {  	[tilespmem:$0x13D90] =	vst v4  }
0x19: {  	[tilespmem:$0x13DA0] =	vst v4  }
0x1a: {  	[tilespmem:$0x13DB0] =	vst v4  }
0x1b: {  	[tilespmem:$0x13DC0] =	vst v4  }
0x1c: {  	[tilespmem:$0x13DD0] =	vst v4  }
0x1d: {  	[tilespmem:$0x13DE0] =	vst v4  }
0x1e: {  	[tilespmem:$0x13DF0] =	vst v4  }
0x1f: {  	[tilespmem:$0x13E00] =	vst v4  }
0x20: {  	[tilespmem:$0x13E10] =	vst v4  }
0x21: {  	[tilespmem:$0x13E20] =	vst v4  }
0x22: {  	[tilespmem:$0x13E30] =	vst v4  }
0x23: {  	[tilespmem:$0x13E40] =	vst v4  }
0x24: {  	[tilespmem:$0x13E50] =	vst v4  }
0x25: {  	[tilespmem:$0x13E60] =	vst v4  }
0x26: {  	[tilespmem:$0x13E70] =	vst v4  }
0x27: {  	[tilespmem:$0x13E80] =	vst v4  }
0x28: {  	[tilespmem:$0x13E90] =	vst v4  }
0x29: {  	[tilespmem:$0x13EA0] =	vst v4  }
0x2a: {  	[tilespmem:$0x13EB0] =	vst v4  }
0x2b: {  	[tilespmem:$0x13EC0] =	vst v4  }
0x2c: {  	[tilespmem:$0x13ED0] =	vst v4  }
0x2d: {  	[tilespmem:$0x13EE0] =	vst v4  }
0x2e: {  	[tilespmem:$0x13EF0] =	vst v4  }
0x2f: {  	[tilespmem:$0x13F00] =	vst v4  }
0x30: {  	[tilespmem:$0x13F10] =	vst v4  }
0x31: {  	[tilespmem:$0x13F20] =	vst v4  }
0x32: {  	[tilespmem:$0x13F30] =	vst v4  }
0x33: {  	[tilespmem:$0x13F40] =	vst v4  }
0x34: {  	[tilespmem:$0x13F50] =	vst v4  }
0x35: {  	[tilespmem:$0x13F60] =	vst v4  }
0x36: {  	[tilespmem:$0x13F70] =	vst v4  }
0x37: {  	[tilespmem:$0x13F80] =	vst v4  }
0x38: {  	[tilespmem:$0x13F90] =	vst v4  }
0x39: {  	[tilespmem:$0x13FA0] =	vst v4  }
0x3a: {  	[tilespmem:$0x13FB0] =	vst v4  }
0x3b: {  	[tilespmem:$0x13FC0] =	vst v4  }
0x3c: {  	[tilespmem:$0x13FD0] =	vst v4  }
0x3d: {  	[tilespmem:$0x13FE0] =	vst v4  }
0x3e: {  	[tilespmem:$0x13FF0] =	vst v4  }
0x3f: {  	[tilespmem:$0x13D00] =	vst v5  }
0x40: {  	[tilespmem:$0x13D10] =	vst v5  }
0x41: {  	[tilespmem:$0x13D20] =	vst v5  }
0x42: {  	[tilespmem:$0x13D30] =	vst v5  }
0x43: {  	[tilespmem:$0x13D40] =	vst v5  }
0x44: {  	[tilespmem:$0x13D50] =	vst v5  }
0x45: {  	[tilespmem:$0x13D60] =	vst v5  }
0x46: {  	[tilespmem:$0x13D70] =	vst v5  }
0x47: {  	[spmem:s4] =	stream.linear.scatter [tilespmem:s8], [sflag:$0x2], $0x280, $0x38;
	[tilespmem:$0x14300] =	vst v63  }
0x48: {  	_ =	swait.ge [sflag:s9], $0x280  }
0x49: {  	[sflag:s9] =	ssyncset.done $0x0  }
0x4a: {  	[sflag:s9] =	ssyncadd.s32 $0xFFFFFD80  }
0x4b: {  	[tilespmem:s3], [sflag:$0x2] =	stream.linear.gather [hbm4b:s5+s3], $0x4E80, $0x38;
	[tilespmem:$0x14300] =	vst v63  }
0x4c: {  	_ =	swait.ge [sflag:s9], $0x4E80  }
0x4d: {  	[sflag:s9] =	ssyncset.done $0x0  }
0x4e: {  	s23 =	simm.s32 $0x5000;
	[sflag:s9] =	ssyncadd.s32 $0xFFFFB180  }
0x4f: {  	[tilespmem:s23], [sflag:$0x2] =	stream.linear.gather [hbm4b:s6+s3], $0x4E80, $0x38;
	[tilespmem:$0x14300] =	vst v63  }
0x50: {  	_ =	swait.ge [sflag:s9], $0x4E80  }
0x51: {  	[sflag:s9] =	ssyncset.done $0x0  }
0x52: {  	s24 =	simm.s32 $0x40;
	[sflag:s9] =	ssyncadd.s32 $0xFFFFB180  }
0x53: {  	s26 =	simm.s32 $0x0;
	s25 =	simm.s32 $0x0;
	[bflag:$0x0] =	sbarrier.arrive $0xFFFF  }
.LBB2_2:
0x54: {  	s28 =	rddreg [dreg:$0x4]  }
0x55: {  	[spmem:s2] =	stream.indirect.scatter.add.f32 [tilespmem:s28], [sflag:$0x1], $0x1, s23, s10, $0xb8;
	[tilespmem:$0x14300] =	vst v63  }
0x56: {  	v7 =	vld [tilespmem:s23+$0x0];
	_ =	sdelay $0x4  }
0x57: {  	v7 =	vsub.s32 v7, v3  }
0x58: {  	vm0 =	vlt.u32 v7, $0x1400  }
0x59: {  	v8 =	vsel vm0, $0x1, v6  }
0x5a: {  	(xrf0) =	vadd.scan.msk.s32 $0xffff, v8;
	_ =	sdelay $0x5  }
0x5b: {  	s31 =	sadd.s32 $0xFFFFFFFF, s26;
	v8, _, _ =	vpop (xrf0)  }
0x5c: {  	v9 =	vld [tilespmem:s24+$0xFFFFFFC0];
	v10 =	vadd.s32 s31, v8;
	_ =	sdelay $0x3  }
0x5d: {  	(v2sf) =	vpush v8, $0xF  }
0x5e: {  	[tilespmem:v10+s11+$0x0] =	vst.idx.msk vm0, v9  }
0x5f: {  	[tilespmem:v10+s12+$0x0] =	vst.idx.msk vm0, v7  }
0x60: {  	v7 =	vld [tilespmem:s23+$0x10];
	_ =	sdelay $0x4  }
0x61: {  	v7 =	vsub.s32 v7, v3  }
0x62: {  	vm9 =	vlt.u32 v7, $0x1400  }
0x63: {  	v8 =	vsel vm9, $0x1, v6  }
0x64: {  	(xrf0) =	vadd.scan.msk.s32 $0xffff, v8;
	_ =	sdelay $0x3  }
0x65: {  	s29 =	spop (v2sf)  }
0x66: {  	s30 =	sadd.s32 s26, s29  }
0x67: {  	s28 =	sadd.s32 $0xFFFFFFFF, s30;
	v8, _, _ =	vpop (xrf0)  }
0x68: {  	v9 =	vld [tilespmem:s24+$0xFFFFFFD0];
	v58 =	vadd.s32 s28, v8;
	_ =	sdelay $0x3  }
0x69: {  	(v2sf) =	vpush v8, $0xF  }
0x6a: {  	[tilespmem:v58+s11+$0x0] =	vst.idx.msk vm9, v9  }
0x6b: {  	[tilespmem:v58+s12+$0x0] =	vst.idx.msk vm9, v7  }
0x6c: {  	v7 =	vld [tilespmem:s23+$0x20];
	_ =	sdelay $0x4  }
0x6d: {  	v7 =	vsub.s32 v7, v3  }
0x6e: {  	vm10 =	vlt.u32 v7, $0x1400  }
0x6f: {  	v8 =	vsel vm10, $0x1, v6  }
0x70: {  	(xrf0) =	vadd.scan.msk.s32 $0xffff, v8;
	_ =	sdelay $0x3  }
0x71: {  	s31 =	spop (v2sf)  }
0x72: {  	s26 =	sadd.s32 s30, s31  }
0x73: {  	s28 =	sadd.s32 $0xFFFFFFFF, s26;
	v8, _, _ =	vpop (xrf0)  }
0x74: {  	v9 =	vld [tilespmem:s24+$0xFFFFFFE0];
	v59 =	vadd.s32 s28, v8;
	_ =	sdelay $0x3  }
0x75: {  	(v2sf) =	vpush v8, $0xF  }
0x76: {  	[tilespmem:v59+s11+$0x0] =	vst.idx.msk vm10, v9  }
0x77: {  	[tilespmem:v59+s12+$0x0] =	vst.idx.msk vm10, v7  }
0x78: {  	v7 =	vld [tilespmem:s23+$0x30];
	_ =	sdelay $0x4  }
0x79: {  	v7 =	vsub.s32 v7, v3  }
0x7a: {  	vm11 =	vlt.u32 v7, $0x1400  }
0x7b: {  	v8 =	vsel vm11, $0x1, v6  }
0x7c: {  	(xrf0) =	vadd.scan.msk.s32 $0xffff, v8;
	_ =	sdelay $0x3  }
0x7d: {  	s29 =	spop (v2sf)  }
0x7e: {  	s26 =	sadd.s32 s26, s29  }
0x7f: {  	s28 =	sadd.s32 $0xFFFFFFFF, s26;
	v8, _, _ =	vpop (xrf0)  }
0x80: {  	v9 =	vld [tilespmem:s24+$0xFFFFFFF0];
	v60 =	vadd.s32 s28, v8;
	_ =	sdelay $0x3  }
0x81: {  	(v2sf) =	vpush v8, $0xF  }
0x82: {  	[tilespmem:v60+s11+$0x0] =	vst.idx.msk vm11, v9  }
0x83: {  	[tilespmem:v60+s12+$0x0] =	vst.idx.msk vm11, v7  }
0x84: {  	v7 =	vld [tilespmem:s23+$0x40];
	_ =	sdelay $0x4  }
0x85: {  	v7 =	vsub.s32 v7, v3  }
0x86: {  	vm12 =	vlt.u32 v7, $0x1400  }
0x87: {  	v8 =	vsel vm12, $0x1, v6  }
0x88: {  	(xrf0) =	vadd.scan.msk.s32 $0xffff, v8;
	_ =	sdelay $0x3  }
0x89: {  	s30 =	spop (v2sf)  }
0x8a: {  	s26 =	sadd.s32 s26, s30  }
0x8b: {  	s28 =	sadd.s32 $0xFFFFFFFF, s26;
	v8, _, _ =	vpop (xrf0)  }
0x8c: {  	v9 =	vld [tilespmem:s24+$0x0];
	v61 =	vadd.s32 s28, v8;
	_ =	sdelay $0x3  }
0x8d: {  	(v2sf) =	vpush v8, $0xF  }
0x8e: {  	[tilespmem:v61+s11+$0x0] =	vst.idx.msk vm12, v9  }
0x8f: {  	[tilespmem:v61+s12+$0x0] =	vst.idx.msk vm12, v7  }
0x90: {  	v7 =	vld [tilespmem:s23+$0x50];
	_ =	sdelay $0x4  }
0x91: {  	v7 =	vsub.s32 v7, v3  }
0x92: {  	vm13 =	vlt.u32 v7, $0x1400  }
0x93: {  	v8 =	vsel vm13, $0x1, v6  }
0x94: {  	(xrf0) =	vadd.scan.msk.s32 $0xffff, v8;
	_ =	sdelay $0x3  }
0x95: {  	s31 =	spop (v2sf)  }
0x96: {  	s26 =	sadd.s32 s26, s31  }
0x97: {  	s28 =	sadd.s32 $0xFFFFFFFF, s26;
	v8, _, _ =	vpop (xrf0)  }
0x98: {  	v9 =	vld [tilespmem:s24+$0x10];
	v62 =	vadd.s32 s28, v8;
	_ =	sdelay $0x3  }
0x99: {  	(v2sf) =	vpush v8, $0xF  }
0x9a: {  	[tilespmem:v62+s11+$0x0] =	vst.idx.msk vm13, v9  }
0x9b: {  	[tilespmem:v62+s12+$0x0] =	vst.idx.msk vm13, v7  }
0x9c: {  	v7 =	vld [tilespmem:s23+$0x60];
	_ =	sdelay $0x4  }
0x9d: {  	v7 =	vsub.s32 v7, v3  }
0x9e: {  	vm14 =	vlt.u32 v7, $0x1400  }
0x9f: {  	v8 =	vsel vm14, $0x1, v6  }
0xa0: {  	(xrf0) =	vadd.scan.msk.s32 $0xffff, v8;
	_ =	sdelay $0x3  }
0xa1: {  	s29 =	spop (v2sf)  }
0xa2: {  	s26 =	sadd.s32 s26, s29  }
0xa3: {  	s28 =	sadd.s32 $0xFFFFFFFF, s26;
	v8, _, _ =	vpop (xrf0)  }
0xa4: {  	v9 =	vld [tilespmem:s24+$0x20];
	v63 =	vadd.s32 s28, v8;
	_ =	sdelay $0x4  }
0xa5: {  	[tilespmem:v63+s11+$0x0] =	vst.idx.msk vm14, v9  }
0xa6: {  	[tilespmem:v63+s12+$0x0] =	vst.idx.msk vm14, v7  }
0xa7: {  	v7 =	vld [tilespmem:s23+$0x70];
	_ =	sdelay $0x4  }
0xa8: {  	v7 =	vsub.s32 v7, v3  }
0xa9: {  	(v2sf) =	vpush v8, $0xF;
	vm15 =	vlt.u32 v7, $0x1400  }
0xaa: {  	v8 =	vsel vm15, $0x1, v6  }
0xab: {  	(xrf0) =	vadd.scan.msk.s32 $0xffff, v8;
	_ =	sdelay $0x5  }
0xac: {  	v8, _, _ =	vpop (xrf0)  }
0xad: {  	(v2sf) =	vpush v8, $0xF;
	_ =	sdelay $0x5  }
0xae: {  	s30 =	spop (v2sf)  }
0xaf: {  	s26 =	sadd.s32 s26, s30  }
0xb0: {  	s28 =	sadd.s32 $0xFFFFFFFF, s26  }
0xb1: {  	v9 =	vld [tilespmem:s24+$0x30];
	v8 =	vadd.s32 s28, v8;
	_ =	sdelay $0x4  }
0xb2: {  	p0 =	slt.u32 s25, $0x8;
	[tilespmem:v8+s11+$0x0] =	vst.idx.msk vm15, v9  }
0xb3: {  	s29 =	simm.s32 @!p0 $0x1;
	[tilespmem:v8+s12+$0x0] =	vst.idx.msk vm15, v7;
	s31 =	spop (v2sf)  }
0xb4: {  	_ =	swait.ge @!p0 [sflag:s29], $0x80  }
0xb5: {  	s25 =	sadd.s32 $0x1, s25;
	[sflag:s29] =	ssyncset.done @!p0 $0x0  }
0xb6: {  	[sflag:s29] =	ssyncadd.s32 @!p0 $0xFFFFFF80;
	p0 =	sne.s32 s25, $0x9D  }
.Ltmp0:
0xb7: {  	_ = 	snop;
	(pc) =	sbr.rel @p0 .LBB2_2-.Ltmp0, $2  }
0xb8: {  	_ =	sdelay $0x2  }
0xb9: {  	s23 =	sadd.s32 $0x80, s23;
	s24 =	sadd.s32 $0x80, s24;
	s26 =	sadd.s32 s26, s31  }
0xba: {  	_ =	swait.ge [sflag:s13], $0x80  }
0xbb: {  	[sflag:s13] =	ssyncset.done $0x0  }
0xbc: {  	[sflag:s13] =	ssyncadd.s32 $0xFFFFFF80  }
0xbd: {  	_ =	swait.ge [sflag:s13], $0x80  }
0xbe: {  	[sflag:s13] =	ssyncset.done $0x0  }
0xbf: {  	[sflag:s13] =	ssyncadd.s32 $0xFFFFFF80  }
0xc0: {  	_ =	swait.ge [sflag:s13], $0x80  }
0xc1: {  	s23 =	sadd.s32 $0x7F, s26;
	[sflag:s13] =	ssyncset.done $0x0  }
0xc2: {  	s24 =	sand.u32 $0x7F, s23;
	[sflag:s13] =	ssyncadd.s32 $0xFFFFFF80  }
0xc3: {  	s25 =	sshra.s32 s23, $0x1F;
	p1 =	slt.s32 s23, $0x1;
	_ =	swait.ge [sflag:s13], $0x80  }
0xc4: {  	p0 =	sne.s32 s24, $0x0;
	s24 =	sshrl.u32 s25, $0x19;
	[sflag:s13] =	ssyncset.done $0x0  }
0xc5: {  	p0 =	por !p1, !p0;
	s23 =	sadd.s32 s24, s23;
	[sflag:s13] =	ssyncadd.s32 $0xFFFFFF80  }
0xc6: {  	s24 =	simm.s32 $0x1;
	p0 =	por !p0, !p0;
	_ =	swait.ge [sflag:s13], $0x80  }
0xc7: {  	s23 =	sshrl.u32 s23, $0x7;
	s24 =	simm.s32 @!p0 $0x0;
	[sflag:s13] =	ssyncset.done $0x0  }
0xc8: {  	s23 =	ssub.s32 s23, s24;
	[sflag:s13] =	ssyncadd.s32 $0xFFFFFF80  }
0xc9: {  	s23 =	sshll.u32 s23, $0x7;
	_ =	swait.ge [sflag:s13], $0x80  }
0xca: {  	p0 =	sgt.s32 s23, $0x80;
	[sflag:s13] =	ssyncset.done $0x0  }
0xcb: {  	v7 =	vadd.s32 s26, v0;
	s23 =	simm.s32 @!p0 $0x80;
	[sflag:s13] =	ssyncadd.s32 $0xFFFFFF80  }
0xcc: {  	s28 =	sadd.s32 $0x10, s26;
	vm0 =	vlt.s32 v7, s23;
	_ =	swait.ge [sflag:s13], $0x80  }
0xcd: {  	v8 =	vadd.s32 s28, v0;
	[sflag:s13] =	ssyncset.done $0x0  }
0xce: {  	s29 =	sadd.s32 $0x20, s26;
	vm1 =	vlt.s32 v8, s23;
	[sflag:s13] =	ssyncadd.s32 $0xFFFFFF80  }
0xcf: {  	v9 =	vadd.s32 s29, v0;
	_ =	swait.ge [sflag:s13], $0x80  }
0xd0: {  	s30 =	sadd.s32 $0x30, s26;
	vm2 =	vlt.s32 v9, s23;
	[sflag:s13] =	ssyncset.done $0x0  }
0xd1: {  	v10 =	vadd.s32 s30, v0;
	[sflag:s13] =	ssyncadd.s32 $0xFFFFFF80  }
0xd2: {  	s31 =	sadd.s32 $0x40, s26;
	vm3 =	vlt.s32 v10, s23;
	[tilespmem:v7+s11+$0x0] =	vst.idx.msk vm0, v1  }
0xd3: {  	[tilespmem:v7+s12+$0x0] =	vst.idx.msk vm0, v2;
	v7 =	vadd.s32 s31, v0  }
0xd4: {  	s25 =	sadd.s32 $0x50, s26;
	[tilespmem:v8+s11+$0x0] =	vst.idx.msk vm1, v1;
	vm12 =	vlt.s32 v7, s23  }
0xd5: {  	[tilespmem:v8+s12+$0x0] =	vst.idx.msk vm1, v2;
	v8 =	vadd.s32 s25, v0  }
0xd6: {  	s28 =	sadd.s32 $0x60, s26;
	[tilespmem:v9+s11+$0x0] =	vst.idx.msk vm2, v1;
	vm13 =	vlt.s32 v8, s23  }
0xd7: {  	v62 =	vadd.s32 s28, v0;
	[tilespmem:v9+s12+$0x0] =	vst.idx.msk vm2, v2  }
0xd8: {  	s29 =	sadd.s32 $0x70, s26;
	vm14 =	vlt.s32 v62, s23;
	[tilespmem:v10+s11+$0x0] =	vst.idx.msk vm3, v1  }
0xd9: {  	v63 =	vadd.s32 s29, v0;
	[tilespmem:v10+s12+$0x0] =	vst.idx.msk vm3, v2  }
0xda: {  	vm15 =	vlt.s32 v63, s23;
	[tilespmem:v7+s11+$0x0] =	vst.idx.msk vm12, v1  }
0xdb: {  	[tilespmem:v7+s12+$0x0] =	vst.idx.msk vm12, v2  }
0xdc: {  	[tilespmem:v8+s11+$0x0] =	vst.idx.msk vm13, v1  }
0xdd: {  	[tilespmem:v8+s12+$0x0] =	vst.idx.msk vm13, v2  }
0xde: {  	[tilespmem:v62+s11+$0x0] =	vst.idx.msk vm14, v1  }
0xdf: {  	[tilespmem:v62+s12+$0x0] =	vst.idx.msk vm14, v2  }
0xe0: {  	[tilespmem:v63+s11+$0x0] =	vst.idx.msk vm15, v1  }
0xe1: {  	v7 =	vmov s26;
	[tilespmem:v63+s12+$0x0] =	vst.idx.msk vm15, v2  }
0xe2: {  	[tilespmem:$0x14000] =	vst v7  }
0xe3: {  	[hbm4b:s14+s10] =	stream.strided.scatter [tilespmem:s11], [sflag:$0x2], $0x4E80, s16, s10, $0x38;
	[tilespmem:$0x14300] =	vst v63  }
0xe4: {  	_ =	swait.ge [sflag:s9], $0x4E80  }
0xe5: {  	[sflag:s9] =	ssyncset.done $0x0  }
0xe6: {  	[sflag:s9] =	ssyncadd.s32 $0xFFFFB180  }
0xe7: {  	[hbm4b:s15+s10] =	stream.strided.scatter [tilespmem:s12], [sflag:$0x2], $0x4E80, s16, s10, $0x38;
	[tilespmem:$0x14300] =	vst v63  }
0xe8: {  	_ =	swait.ge [sflag:s9], $0x4E80  }
0xe9: {  	[sflag:s9] =	ssyncset.done $0x0  }
0xea: {  	[sflag:s9] =	ssyncadd.s32 $0xFFFFB180  }
0xeb: {  	[hbm4b:s17+s3] =	stream.linear.scatter [tilespmem:s18], [sflag:$0x2], $0x80, $0x38;
	[tilespmem:$0x14300] =	vst v63  }
0xec: {  	_ =	swait.ge [sflag:s9], $0x80  }
0xed: {  	s22 =	sadd.s32 $0x1, s22;
	s30 =	sshll.u32 s1, $0x6;
	[sflag:s9] =	ssyncset.done $0x0  }
0xee: {  	p0 =	sne.s32 s22, s7;
	s31 =	sshrl.u32 s4, $0x3;
	[sflag:s9] =	ssyncadd.s32 $0xFFFFFF80  }
.Ltmp1:
0xef: {  	s23 =	sor.u32 $0x1C02, s30;
	[bflag:$0x0] =	sbarrier.arrive $0xFFFF;
	(pc) =	sbr.rel @p0 .LBB2_1-.Ltmp1, $4  }
0xf0: {  	[hbm:s19@s20], [sflag:s23] =	dma.strided [spmem:s31@s21], $0x50, s13, $0x10   }
0xf1: {  	_ =	swait.ge [sflag:s9], $0x50  }
0xf2: {  	[sflag:s9] =	ssyncset.done $0x0  }
0xf3: {  	[sflag:s9] =	ssyncadd.s32 $0xFFFFFFB0  }
0xf4: {  	_ =	sfence.sel $0x180000  }
0xf5: {  	[bflag:$0x0] =	sbarrier.arrive $0xFFFF  }
0xf6: {  	p0 =	sne.s32 s1, $0x0;
	_ =	strace $0x90000047  }
0xf7: {  	s0 =	sadd.s32 @!p0 $0x100000, s0;
	[bflag:$0x2] =	sbarrier.arrive $0xFFFF  }
0xf8: {  	[sflag:s0] =	ssyncadd.tile.s32 @!p0 $0x1;
	_ =	shalt  }
.Lfunc_end2:
_tile_overlayer_lowered:
.L_overlay_start_2:
0xf9: {  	(tag) =	ssettag $0x2  }
0xfa: {  	s0 =	rddreg [dreg:$0x0];
	s2 =	stileid.u32  }
0xfb: {  	s1 =	rddreg [dreg:$0x1];
	p0 =	sne.s32 s2, $0x0  }
0xfc: {  	s3 =	rddreg [dreg:$0x2];
	[bflag:$0x3] =	sbarrier.arrive $0xFFFF;
	s2 =	simm.s32 @!p0 $0x1C02  }
0xfd: {  	[timem:s3], [sflag:s2] =	dma.local @!p0 [hbm:s0], s1  }
0xfe: {  	s0 =	simm.s32 @!p0 $0x2  }
0xff: {  	_ =	swait.ge @!p0 [sflag:s0], s1  }
0x100: {  	s1 =	ssub.s32 @!p0 $0x0, s1;
	[sflag:s0] =	ssyncset.done @!p0 $0x0  }
0x101: {  	[sflag:s0] =	ssyncadd.s32 @!p0 s1  }
0x102: {  	[bflag:$0x3] =	sbarrier.arrive $0xFFFF  }
0x103: {  	_ =	shalt  }

</sc_bundles>
